<compile_context>
chip_gen: v7x
topology: tpu7x:2x2x1
jax: 0.10.2.dev20260603
libtpu: 0.0.44.dev20260713+nightly
codegen_flags: <defaults>
</compile_context>

<pallas_src>
import functools

import jax
import jax.numpy as jnp
from jax import lax
from jax.experimental import pallas as pl
from jax.experimental.pallas import tpu as pltpu
from jax.experimental.pallas import tpu_sc as plsc

N = 10000
NP = 10240
E = 160000
EPAD = 163840
D = 256
H = 256
L = 3
EPS = 1e-5

NS = 16
ROWS_PER_TILE = NP // NS
CH = 80
AGG_CHUNKS = EPAD // (NS * CH)
DEG_CHUNKS = AGG_CHUNKS // 2

_MESH = plsc.VectorSubcoreMesh(core_axis_name="c", subcore_axis_name="s")


@functools.partial(
    pl.kernel,
    mesh=_MESH,
    out_type=jax.ShapeDtypeStruct((2, NP), jnp.float32),
    scratch_types=[
        pltpu.VMEM((DEG_CHUNKS, CH), jnp.int32),
        pltpu.VMEM((CH,), jnp.float32),
        pltpu.VMEM((ROWS_PER_TILE,), jnp.float32),
        pltpu.VMEM_SHARED((NP,), jnp.float32),
    ],
)
def _sc_degree(col_hbm, deg_hbm, colv, onesv, wbuf, shared):
    c = lax.axis_index("c")
    s = lax.axis_index("s")
    one = jnp.ones((16,), jnp.float32)
    zero = jnp.zeros((16,), jnp.float32)
    for j in range(CH // 16):
        onesv[pl.ds(16 * j, 16)] = one
    for j in range(ROWS_PER_TILE // 16):
        wbuf[pl.ds(16 * j, 16)] = zero
    base = s * ROWS_PER_TILE
    pltpu.sync_copy(wbuf, shared.at[pl.ds(base, ROWS_PER_TILE)])
    pltpu.sync_copy(col_hbm.at[s, pl.ds(c * DEG_CHUNKS, DEG_CHUNKS)], colv)
    plsc.subcore_barrier()

    def body(j, carry):
        pltpu.sync_copy(onesv, shared.at[colv.at[j]], add=True)
        return carry

    lax.fori_loop(0, DEG_CHUNKS, body, 0)
    plsc.subcore_barrier()
    pltpu.sync_copy(shared.at[pl.ds(base, ROWS_PER_TILE)], wbuf)
    pltpu.sync_copy(wbuf, deg_hbm.at[c, pl.ds(base, ROWS_PER_TILE)])


@functools.partial(
    pl.kernel,
    mesh=_MESH,
    out_type=jax.ShapeDtypeStruct((2, NP, 128), jnp.float32),
    scratch_types=[
        pltpu.VMEM((1, CH), jnp.int32),
        pltpu.VMEM((1, CH), jnp.int32),
        pltpu.VMEM((1, CH), jnp.int32),
        pltpu.VMEM((1, CH), jnp.int32),
        pltpu.VMEM((CH, 128), jnp.float32),
        pltpu.VMEM((CH, 128), jnp.float32),
        pltpu.VMEM_SHARED((NP, 128), jnp.float32),
        pltpu.SemaphoreType.DMA,
        pltpu.SemaphoreType.DMA,
        pltpu.SemaphoreType.DMA,
        pltpu.SemaphoreType.DMA,
        pltpu.SemaphoreType.DMA,
        pltpu.SemaphoreType.DMA,
    ],
)
def _sc_aggregate(hs_hbm, rowadj_hbm, col_hbm, agg_hbm, row0, row1, col0,
                  col1, gbuf0, gbuf1, shared, rs0, rs1, cs0, cs1, gs0, gs1):
    c = lax.axis_index("c")
    s = lax.axis_index("s")
    rows = (row0, row1)
    cols = (col0, col1)
    gbufs = (gbuf0, gbuf1)
    rsems = (rs0, rs1)
    csems = (cs0, cs1)
    gsems = (gs0, gs1)

    def row_start(j, b):
        pltpu.async_copy(rowadj_hbm.at[c, s, j], rows[b].at[0], rsems[b])

    def row_wait(b):
        pltpu.make_async_copy(rowadj_hbm.at[c, s, 0], rows[b].at[0],
                              rsems[b]).wait()

    def col_start(j, b):
        pltpu.async_copy(col_hbm.at[s, j], cols[b].at[0], csems[b])

    def col_wait(b):
        pltpu.make_async_copy(col_hbm.at[s, 0], cols[b].at[0],
                              csems[b]).wait()

    def gather_start(b):
        pltpu.async_copy(hs_hbm.at[rows[b].at[0]], gbufs[b], gsems[b])

    def gather_wait(b):
        pltpu.make_async_copy(hs_hbm.at[rows[b].at[0]], gbufs[b],
                              gsems[b]).wait()

    def scatter(b):
        pltpu.sync_copy(gbufs[b], shared.at[cols[b].at[0]], add=True)

    base = s * ROWS_PER_TILE
    row_start(0, 0)
    col_start(0, 0)
    row_start(1, 1)
    col_start(1, 1)
    pltpu.sync_copy(hs_hbm.at[pl.ds(c * NP + base, ROWS_PER_TILE)],
                    shared.at[pl.ds(base, ROWS_PER_TILE)])
    plsc.subcore_barrier()
    row_wait(0)
    gather_start(0)

    def body(g, carry):
        j0 = 2 * g
        row_wait(1)
        gather_start(1)
        gather_wait(0)
        row_start(jnp.minimum(j0 + 2, AGG_CHUNKS - 1), 0)
        col_wait(0)
        scatter(0)
        col_start(jnp.minimum(j0 + 2, AGG_CHUNKS - 1), 0)
        row_wait(0)
        gather_start(0)
        gather_wait(1)
        row_start(jnp.minimum(j0 + 3, AGG_CHUNKS - 1), 1)
        col_wait(1)
        scatter(1)
        col_start(jnp.minimum(j0 + 3, AGG_CHUNKS - 1), 1)
        return carry

    lax.fori_loop(0, AGG_CHUNKS // 2, body, 0)
    gather_wait(0)
    row_wait(1)
    col_wait(0)
    col_wait(1)
    plsc.subcore_barrier()
    pltpu.sync_copy(shared.at[pl.ds(base, ROWS_PER_TILE)],
                    agg_hbm.at[c, pl.ds(base, ROWS_PER_TILE)])


_BLK = 640
_GRID = NP // _BLK


def _tc_pre_body(x_ref, w_ref, dinv_ref, hs_ref):
    hl = jnp.dot(x_ref[...], w_ref[...], preferred_element_type=jnp.float32)
    hs = hl * dinv_ref[...]
    hs_ref[0] = hs[:, :128]
    hs_ref[1] = hs[:, 128:]


def _tc_pre(x, w, dinv_col):
    return pl.pallas_call(
        _tc_pre_body,
        grid=(_GRID,),
        in_specs=[
            pl.BlockSpec((_BLK, D), lambda i: (i, 0)),
            pl.BlockSpec((D, H), lambda i: (0, 0)),
            pl.BlockSpec((_BLK, 1), lambda i: (i, 0)),
        ],
        out_specs=pl.BlockSpec((2, _BLK, 128), lambda i: (0, i, 0)),
        out_shape=jax.ShapeDtypeStruct((2, NP, 128), jnp.float32),
    )(x, w, dinv_col)


def _tc_mid_body(agg_ref, dinv_ref, hprev_ref, a_ref, c_ref, w_ref,
                 h_ref, hs_ref):
    aggf = jnp.concatenate([agg_ref[0], agg_ref[1]], axis=1)
    t = aggf * dinv_ref[...]
    y = t * a_ref[...] + c_ref[...]
    h = jnp.maximum(y, 0.0) + hprev_ref[...]
    h_ref[...] = h
    hl = jnp.dot(h, w_ref[...], preferred_element_type=jnp.float32)
    hs = hl * dinv_ref[...]
    hs_ref[0] = hs[:, :128]
    hs_ref[1] = hs[:, 128:]


def _tc_mid(agg, dinv_col, hprev, a, c, w):
    return pl.pallas_call(
        _tc_mid_body,
        grid=(_GRID,),
        in_specs=[
            pl.BlockSpec((2, _BLK, 128), lambda i: (0, i, 0)),
            pl.BlockSpec((_BLK, 1), lambda i: (i, 0)),
            pl.BlockSpec((_BLK, H), lambda i: (i, 0)),
            pl.BlockSpec((1, H), lambda i: (0, 0)),
            pl.BlockSpec((1, H), lambda i: (0, 0)),
            pl.BlockSpec((H, H), lambda i: (0, 0)),
        ],
        out_specs=[
            pl.BlockSpec((_BLK, H), lambda i: (i, 0)),
            pl.BlockSpec((2, _BLK, 128), lambda i: (0, i, 0)),
        ],
        out_shape=[
            jax.ShapeDtypeStruct((NP, H), jnp.float32),
            jax.ShapeDtypeStruct((2, NP, 128), jnp.float32),
        ],
    )(agg, dinv_col, hprev, a, c, w)


def _tc_final_body(agg_ref, dinv_ref, h2_ref, a_ref, c_ref, h1_ref, wf_ref,
                   bf_ref, out_ref):
    aggf = jnp.concatenate([agg_ref[0], agg_ref[1]], axis=1)
    t = aggf * dinv_ref[...]
    y = t * a_ref[...] + c_ref[...]
    h2 = h2_ref[...]
    h3 = jnp.maximum(y, 0.0) + h2
    wf = wf_ref[...]
    out = jnp.dot(h1_ref[...], wf[:H], preferred_element_type=jnp.float32)
    out += jnp.dot(h2, wf[H:2 * H], preferred_element_type=jnp.float32)
    out += jnp.dot(h3, wf[2 * H:], preferred_element_type=jnp.float32)
    out_ref[...] = out + bf_ref[...]


def _tc_final(agg, dinv_col, h2, a, c, h1, wf, bf):
    return pl.pallas_call(
        _tc_final_body,
        grid=(_GRID,),
        in_specs=[
            pl.BlockSpec((2, _BLK, 128), lambda i: (0, i, 0)),
            pl.BlockSpec((_BLK, 1), lambda i: (i, 0)),
            pl.BlockSpec((_BLK, H), lambda i: (i, 0)),
            pl.BlockSpec((1, H), lambda i: (0, 0)),
            pl.BlockSpec((1, H), lambda i: (0, 0)),
            pl.BlockSpec((_BLK, H), lambda i: (i, 0)),
            pl.BlockSpec((L * H, H), lambda i: (0, 0)),
            pl.BlockSpec((1, H), lambda i: (0, 0)),
        ],
        out_specs=pl.BlockSpec((_BLK, H), lambda i: (i, 0)),
        out_shape=jax.ShapeDtypeStruct((N, H), jnp.float32),
    )(agg, dinv_col, h2, a, c, h1, wf, bf)


def kernel(x, edge_index, W0, W1, W2, b0, b1, b2, g0, g1, g2, be0, be1, be2,
           rm0, rm1, rm2, rv0, rv1, rv2, Wf, bf):
    row = edge_index[0].astype(jnp.int32)
    col = edge_index[1].astype(jnp.int32)

    padn = EPAD - E
    padidx = (N + (jnp.arange(padn, dtype=jnp.int32) % (NP - N)))
    row_p = jnp.concatenate([row, padidx])
    col_p = jnp.concatenate([col, padidx])
    col3d = col_p.reshape(NS, AGG_CHUNKS, CH)
    row3d = row_p.reshape(NS, AGG_CHUNKS, CH)
    rowadj = jnp.stack([row3d, row3d + NP])

    x_pad = jnp.concatenate(
        [x, jnp.zeros((NP - N, D), jnp.float32)], axis=0)

    deg_part = _sc_degree(col3d)
    dinv_col = lax.rsqrt(deg_part[0] + deg_part[1] + 1.0)[:, None]

    as_, cs_ = [], []
    for g, rv, rm, be, b in ((g0, rv0, rm0, be0, b0),
                             (g1, rv1, rm1, be1, b1),
                             (g2, rv2, rm2, be2, b2)):
        p = g * lax.rsqrt(rv + EPS)
        as_.append(p[None, :])
        cs_.append((b * p + be - rm * p)[None, :])

    hs = _tc_pre(x_pad, W0, dinv_col)
    hs_flat = hs.reshape(2 * NP, 128)
    agg0 = _sc_aggregate(hs_flat, rowadj, col3d)
    h1, hs1 = _tc_mid(agg0, dinv_col, x_pad, as_[0], cs_[0], W1)
    agg1 = _sc_aggregate(hs1.reshape(2 * NP, 128), rowadj, col3d)
    h2, hs2 = _tc_mid(agg1, dinv_col, h1, as_[1], cs_[1], W2)
    agg2 = _sc_aggregate(hs2.reshape(2 * NP, 128), rowadj, col3d)
    return _tc_final(agg2, dinv_col, h2, as_[2], cs_[2], h1, Wf, bf[None, :])

# --- scband reference (transcript-rebuilt; emitter-appended) ---
"""Pipeline reference for scband-gcn-advanced-64510408786078 (READ-ONLY COPY).

The authoritative reference and input builder live on the scoring server;
editing this copy changes nothing except your own understanding.
"""

import jax, jax.numpy as jnp
import numpy as np

N = 10000
E = 160000
D = 256
H = 256
L = 3
EPS = 1e-5


def setup_inputs(seed: int = 0):
    key = jax.random.key(seed)
    ks = jax.random.split(key, 16)
    inp = {}
    inp["x"] = jax.random.normal(ks[0], (N, D), dtype=jnp.float32)
    inp["edge_index"] = jax.random.randint(ks[1], (2, E), 0, N, dtype=jnp.int32)
    # GCNConv layer params (PyG: lin weight + separate bias)
    inp["W0"] = jax.random.normal(ks[2], (D, H), dtype=jnp.float32) * 0.05
    inp["W1"] = jax.random.normal(ks[3], (H, H), dtype=jnp.float32) * 0.05
    inp["W2"] = jax.random.normal(ks[4], (H, H), dtype=jnp.float32) * 0.05
    inp["b0"] = jnp.zeros((H,), dtype=jnp.float32)
    inp["b1"] = jnp.zeros((H,), dtype=jnp.float32)
    inp["b2"] = jnp.zeros((H,), dtype=jnp.float32)
    # BatchNorm params + running stats (eval mode)
    for i in range(L):
        inp[f"g{i}"] = jnp.ones((H,), dtype=jnp.float32)
        inp[f"be{i}"] = jnp.zeros((H,), dtype=jnp.float32)
        inp[f"rm{i}"] = jnp.zeros((H,), dtype=jnp.float32)
        inp[f"rv{i}"] = jnp.ones((H,), dtype=jnp.float32)
    # final linear after JK cat: (L*H) -> H
    inp["Wf"] = jax.random.normal(ks[5], (L * H, H), dtype=jnp.float32) * 0.05
    inp["bf"] = jnp.zeros((H,), dtype=jnp.float32)
    return inp


def _gcn_norm(edge_index, num_nodes):
    # add self loops + symmetric normalization, as in PyG gcn_norm
    loop = jnp.arange(num_nodes, dtype=edge_index.dtype)
    row = jnp.concatenate([edge_index[0], loop])
    col = jnp.concatenate([edge_index[1], loop])
    w = jnp.ones(row.shape[0], dtype=jnp.float32)
    deg = jax.ops.segment_sum(w, col, num_segments=num_nodes)
    dinv = jnp.where(deg > 0, 1.0 / jnp.sqrt(deg), 0.0)
    norm = dinv[row] * w * dinv[col]
    return row, col, norm


def _gcn_conv(h, W, b, row, col, norm, num_nodes):
    hl = h @ W
    msg = hl[row] * norm[:, None]
    out = jax.ops.segment_sum(msg, col, num_segments=num_nodes)
    return out + b


def reference(x, edge_index, W0, W1, W2, b0, b1, b2, g0, g1, g2, be0, be1, be2, rm0, rm1, rm2, rv0, rv1, rv2, Wf, bf):
    row, col, norm = _gcn_norm(edge_index, N)
    Ws = [W0, W1, W2]
    bs = [b0, b1, b2]
    gs = [g0, g1, g2]
    bes = [be0, be1, be2]
    rms = [rm0, rm1, rm2]
    rvs = [rv0, rv1, rv2]
    xs = []
    h = x
    for i in range(L):
        h_prev = h
        h = _gcn_conv(h, Ws[i], bs[i], row, col, norm, N)
        # BatchNorm1d in eval mode (running stats)
        h = (h - rms[i]) / jnp.sqrt(rvs[i] + EPS) * gs[i] + bes[i]
        h = jax.nn.relu(h)
        if h.shape == h_prev.shape:
            h = h + h_prev
        # dropout is identity in eval mode
        xs.append(h)
    hcat = jnp.concatenate(xs, axis=-1)  # JumpingKnowledge 'cat'
    out = hcat @ Wf + bf
    return out

if __name__ == "__main__":
    import jax
    _d = setup_inputs()
    print(jax.jit(kernel)(*tuple(_d.values())))

</pallas_src>

<mosaic_0001>
#map = affine_map<(d0, d1) -> (0, 0, 0)>
#map1 = affine_map<(d0, d1) -> (0, 0)>
module attributes {stable_mosaic.version = 14 : i64} {
  func.func @_sc_degree(%arg0: i32, %arg1: i32, %arg2: memref<16x128x80xi32, #tpu.memory_space<hbm>>, %arg3: memref<2x10240xf32, #tpu.memory_space<hbm>>, %arg4: memref<64x80xi32, #tpu.memory_space<vmem>>, %arg5: memref<80xf32, #tpu.memory_space<vmem>>, %arg6: memref<640xf32, #tpu.memory_space<vmem>>, %arg7: memref<10240xf32, #tpu.memory_space<vmem_shared>>) attributes {dimension_semantics = [#tpu.dimension_semantics<core_parallel>, #tpu.dimension_semantics<subcore_parallel>], iteration_bounds = array<i64: 2, 16>, scalar_prefetch = 0 : i64, scratch_operands = 4 : i64, tpu.core_type = #tpu.core_type<sc_vector_subcore>, window_params = [{transform_indices = #map}, {transform_indices = #map1}]} {
    %broadcast_in_dim3A = arith.constant 1.000000e+00 : f32
    %broadcast_in_dim3A_0 = vector.broadcast %broadcast_in_dim3A : f32 to vector<16xf32>
    %broadcast_in_dim3A_1 = arith.constant 0.000000e+00 : f32
    %broadcast_in_dim3A_2 = vector.broadcast %broadcast_in_dim3A_1 : f32 to vector<16xf32>
    %swap3A = arith.constant 0 : index
    %swap3A_3 = tpu.vector_load %arg5[%swap3A] {strides = array<i32>} : memref<80xf32, #tpu.memory_space<vmem>>, vector<16xf32>,
    %swap3A_4 = vector.shape_cast %swap3A_3 : vector<16xf32> to vector<16xf32>
    %swap3A_5 = vector.shape_cast %broadcast_in_dim3A_0 : vector<16xf32> to vector<16xf32>
    tpu.vector_store %arg5[%swap3A], %swap3A_5 {strides = array<i32>} : memref<80xf32, #tpu.memory_space<vmem>>, vector<16xf32>,
    %swap3A_6 = arith.constant 16 : index
    %swap3A_7 = tpu.vector_load %arg5[%swap3A_6] {strides = array<i32>} : memref<80xf32, #tpu.memory_space<vmem>>, vector<16xf32>,
    %swap3A_8 = vector.shape_cast %swap3A_7 : vector<16xf32> to vector<16xf32>
    %swap3A_9 = vector.shape_cast %broadcast_in_dim3A_0 : vector<16xf32> to vector<16xf32>
    tpu.vector_store %arg5[%swap3A_6], %swap3A_9 {strides = array<i32>} : memref<80xf32, #tpu.memory_space<vmem>>, vector<16xf32>,
    %swap3A_10 = arith.constant 32 : index
    %swap3A_11 = tpu.vector_load %arg5[%swap3A_10] {strides = array<i32>} : memref<80xf32, #tpu.memory_space<vmem>>, vector<16xf32>,
    %swap3A_12 = vector.shape_cast %swap3A_11 : vector<16xf32> to vector<16xf32>
    %swap3A_13 = vector.shape_cast %broadcast_in_dim3A_0 : vector<16xf32> to vector<16xf32>
    tpu.vector_store %arg5[%swap3A_10], %swap3A_13 {strides = array<i32>} : memref<80xf32, #tpu.memory_space<vmem>>, vector<16xf32>,
    %swap3A_14 = arith.constant 48 : index
    %swap3A_15 = tpu.vector_load %arg5[%swap3A_14] {strides = array<i32>} : memref<80xf32, #tpu.memory_space<vmem>>, vector<16xf32>,
    %swap3A_16 = vector.shape_cast %swap3A_15 : vector<16xf32> to vector<16xf32>
    %swap3A_17 = vector.shape_cast %broadcast_in_dim3A_0 : vector<16xf32> to vector<16xf32>
    tpu.vector_store %arg5[%swap3A_14], %swap3A_17 {strides = array<i32>} : memref<80xf32, #tpu.memory_space<vmem>>, vector<16xf32>,
    %swap3A_18 = arith.constant 64 : index
    %swap3A_19 = tpu.vector_load %arg5[%swap3A_18] {strides = array<i32>} : memref<80xf32, #tpu.memory_space<vmem>>, vector<16xf32>,
    %swap3A_20 = vector.shape_cast %swap3A_19 : vector<16xf32> to vector<16xf32>
    %swap3A_21 = vector.shape_cast %broadcast_in_dim3A_0 : vector<16xf32> to vector<16xf32>
    tpu.vector_store %arg5[%swap3A_18], %swap3A_21 {strides = array<i32>} : memref<80xf32, #tpu.memory_space<vmem>>, vector<16xf32>,
    %swap3A_22 = arith.constant 0 : index
    %swap3A_23 = tpu.vector_load %arg6[%swap3A_22] {strides = array<i32>} : memref<640xf32, #tpu.memory_space<vmem>>, vector<16xf32>,
    %swap3A_24 = vector.shape_cast %swap3A_23 : vector<16xf32> to vector<16xf32>
    %swap3A_25 = vector.shape_cast %broadcast_in_dim3A_2 : vector<16xf32> to vector<16xf32>
    tpu.vector_store %arg6[%swap3A_22], %swap3A_25 {strides = array<i32>} : memref<640xf32, #tpu.memory_space<vmem>>, vector<16xf32>,
    %swap3A_26 = arith.constant 16 : index
    %swap3A_27 = tpu.vector_load %arg6[%swap3A_26] {strides = array<i32>} : memref<640xf32, #tpu.memory_space<vmem>>, vector<16xf32>,
    %swap3A_28 = vector.shape_cast %swap3A_27 : vector<16xf32> to vector<16xf32>
    %swap3A_29 = vector.shape_cast %broadcast_in_dim3A_2 : vector<16xf32> to vector<16xf32>
    tpu.vector_store %arg6[%swap3A_26], %swap3A_29 {strides = array<i32>} : memref<640xf32, #tpu.memory_space<vmem>>, vector<16xf32>,
    %swap3A_30 = arith.constant 32 : index
    %swap3A_31 = tpu.vector_load %arg6[%swap3A_30] {strides = array<i32>} : memref<640xf32, #tpu.memory_space<vmem>>, vector<16xf32>,
    %swap3A_32 = vector.shape_cast %swap3A_31 : vector<16xf32> to vector<16xf32>
    %swap3A_33 = vector.shape_cast %broadcast_in_dim3A_2 : vector<16xf32> to vector<16xf32>
    tpu.vector_store %arg6[%swap3A_30], %swap3A_33 {strides = array<i32>} : memref<640xf32, #tpu.memory_space<vmem>>, vector<16xf32>,
    %swap3A_34 = arith.constant 48 : index
    %swap3A_35 = tpu.vector_load %arg6[%swap3A_34] {strides = array<i32>} : memref<640xf32, #tpu.memory_space<vmem>>, vector<16xf32>,
    %swap3A_36 = vector.shape_cast %swap3A_35 : vector<16xf32> to vector<16xf32>
    %swap3A_37 = vector.shape_cast %broadcast_in_dim3A_2 : vector<16xf32> to vector<16xf32>
    tpu.vector_store %arg6[%swap3A_34], %swap3A_37 {strides = array<i32>} : memref<640xf32, #tpu.memory_space<vmem>>, vector<16xf32>,
    %swap3A_38 = arith.constant 64 : index
    %swap3A_39 = tpu.vector_load %arg6[%swap3A_38] {strides = array<i32>} : memref<640xf32, #tpu.memory_space<vmem>>, vector<16xf32>,
    %swap3A_40 = vector.shape_cast %swap3A_39 : vector<16xf32> to vector<16xf32>
    %swap3A_41 = vector.shape_cast %broadcast_in_dim3A_2 : vector<16xf32> to vector<16xf32>
    tpu.vector_store %arg6[%swap3A_38], %swap3A_41 {strides = array<i32>} : memref<640xf32, #tpu.memory_space<vmem>>, vector<16xf32>,
    %swap3A_42 = arith.constant 80 : index
    %swap3A_43 = tpu.vector_load %arg6[%swap3A_42] {strides = array<i32>} : memref<640xf32, #tpu.memory_space<vmem>>, vector<16xf32>,
    %swap3A_44 = vector.shape_cast %swap3A_43 : vector<16xf32> to vector<16xf32>
    %swap3A_45 = vector.shape_cast %broadcast_in_dim3A_2 : vector<16xf32> to vector<16xf32>
    tpu.vector_store %arg6[%swap3A_42], %swap3A_45 {strides = array<i32>} : memref<640xf32, #tpu.memory_space<vmem>>, vector<16xf32>,
    %swap3A_46 = arith.constant 96 : index
    %swap3A_47 = tpu.vector_load %arg6[%swap3A_46] {strides = array<i32>} : memref<640xf32, #tpu.memory_space<vmem>>, vector<16xf32>,
    %swap3A_48 = vector.shape_cast %swap3A_47 : vector<16xf32> to vector<16xf32>
    %swap3A_49 = vector.shape_cast %broadcast_in_dim3A_2 : vector<16xf32> to vector<16xf32>
    tpu.vector_store %arg6[%swap3A_46], %swap3A_49 {strides = array<i32>} : memref<640xf32, #tpu.memory_space<vmem>>, vector<16xf32>,
    %swap3A_50 = arith.constant 112 : index
    %swap3A_51 = tpu.vector_load %arg6[%swap3A_50] {strides = array<i32>} : memref<640xf32, #tpu.memory_space<vmem>>, vector<16xf32>,
    %swap3A_52 = vector.shape_cast %swap3A_51 : vector<16xf32> to vector<16xf32>
    %swap3A_53 = vector.shape_cast %broadcast_in_dim3A_2 : vector<16xf32> to vector<16xf32>
    tpu.vector_store %arg6[%swap3A_50], %swap3A_53 {strides = array<i32>} : memref<640xf32, #tpu.memory_space<vmem>>, vector<16xf32>,
    %swap3A_54 = arith.constant 128 : index
    %swap3A_55 = tpu.vector_load %arg6[%swap3A_54] {strides = array<i32>} : memref<640xf32, #tpu.memory_space<vmem>>, vector<16xf32>,
    %swap3A_56 = vector.shape_cast %swap3A_55 : vector<16xf32> to vector<16xf32>
    %swap3A_57 = vector.shape_cast %broadcast_in_dim3A_2 : vector<16xf32> to vector<16xf32>
    tpu.vector_store %arg6[%swap3A_54], %swap3A_57 {strides = array<i32>} : memref<640xf32, #tpu.memory_space<vmem>>, vector<16xf32>,
    %swap3A_58 = arith.constant 144 : index
    %swap3A_59 = tpu.vector_load %arg6[%swap3A_58] {strides = array<i32>} : memref<640xf32, #tpu.memory_space<vmem>>, vector<16xf32>,
    %swap3A_60 = vector.shape_cast %swap3A_59 : vector<16xf32> to vector<16xf32>
    %swap3A_61 = vector.shape_cast %broadcast_in_dim3A_2 : vector<16xf32> to vector<16xf32>
    tpu.vector_store %arg6[%swap3A_58], %swap3A_61 {strides = array<i32>} : memref<640xf32, #tpu.memory_space<vmem>>, vector<16xf32>,
    %swap3A_62 = arith.constant 160 : index
    %swap3A_63 = tpu.vector_load %arg6[%swap3A_62] {strides = array<i32>} : memref<640xf32, #tpu.memory_space<vmem>>, vector<16xf32>,
    %swap3A_64 = vector.shape_cast %swap3A_63 : vector<16xf32> to vector<16xf32>
    %swap3A_65 = vector.shape_cast %broadcast_in_dim3A_2 : vector<16xf32> to vector<16xf32>
    tpu.vector_store %arg6[%swap3A_62], %swap3A_65 {strides = array<i32>} : memref<640xf32, #tpu.memory_space<vmem>>, vector<16xf32>,
    %swap3A_66 = arith.constant 176 : index
    %swap3A_67 = tpu.vector_load %arg6[%swap3A_66] {strides = array<i32>} : memref<640xf32, #tpu.memory_space<vmem>>, vector<16xf32>,
    %swap3A_68 = vector.shape_cast %swap3A_67 : vector<16xf32> to vector<16xf32>
    %swap3A_69 = vector.shape_cast %broadcast_in_dim3A_2 : vector<16xf32> to vector<16xf32>
    tpu.vector_store %arg6[%swap3A_66], %swap3A_69 {strides = array<i32>} : memref<640xf32, #tpu.memory_space<vmem>>, vector<16xf32>,
    %swap3A_70 = arith.constant 192 : index
    %swap3A_71 = tpu.vector_load %arg6[%swap3A_70] {strides = array<i32>} : memref<640xf32, #tpu.memory_space<vmem>>, vector<16xf32>,
    %swap3A_72 = vector.shape_cast %swap3A_71 : vector<16xf32> to vector<16xf32>
    %swap3A_73 = vector.shape_cast %broadcast_in_dim3A_2 : vector<16xf32> to vector<16xf32>
    tpu.vector_store %arg6[%swap3A_70], %swap3A_73 {strides = array<i32>} : memref<640xf32, #tpu.memory_space<vmem>>, vector<16xf32>,
    %swap3A_74 = arith.constant 208 : index
    %swap3A_75 = tpu.vector_load %arg6[%swap3A_74] {strides = array<i32>} : memref<640xf32, #tpu.memory_space<vmem>>, vector<16xf32>,
    %swap3A_76 = vector.shape_cast %swap3A_75 : vector<16xf32> to vector<16xf32>
    %swap3A_77 = vector.shape_cast %broadcast_in_dim3A_2 : vector<16xf32> to vector<16xf32>
    tpu.vector_store %arg6[%swap3A_74], %swap3A_77 {strides = array<i32>} : memref<640xf32, #tpu.memory_space<vmem>>, vector<16xf32>,
    %swap3A_78 = arith.constant 224 : index
    %swap3A_79 = tpu.vector_load %arg6[%swap3A_78] {strides = array<i32>} : memref<640xf32, #tpu.memory_space<vmem>>, vector<16xf32>,
    %swap3A_80 = vector.shape_cast %swap3A_79 : vector<16xf32> to vector<16xf32>
    %swap3A_81 = vector.shape_cast %broadcast_in_dim3A_2 : vector<16xf32> to vector<16xf32>
    tpu.vector_store %arg6[%swap3A_78], %swap3A_81 {strides = array<i32>} : memref<640xf32, #tpu.memory_space<vmem>>, vector<16xf32>,
    %swap3A_82 = arith.constant 240 : index
    %swap3A_83 = tpu.vector_load %arg6[%swap3A_82] {strides = array<i32>} : memref<640xf32, #tpu.memory_space<vmem>>, vector<16xf32>,
    %swap3A_84 = vector.shape_cast %swap3A_83 : vector<16xf32> to vector<16xf32>
    %swap3A_85 = vector.shape_cast %broadcast_in_dim3A_2 : vector<16xf32> to vector<16xf32>
    tpu.vector_store %arg6[%swap3A_82], %swap3A_85 {strides = array<i32>} : memref<640xf32, #tpu.memory_space<vmem>>, vector<16xf32>,
    %swap3A_86 = arith.constant 256 : index
    %swap3A_87 = tpu.vector_load %arg6[%swap3A_86] {strides = array<i32>} : memref<640xf32, #tpu.memory_space<vmem>>, vector<16xf32>,
    %swap3A_88 = vector.shape_cast %swap3A_87 : vector<16xf32> to vector<16xf32>
    %swap3A_89 = vector.shape_cast %broadcast_in_dim3A_2 : vector<16xf32> to vector<16xf32>
    tpu.vector_store %arg6[%swap3A_86], %swap3A_89 {strides = array<i32>} : memref<640xf32, #tpu.memory_space<vmem>>, vector<16xf32>,
    %swap3A_90 = arith.constant 272 : index
    %swap3A_91 = tpu.vector_load %arg6[%swap3A_90] {strides = array<i32>} : memref<640xf32, #tpu.memory_space<vmem>>, vector<16xf32>,
    %swap3A_92 = vector.shape_cast %swap3A_91 : vector<16xf32> to vector<16xf32>
    %swap3A_93 = vector.shape_cast %broadcast_in_dim3A_2 : vector<16xf32> to vector<16xf32>
    tpu.vector_store %arg6[%swap3A_90], %swap3A_93 {strides = array<i32>} : memref<640xf32, #tpu.memory_space<vmem>>, vector<16xf32>,
    %swap3A_94 = arith.constant 288 : index
    %swap3A_95 = tpu.vector_load %arg6[%swap3A_94] {strides = array<i32>} : memref<640xf32, #tpu.memory_space<vmem>>, vector<16xf32>,
    %swap3A_96 = vector.shape_cast %swap3A_95 : vector<16xf32> to vector<16xf32>
    %swap3A_97 = vector.shape_cast %broadcast_in_dim3A_2 : vector<16xf32> to vector<16xf32>
    tpu.vector_store %arg6[%swap3A_94], %swap3A_97 {strides = array<i32>} : memref<640xf32, #tpu.memory_space<vmem>>, vector<16xf32>,
    %swap3A_98 = arith.constant 304 : index
    %swap3A_99 = tpu.vector_load %arg6[%swap3A_98] {strides = array<i32>} : memref<640xf32, #tpu.memory_space<vmem>>, vector<16xf32>,
    %swap3A_100 = vector.shape_cast %swap3A_99 : vector<16xf32> to vector<16xf32>
    %swap3A_101 = vector.shape_cast %broadcast_in_dim3A_2 : vector<16xf32> to vector<16xf32>
    tpu.vector_store %arg6[%swap3A_98], %swap3A_101 {strides = array<i32>} : memref<640xf32, #tpu.memory_space<vmem>>, vector<16xf32>,
    %swap3A_102 = arith.constant 320 : index
    %swap3A_103 = tpu.vector_load %arg6[%swap3A_102] {strides = array<i32>} : memref<640xf32, #tpu.memory_space<vmem>>, vector<16xf32>,
    %swap3A_104 = vector.shape_cast %swap3A_103 : vector<16xf32> to vector<16xf32>
    %swap3A_105 = vector.shape_cast %broadcast_in_dim3A_2 : vector<16xf32> to vector<16xf32>
    tpu.vector_store %arg6[%swap3A_102], %swap3A_105 {strides = array<i32>} : memref<640xf32, #tpu.memory_space<vmem>>, vector<16xf32>,
    %swap3A_106 = arith.constant 336 : index
    %swap3A_107 = tpu.vector_load %arg6[%swap3A_106] {strides = array<i32>} : memref<640xf32, #tpu.memory_space<vmem>>, vector<16xf32>,
    %swap3A_108 = vector.shape_cast %swap3A_107 : vector<16xf32> to vector<16xf32>
    %swap3A_109 = vector.shape_cast %broadcast_in_dim3A_2 : vector<16xf32> to vector<16xf32>
    tpu.vector_store %arg6[%swap3A_106], %swap3A_109 {strides = array<i32>} : memref<640xf32, #tpu.memory_space<vmem>>, vector<16xf32>,
    %swap3A_110 = arith.constant 352 : index
    %swap3A_111 = tpu.vector_load %arg6[%swap3A_110] {strides = array<i32>} : memref<640xf32, #tpu.memory_space<vmem>>, vector<16xf32>,
    %swap3A_112 = vector.shape_cast %swap3A_111 : vector<16xf32> to vector<16xf32>
    %swap3A_113 = vector.shape_cast %broadcast_in_dim3A_2 : vector<16xf32> to vector<16xf32>
    tpu.vector_store %arg6[%swap3A_110], %swap3A_113 {strides = array<i32>} : memref<640xf32, #tpu.memory_space<vmem>>, vector<16xf32>,
    %swap3A_114 = arith.constant 368 : index
    %swap3A_115 = tpu.vector_load %arg6[%swap3A_114] {strides = array<i32>} : memref<640xf32, #tpu.memory_space<vmem>>, vector<16xf32>,
    %swap3A_116 = vector.shape_cast %swap3A_115 : vector<16xf32> to vector<16xf32>
    %swap3A_117 = vector.shape_cast %broadcast_in_dim3A_2 : vector<16xf32> to vector<16xf32>
    tpu.vector_store %arg6[%swap3A_114], %swap3A_117 {strides = array<i32>} : memref<640xf32, #tpu.memory_space<vmem>>, vector<16xf32>,
    %swap3A_118 = arith.constant 384 : index
    %swap3A_119 = tpu.vector_load %arg6[%swap3A_118] {strides = array<i32>} : memref<640xf32, #tpu.memory_space<vmem>>, vector<16xf32>,
    %swap3A_120 = vector.shape_cast %swap3A_119 : vector<16xf32> to vector<16xf32>
    %swap3A_121 = vector.shape_cast %broadcast_in_dim3A_2 : vector<16xf32> to vector<16xf32>
    tpu.vector_store %arg6[%swap3A_118], %swap3A_121 {strides = array<i32>} : memref<640xf32, #tpu.memory_space<vmem>>, vector<16xf32>,
    %swap3A_122 = arith.constant 400 : index
    %swap3A_123 = tpu.vector_load %arg6[%swap3A_122] {strides = array<i32>} : memref<640xf32, #tpu.memory_space<vmem>>, vector<16xf32>,
    %swap3A_124 = vector.shape_cast %swap3A_123 : vector<16xf32> to vector<16xf32>
    %swap3A_125 = vector.shape_cast %broadcast_in_dim3A_2 : vector<16xf32> to vector<16xf32>
    tpu.vector_store %arg6[%swap3A_122], %swap3A_125 {strides = array<i32>} : memref<640xf32, #tpu.memory_space<vmem>>, vector<16xf32>,
    %swap3A_126 = arith.constant 416 : index
    %swap3A_127 = tpu.vector_load %arg6[%swap3A_126] {strides = array<i32>} : memref<640xf32, #tpu.memory_space<vmem>>, vector<16xf32>,
    %swap3A_128 = vector.shape_cast %swap3A_127 : vector<16xf32> to vector<16xf32>
    %swap3A_129 = vector.shape_cast %broadcast_in_dim3A_2 : vector<16xf32> to vector<16xf32>
    tpu.vector_store %arg6[%swap3A_126], %swap3A_129 {strides = array<i32>} : memref<640xf32, #tpu.memory_space<vmem>>, vector<16xf32>,
    %swap3A_130 = arith.constant 432 : index
    %swap3A_131 = tpu.vector_load %arg6[%swap3A_130] {strides = array<i32>} : memref<640xf32, #tpu.memory_space<vmem>>, vector<16xf32>,
    %swap3A_132 = vector.shape_cast %swap3A_131 : vector<16xf32> to vector<16xf32>
    %swap3A_133 = vector.shape_cast %broadcast_in_dim3A_2 : vector<16xf32> to vector<16xf32>
    tpu.vector_store %arg6[%swap3A_130], %swap3A_133 {strides = array<i32>} : memref<640xf32, #tpu.memory_space<vmem>>, vector<16xf32>,
    %swap3A_134 = arith.constant 448 : index
    %swap3A_135 = tpu.vector_load %arg6[%swap3A_134] {strides = array<i32>} : memref<640xf32, #tpu.memory_space<vmem>>, vector<16xf32>,
    %swap3A_136 = vector.shape_cast %swap3A_135 : vector<16xf32> to vector<16xf32>
    %swap3A_137 = vector.shape_cast %broadcast_in_dim3A_2 : vector<16xf32> to vector<16xf32>
    tpu.vector_store %arg6[%swap3A_134], %swap3A_137 {strides = array<i32>} : memref<640xf32, #tpu.memory_space<vmem>>, vector<16xf32>,
    %swap3A_138 = arith.constant 464 : index
    %swap3A_139 = tpu.vector_load %arg6[%swap3A_138] {strides = array<i32>} : memref<640xf32, #tpu.memory_space<vmem>>, vector<16xf32>,
    %swap3A_140 = vector.shape_cast %swap3A_139 : vector<16xf32> to vector<16xf32>
    %swap3A_141 = vector.shape_cast %broadcast_in_dim3A_2 : vector<16xf32> to vector<16xf32>
    tpu.vector_store %arg6[%swap3A_138], %swap3A_141 {strides = array<i32>} : memref<640xf32, #tpu.memory_space<vmem>>, vector<16xf32>,
    %swap3A_142 = arith.constant 480 : index
    %swap3A_143 = tpu.vector_load %arg6[%swap3A_142] {strides = array<i32>} : memref<640xf32, #tpu.memory_space<vmem>>, vector<16xf32>,
    %swap3A_144 = vector.shape_cast %swap3A_143 : vector<16xf32> to vector<16xf32>
    %swap3A_145 = vector.shape_cast %broadcast_in_dim3A_2 : vector<16xf32> to vector<16xf32>
    tpu.vector_store %arg6[%swap3A_142], %swap3A_145 {strides = array<i32>} : memref<640xf32, #tpu.memory_space<vmem>>, vector<16xf32>,
    %swap3A_146 = arith.constant 496 : index
    %swap3A_147 = tpu.vector_load %arg6[%swap3A_146] {strides = array<i32>} : memref<640xf32, #tpu.memory_space<vmem>>, vector<16xf32>,
    %swap3A_148 = vector.shape_cast %swap3A_147 : vector<16xf32> to vector<16xf32>
    %swap3A_149 = vector.shape_cast %broadcast_in_dim3A_2 : vector<16xf32> to vector<16xf32>
    tpu.vector_store %arg6[%swap3A_146], %swap3A_149 {strides = array<i32>} : memref<640xf32, #tpu.memory_space<vmem>>, vector<16xf32>,
    %swap3A_150 = arith.constant 512 : index
    %swap3A_151 = tpu.vector_load %arg6[%swap3A_150] {strides = array<i32>} : memref<640xf32, #tpu.memory_space<vmem>>, vector<16xf32>,
    %swap3A_152 = vector.shape_cast %swap3A_151 : vector<16xf32> to vector<16xf32>
    %swap3A_153 = vector.shape_cast %broadcast_in_dim3A_2 : vector<16xf32> to vector<16xf32>
    tpu.vector_store %arg6[%swap3A_150], %swap3A_153 {strides = array<i32>} : memref<640xf32, #tpu.memory_space<vmem>>, vector<16xf32>,
    %swap3A_154 = arith.constant 528 : index
    %swap3A_155 = tpu.vector_load %arg6[%swap3A_154] {strides = array<i32>} : memref<640xf32, #tpu.memory_space<vmem>>, vector<16xf32>,
    %swap3A_156 = vector.shape_cast %swap3A_155 : vector<16xf32> to vector<16xf32>
    %swap3A_157 = vector.shape_cast %broadcast_in_dim3A_2 : vector<16xf32> to vector<16xf32>
    tpu.vector_store %arg6[%swap3A_154], %swap3A_157 {strides = array<i32>} : memref<640xf32, #tpu.memory_space<vmem>>, vector<16xf32>,
    %swap3A_158 = arith.constant 544 : index
    %swap3A_159 = tpu.vector_load %arg6[%swap3A_158] {strides = array<i32>} : memref<640xf32, #tpu.memory_space<vmem>>, vector<16xf32>,
    %swap3A_160 = vector.shape_cast %swap3A_159 : vector<16xf32> to vector<16xf32>
    %swap3A_161 = vector.shape_cast %broadcast_in_dim3A_2 : vector<16xf32> to vector<16xf32>
    tpu.vector_store %arg6[%swap3A_158], %swap3A_161 {strides = array<i32>} : memref<640xf32, #tpu.memory_space<vmem>>, vector<16xf32>,
    %swap3A_162 = arith.constant 560 : index
    %swap3A_163 = tpu.vector_load %arg6[%swap3A_162] {strides = array<i32>} : memref<640xf32, #tpu.memory_space<vmem>>, vector<16xf32>,
    %swap3A_164 = vector.shape_cast %swap3A_163 : vector<16xf32> to vector<16xf32>
    %swap3A_165 = vector.shape_cast %broadcast_in_dim3A_2 : vector<16xf32> to vector<16xf32>
    tpu.vector_store %arg6[%swap3A_162], %swap3A_165 {strides = array<i32>} : memref<640xf32, #tpu.memory_space<vmem>>, vector<16xf32>,
    %swap3A_166 = arith.constant 576 : index
    %swap3A_167 = tpu.vector_load %arg6[%swap3A_166] {strides = array<i32>} : memref<640xf32, #tpu.memory_space<vmem>>, vector<16xf32>,
    %swap3A_168 = vector.shape_cast %swap3A_167 : vector<16xf32> to vector<16xf32>
    %swap3A_169 = vector.shape_cast %broadcast_in_dim3A_2 : vector<16xf32> to vector<16xf32>
    tpu.vector_store %arg6[%swap3A_166], %swap3A_169 {strides = array<i32>} : memref<640xf32, #tpu.memory_space<vmem>>, vector<16xf32>,
    %swap3A_170 = arith.constant 592 : index
    %swap3A_171 = tpu.vector_load %arg6[%swap3A_170] {strides = array<i32>} : memref<640xf32, #tpu.memory_space<vmem>>, vector<16xf32>,
    %swap3A_172 = vector.shape_cast %swap3A_171 : vector<16xf32> to vector<16xf32>
    %swap3A_173 = vector.shape_cast %broadcast_in_dim3A_2 : vector<16xf32> to vector<16xf32>
    tpu.vector_store %arg6[%swap3A_170], %swap3A_173 {strides = array<i32>} : memref<640xf32, #tpu.memory_space<vmem>>, vector<16xf32>,
    %swap3A_174 = arith.constant 608 : index
    %swap3A_175 = tpu.vector_load %arg6[%swap3A_174] {strides = array<i32>} : memref<640xf32, #tpu.memory_space<vmem>>, vector<16xf32>,
    %swap3A_176 = vector.shape_cast %swap3A_175 : vector<16xf32> to vector<16xf32>
    %swap3A_177 = vector.shape_cast %broadcast_in_dim3A_2 : vector<16xf32> to vector<16xf32>
    tpu.vector_store %arg6[%swap3A_174], %swap3A_177 {strides = array<i32>} : memref<640xf32, #tpu.memory_space<vmem>>, vector<16xf32>,
    %swap3A_178 = arith.constant 624 : index
    %swap3A_179 = tpu.vector_load %arg6[%swap3A_178] {strides = array<i32>} : memref<640xf32, #tpu.memory_space<vmem>>, vector<16xf32>,
    %swap3A_180 = vector.shape_cast %swap3A_179 : vector<16xf32> to vector<16xf32>
    %swap3A_181 = vector.shape_cast %broadcast_in_dim3A_2 : vector<16xf32> to vector<16xf32>
    tpu.vector_store %arg6[%swap3A_178], %swap3A_181 {strides = array<i32>} : memref<640xf32, #tpu.memory_space<vmem>>, vector<16xf32>,
    %mul3A = arith.constant 640 : i32
    %mul3A_182 = arith.muli %arg1, %mul3A : i32
    "tpu.region"() ({
      %run_scoped3A = tpu.sem_alloc : memref<!tpu.dma_semaphore, #tpu.memory_space<semaphore_mem>>
      %dma_start3A = tpu.memref_slice %arg7[%mul3A_182] : memref<10240xf32, #tpu.memory_space<vmem_shared>> -> memref<640xf32, #tpu.memory_space<vmem_shared>>
      %dma_start3A_191 = tpu.memref_slice %arg7[%mul3A_182] : memref<10240xf32, #tpu.memory_space<vmem_shared>> -> memref<640xf32, #tpu.memory_space<vmem_shared>>
      tpu.enqueue_dma source(%arg6 : memref<640xf32, #tpu.memory_space<vmem>>) target(%dma_start3A_191 : memref<640xf32, #tpu.memory_space<vmem_shared>>) target_semaphore(%run_scoped3A : memref<!tpu.dma_semaphore, #tpu.memory_space<semaphore_mem>>)
      %dma_wait3A = tpu.memref_slice %arg7[%mul3A_182] : memref<10240xf32, #tpu.memory_space<vmem_shared>> -> memref<640xf32, #tpu.memory_space<vmem_shared>>
      %dma_wait3A_192 = tpu.memref_slice %arg7[%mul3A_182] : memref<10240xf32, #tpu.memory_space<vmem_shared>> -> memref<640xf32, #tpu.memory_space<vmem_shared>>
      tpu.wait_dma2 semaphore(%run_scoped3A : memref<!tpu.dma_semaphore, #tpu.memory_space<semaphore_mem>>) src(%arg6 : memref<640xf32, #tpu.memory_space<vmem>>) dst(%dma_wait3A_192 : memref<640xf32, #tpu.memory_space<vmem_shared>>)
      tpu.yield
    }) : () -> ()
    %mul3A_183 = arith.constant 64 : i32
    %mul3A_184 = arith.muli %arg0, %mul3A_183 : i32
    "tpu.region"() ({
      %run_scoped3A = tpu.sem_alloc : memref<!tpu.dma_semaphore, #tpu.memory_space<semaphore_mem>>
      %dma_start3A = arith.constant 0 : i32
      %dma_start3A_191 = tpu.memref_slice %arg2[%arg1, %mul3A_184, %dma_start3A] : memref<16x128x80xi32, #tpu.memory_space<hbm>> -> memref<1x64x80xi32, #tpu.memory_space<hbm>>
      %dma_start3A_192 = tpu.memref_squeeze %dma_start3A_191 : memref<1x64x80xi32, #tpu.memory_space<hbm>> -> memref<64x80xi32, #tpu.memory_space<hbm>>
      %dma_start3A_193 = arith.constant 0 : i32
      %dma_start3A_194 = tpu.memref_slice %arg2[%arg1, %mul3A_184, %dma_start3A_193] : memref<16x128x80xi32, #tpu.memory_space<hbm>> -> memref<1x64x80xi32, #tpu.memory_space<hbm>>
      %dma_start3A_195 = tpu.memref_squeeze %dma_start3A_194 : memref<1x64x80xi32, #tpu.memory_space<hbm>> -> memref<64x80xi32, #tpu.memory_space<hbm>>
      tpu.enqueue_dma source(%dma_start3A_195 : memref<64x80xi32, #tpu.memory_space<hbm>>) target(%arg4 : memref<64x80xi32, #tpu.memory_space<vmem>>) target_semaphore(%run_scoped3A : memref<!tpu.dma_semaphore, #tpu.memory_space<semaphore_mem>>)
      %dma_wait3A = arith.constant 0 : i32
      %dma_wait3A_196 = tpu.memref_slice %arg2[%arg1, %mul3A_184, %dma_wait3A] : memref<16x128x80xi32, #tpu.memory_space<hbm>> -> memref<1x64x80xi32, #tpu.memory_space<hbm>>
      %dma_wait3A_197 = tpu.memref_squeeze %dma_wait3A_196 : memref<1x64x80xi32, #tpu.memory_space<hbm>> -> memref<64x80xi32, #tpu.memory_space<hbm>>
      %dma_wait3A_198 = arith.constant 0 : i32
      %dma_wait3A_199 = tpu.memref_slice %arg2[%arg1, %mul3A_184, %dma_wait3A_198] : memref<16x128x80xi32, #tpu.memory_space<hbm>> -> memref<1x64x80xi32, #tpu.memory_space<hbm>>
      %dma_wait3A_200 = tpu.memref_squeeze %dma_wait3A_199 : memref<1x64x80xi32, #tpu.memory_space<hbm>> -> memref<64x80xi32, #tpu.memory_space<hbm>>
      tpu.wait_dma2 semaphore(%run_scoped3A : memref<!tpu.dma_semaphore, #tpu.memory_space<semaphore_mem>>) src(%dma_wait3A_200 : memref<64x80xi32, #tpu.memory_space<hbm>>) dst(%arg4 : memref<64x80xi32, #tpu.memory_space<vmem>>)
      tpu.yield
    }) : () -> ()
    %barrier3A = arith.constant 0 : index
    tpu.barrier barrier_id(%barrier3A)
    %scan3A = arith.constant 0 : i32
    %scan3A_185 = arith.constant 0 : i32
    %scan3A_186 = arith.constant 64 : i32
    %scan3A_187 = arith.addi %scan3A_185, %scan3A_186 : i32
    %scan3A_188 = arith.constant 1 : i32
    scf.for %scan3A_191 = %scan3A_185 to %scan3A_187 step %scan3A_188  : i32 {
      "tpu.region"() ({
        %run_scoped3A = tpu.sem_alloc : memref<!tpu.dma_semaphore, #tpu.memory_space<semaphore_mem>>
        %dma_start3A = arith.constant 0 : i32
        %dma_start3A_192 = tpu.memref_slice %arg4[%scan3A_191, %dma_start3A] : memref<64x80xi32, #tpu.memory_space<vmem>> -> memref<1x80xi32, #tpu.memory_space<vmem>>
        %dma_start3A_193 = tpu.memref_squeeze %dma_start3A_192 : memref<1x80xi32, #tpu.memory_space<vmem>> -> memref<80xi32, #tpu.memory_space<vmem>>
        %dma_start3A_194 = arith.constant 0 : i32
        %dma_start3A_195 = tpu.memref_slice %arg7[%dma_start3A_194] : memref<10240xf32, #tpu.memory_space<vmem_shared>> -> memref<10240xf32, #tpu.memory_space<vmem_shared>>
        tpu.enqueue_indirect_dma source(%arg5 : memref<80xf32, #tpu.memory_space<vmem>>) target(%dma_start3A_195 : memref<10240xf32, #tpu.memory_space<vmem_shared>>) offsets(%dma_start3A_193 : memref<80xi32, #tpu.memory_space<vmem>>) semaphore(%run_scoped3A : memref<!tpu.dma_semaphore, #tpu.memory_space<semaphore_mem>>) {add = true}
        %dma_wait3A = arith.constant 0 : i32
        %dma_wait3A_196 = tpu.memref_slice %arg4[%scan3A_191, %dma_wait3A] : memref<64x80xi32, #tpu.memory_space<vmem>> -> memref<1x80xi32, #tpu.memory_space<vmem>>
        %dma_wait3A_197 = tpu.memref_squeeze %dma_wait3A_196 : memref<1x80xi32, #tpu.memory_space<vmem>> -> memref<80xi32, #tpu.memory_space<vmem>>
        %dma_wait3A_198 = arith.constant 0 : i32
        %dma_wait3A_199 = tpu.memref_slice %arg7[%dma_wait3A_198] : memref<10240xf32, #tpu.memory_space<vmem_shared>> -> memref<10240xf32, #tpu.memory_space<vmem_shared>>
        tpu.wait_indirect_dma semaphore(%run_scoped3A : memref<!tpu.dma_semaphore, #tpu.memory_space<semaphore_mem>>) src(%arg5 : memref<80xf32, #tpu.memory_space<vmem>>) dst(%dma_wait3A_199 : memref<10240xf32, #tpu.memory_space<vmem_shared>>)
        tpu.yield
      }) : () -> ()
    }
    %scan3A_189 = arith.constant 64 : i32
    %barrier3A_190 = arith.constant 0 : index
    tpu.barrier barrier_id(%barrier3A_190)
    "tpu.region"() ({
      %run_scoped3A = tpu.sem_alloc : memref<!tpu.dma_semaphore, #tpu.memory_space<semaphore_mem>>
      %dma_start3A = tpu.memref_slice %arg7[%mul3A_182] : memref<10240xf32, #tpu.memory_space<vmem_shared>> -> memref<640xf32, #tpu.memory_space<vmem_shared>>
      %dma_start3A_191 = tpu.memref_slice %arg7[%mul3A_182] : memref<10240xf32, #tpu.memory_space<vmem_shared>> -> memref<640xf32, #tpu.memory_space<vmem_shared>>
      tpu.enqueue_dma source(%dma_start3A_191 : memref<640xf32, #tpu.memory_space<vmem_shared>>) target(%arg6 : memref<640xf32, #tpu.memory_space<vmem>>) target_semaphore(%run_scoped3A : memref<!tpu.dma_semaphore, #tpu.memory_space<semaphore_mem>>)
      %dma_wait3A = tpu.memref_slice %arg7[%mul3A_182] : memref<10240xf32, #tpu.memory_space<vmem_shared>> -> memref<640xf32, #tpu.memory_space<vmem_shared>>
      %dma_wait3A_192 = tpu.memref_slice %arg7[%mul3A_182] : memref<10240xf32, #tpu.memory_space<vmem_shared>> -> memref<640xf32, #tpu.memory_space<vmem_shared>>
      tpu.wait_dma2 semaphore(%run_scoped3A : memref<!tpu.dma_semaphore, #tpu.memory_space<semaphore_mem>>) src(%dma_wait3A_192 : memref<640xf32, #tpu.memory_space<vmem_shared>>) dst(%arg6 : memref<640xf32, #tpu.memory_space<vmem>>)
      tpu.yield
    }) : () -> ()
    "tpu.region"() ({
      %run_scoped3A = tpu.sem_alloc : memref<!tpu.dma_semaphore, #tpu.memory_space<semaphore_mem>>
      %dma_start3A = tpu.memref_slice %arg3[%arg0, %mul3A_182] : memref<2x10240xf32, #tpu.memory_space<hbm>> -> memref<1x640xf32, #tpu.memory_space<hbm>>
      %dma_start3A_191 = tpu.memref_squeeze %dma_start3A : memref<1x640xf32, #tpu.memory_space<hbm>> -> memref<640xf32, #tpu.memory_space<hbm>>
      %dma_start3A_192 = tpu.memref_slice %arg3[%arg0, %mul3A_182] : memref<2x10240xf32, #tpu.memory_space<hbm>> -> memref<1x640xf32, #tpu.memory_space<hbm>>
      %dma_start3A_193 = tpu.memref_squeeze %dma_start3A_192 : memref<1x640xf32, #tpu.memory_space<hbm>> -> memref<640xf32, #tpu.memory_space<hbm>>
      tpu.enqueue_dma source(%arg6 : memref<640xf32, #tpu.memory_space<vmem>>) target(%dma_start3A_193 : memref<640xf32, #tpu.memory_space<hbm>>) target_semaphore(%run_scoped3A : memref<!tpu.dma_semaphore, #tpu.memory_space<semaphore_mem>>)
      %dma_wait3A = tpu.memref_slice %arg3[%arg0, %mul3A_182] : memref<2x10240xf32, #tpu.memory_space<hbm>> -> memref<1x640xf32, #tpu.memory_space<hbm>>
      %dma_wait3A_194 = tpu.memref_squeeze %dma_wait3A : memref<1x640xf32, #tpu.memory_space<hbm>> -> memref<640xf32, #tpu.memory_space<hbm>>
      %dma_wait3A_195 = tpu.memref_slice %arg3[%arg0, %mul3A_182] : memref<2x10240xf32, #tpu.memory_space<hbm>> -> memref<1x640xf32, #tpu.memory_space<hbm>>
      %dma_wait3A_196 = tpu.memref_squeeze %dma_wait3A_195 : memref<1x640xf32, #tpu.memory_space<hbm>> -> memref<640xf32, #tpu.memory_space<hbm>>
      tpu.wait_dma2 semaphore(%run_scoped3A : memref<!tpu.dma_semaphore, #tpu.memory_space<semaphore_mem>>) src(%arg6 : memref<640xf32, #tpu.memory_space<vmem>>) dst(%dma_wait3A_196 : memref<640xf32, #tpu.memory_space<hbm>>)
      tpu.yield
    }) : () -> ()
    return
  }
}

#map = affine_map<(d0, d1) -> (0, 0)>
#map1 = affine_map<(d0, d1) -> (0, 0, 0, 0)>
#map2 = affine_map<(d0, d1) -> (0, 0, 0)>
module attributes {stable_mosaic.version = 14 : i64} {
  func.func @_sc_aggregate(%arg0: i32, %arg1: i32, %arg2: memref<20480x128xf32, #tpu.memory_space<hbm>>, %arg3: memref<2x16x128x80xi32, #tpu.memory_space<hbm>>, %arg4: memref<16x128x80xi32, #tpu.memory_space<hbm>>, %arg5: memref<2x10240x128xf32, #tpu.memory_space<hbm>>, %arg6: memref<1x80xi32, #tpu.memory_space<vmem>>, %arg7: memref<1x80xi32, #tpu.memory_space<vmem>>, %arg8: memref<1x80xi32, #tpu.memory_space<vmem>>, %arg9: memref<1x80xi32, #tpu.memory_space<vmem>>, %arg10: memref<80x128xf32, #tpu.memory_space<vmem>>, %arg11: memref<80x128xf32, #tpu.memory_space<vmem>>, %arg12: memref<10240x128xf32, #tpu.memory_space<vmem_shared>>, %arg13: memref<!tpu.dma_semaphore, #tpu.memory_space<semaphore_mem>>, %arg14: memref<!tpu.dma_semaphore, #tpu.memory_space<semaphore_mem>>, %arg15: memref<!tpu.dma_semaphore, #tpu.memory_space<semaphore_mem>>, %arg16: memref<!tpu.dma_semaphore, #tpu.memory_space<semaphore_mem>>, %arg17: memref<!tpu.dma_semaphore, #tpu.memory_space<semaphore_mem>>, %arg18: memref<!tpu.dma_semaphore, #tpu.memory_space<semaphore_mem>>) attributes {dimension_semantics = [#tpu.dimension_semantics<core_parallel>, #tpu.dimension_semantics<subcore_parallel>], iteration_bounds = array<i64: 2, 16>, scalar_prefetch = 0 : i64, scratch_operands = 13 : i64, tpu.core_type = #tpu.core_type<sc_vector_subcore>, window_params = [{transform_indices = #map}, {transform_indices = #map1}, {transform_indices = #map2}, {transform_indices = #map2}]} {
    %mul3A = arith.constant 640 : i32
    %mul3A_0 = arith.muli %arg1, %mul3A : i32
    %dma_start3A = arith.constant 0 : i32
    %dma_start3A_1 = arith.constant 0 : i32
    %dma_start3A_2 = arith.constant 0 : i32
    %dma_start3A_3 = tpu.memref_slice %arg6[%dma_start3A_1, %dma_start3A_2] : memref<1x80xi32, #tpu.memory_space<vmem>> -> memref<1x80xi32, #tpu.memory_space<vmem>>
    %dma_start3A_4 = tpu.memref_squeeze %dma_start3A_3 : memref<1x80xi32, #tpu.memory_space<vmem>> -> memref<80xi32, #tpu.memory_space<vmem>>
    %dma_start3A_5 = arith.constant 0 : i32
    %dma_start3A_6 = tpu.memref_slice %arg3[%arg0, %arg1, %dma_start3A, %dma_start3A_5] : memref<2x16x128x80xi32, #tpu.memory_space<hbm>> -> memref<1x1x1x80xi32, #tpu.memory_space<hbm>>
    %dma_start3A_7 = tpu.memref_squeeze %dma_start3A_6 : memref<1x1x1x80xi32, #tpu.memory_space<hbm>> -> memref<80xi32, #tpu.memory_space<hbm>>
    %dma_start3A_8 = arith.constant 0 : i32
    %dma_start3A_9 = tpu.memref_slice %arg6[%dma_start3A_1, %dma_start3A_8] : memref<1x80xi32, #tpu.memory_space<vmem>> -> memref<1x80xi32, #tpu.memory_space<vmem>>
    %dma_start3A_10 = tpu.memref_squeeze %dma_start3A_9 : memref<1x80xi32, #tpu.memory_space<vmem>> -> memref<80xi32, #tpu.memory_space<vmem>>
    %dma_start3A_11 = arith.constant 0 : i32
    %dma_start3A_12 = tpu.memref_slice %arg3[%arg0, %arg1, %dma_start3A, %dma_start3A_11] : memref<2x16x128x80xi32, #tpu.memory_space<hbm>> -> memref<1x1x1x80xi32, #tpu.memory_space<hbm>>
    %dma_start3A_13 = tpu.memref_squeeze %dma_start3A_12 : memref<1x1x1x80xi32, #tpu.memory_space<hbm>> -> memref<80xi32, #tpu.memory_space<hbm>>
    tpu.enqueue_dma source(%dma_start3A_13 : memref<80xi32, #tpu.memory_space<hbm>>) target(%dma_start3A_10 : memref<80xi32, #tpu.memory_space<vmem>>) target_semaphore(%arg13 : memref<!tpu.dma_semaphore, #tpu.memory_space<semaphore_mem>>)
    %dma_start3A_14 = arith.constant 0 : i32
    %dma_start3A_15 = arith.constant 0 : i32
    %dma_start3A_16 = arith.constant 0 : i32
    %dma_start3A_17 = tpu.memref_slice %arg8[%dma_start3A_15, %dma_start3A_16] : memref<1x80xi32, #tpu.memory_space<vmem>> -> memref<1x80xi32, #tpu.memory_space<vmem>>
    %dma_start3A_18 = tpu.memref_squeeze %dma_start3A_17 : memref<1x80xi32, #tpu.memory_space<vmem>> -> memref<80xi32, #tpu.memory_space<vmem>>
    %dma_start3A_19 = arith.constant 0 : i32
    %dma_start3A_20 = tpu.memref_slice %arg4[%arg1, %dma_start3A_14, %dma_start3A_19] : memref<16x128x80xi32, #tpu.memory_space<hbm>> -> memref<1x1x80xi32, #tpu.memory_space<hbm>>
    %dma_start3A_21 = tpu.memref_squeeze %dma_start3A_20 : memref<1x1x80xi32, #tpu.memory_space<hbm>> -> memref<80xi32, #tpu.memory_space<hbm>>
    %dma_start3A_22 = arith.constant 0 : i32
    %dma_start3A_23 = tpu.memref_slice %arg8[%dma_start3A_15, %dma_start3A_22] : memref<1x80xi32, #tpu.memory_space<vmem>> -> memref<1x80xi32, #tpu.memory_space<vmem>>
    %dma_start3A_24 = tpu.memref_squeeze %dma_start3A_23 : memref<1x80xi32, #tpu.memory_space<vmem>> -> memref<80xi32, #tpu.memory_space<vmem>>
    %dma_start3A_25 = arith.constant 0 : i32
    %dma_start3A_26 = tpu.memref_slice %arg4[%arg1, %dma_start3A_14, %dma_start3A_25] : memref<16x128x80xi32, #tpu.memory_space<hbm>> -> memref<1x1x80xi32, #tpu.memory_space<hbm>>
    %dma_start3A_27 = tpu.memref_squeeze %dma_start3A_26 : memref<1x1x80xi32, #tpu.memory_space<hbm>> -> memref<80xi32, #tpu.memory_space<hbm>>
    tpu.enqueue_dma source(%dma_start3A_27 : memref<80xi32, #tpu.memory_space<hbm>>) target(%dma_start3A_24 : memref<80xi32, #tpu.memory_space<vmem>>) target_semaphore(%arg15 : memref<!tpu.dma_semaphore, #tpu.memory_space<semaphore_mem>>)
    %dma_start3A_28 = arith.constant 1 : i32
    %dma_start3A_29 = arith.constant 0 : i32
    %dma_start3A_30 = arith.constant 0 : i32
    %dma_start3A_31 = tpu.memref_slice %arg7[%dma_start3A_29, %dma_start3A_30] : memref<1x80xi32, #tpu.memory_space<vmem>> -> memref<1x80xi32, #tpu.memory_space<vmem>>
    %dma_start3A_32 = tpu.memref_squeeze %dma_start3A_31 : memref<1x80xi32, #tpu.memory_space<vmem>> -> memref<80xi32, #tpu.memory_space<vmem>>
    %dma_start3A_33 = arith.constant 0 : i32
    %dma_start3A_34 = tpu.memref_slice %arg3[%arg0, %arg1, %dma_start3A_28, %dma_start3A_33] : memref<2x16x128x80xi32, #tpu.memory_space<hbm>> -> memref<1x1x1x80xi32, #tpu.memory_space<hbm>>
    %dma_start3A_35 = tpu.memref_squeeze %dma_start3A_34 : memref<1x1x1x80xi32, #tpu.memory_space<hbm>> -> memref<80xi32, #tpu.memory_space<hbm>>
    %dma_start3A_36 = arith.constant 0 : i32
    %dma_start3A_37 = tpu.memref_slice %arg7[%dma_start3A_29, %dma_start3A_36] : memref<1x80xi32, #tpu.memory_space<vmem>> -> memref<1x80xi32, #tpu.memory_space<vmem>>
    %dma_start3A_38 = tpu.memref_squeeze %dma_start3A_37 : memref<1x80xi32, #tpu.memory_space<vmem>> -> memref<80xi32, #tpu.memory_space<vmem>>
    %dma_start3A_39 = arith.constant 0 : i32
    %dma_start3A_40 = tpu.memref_slice %arg3[%arg0, %arg1, %dma_start3A_28, %dma_start3A_39] : memref<2x16x128x80xi32, #tpu.memory_space<hbm>> -> memref<1x1x1x80xi32, #tpu.memory_space<hbm>>
    %dma_start3A_41 = tpu.memref_squeeze %dma_start3A_40 : memref<1x1x1x80xi32, #tpu.memory_space<hbm>> -> memref<80xi32, #tpu.memory_space<hbm>>
    tpu.enqueue_dma source(%dma_start3A_41 : memref<80xi32, #tpu.memory_space<hbm>>) target(%dma_start3A_38 : memref<80xi32, #tpu.memory_space<vmem>>) target_semaphore(%arg14 : memref<!tpu.dma_semaphore, #tpu.memory_space<semaphore_mem>>)
    %dma_start3A_42 = arith.constant 1 : i32
    %dma_start3A_43 = arith.constant 0 : i32
    %dma_start3A_44 = arith.constant 0 : i32
    %dma_start3A_45 = tpu.memref_slice %arg9[%dma_start3A_43, %dma_start3A_44] : memref<1x80xi32, #tpu.memory_space<vmem>> -> memref<1x80xi32, #tpu.memory_space<vmem>>
    %dma_start3A_46 = tpu.memref_squeeze %dma_start3A_45 : memref<1x80xi32, #tpu.memory_space<vmem>> -> memref<80xi32, #tpu.memory_space<vmem>>
    %dma_start3A_47 = arith.constant 0 : i32
    %dma_start3A_48 = tpu.memref_slice %arg4[%arg1, %dma_start3A_42, %dma_start3A_47] : memref<16x128x80xi32, #tpu.memory_space<hbm>> -> memref<1x1x80xi32, #tpu.memory_space<hbm>>
    %dma_start3A_49 = tpu.memref_squeeze %dma_start3A_48 : memref<1x1x80xi32, #tpu.memory_space<hbm>> -> memref<80xi32, #tpu.memory_space<hbm>>
    %dma_start3A_50 = arith.constant 0 : i32
    %dma_start3A_51 = tpu.memref_slice %arg9[%dma_start3A_43, %dma_start3A_50] : memref<1x80xi32, #tpu.memory_space<vmem>> -> memref<1x80xi32, #tpu.memory_space<vmem>>
    %dma_start3A_52 = tpu.memref_squeeze %dma_start3A_51 : memref<1x80xi32, #tpu.memory_space<vmem>> -> memref<80xi32, #tpu.memory_space<vmem>>
    %dma_start3A_53 = arith.constant 0 : i32
    %dma_start3A_54 = tpu.memref_slice %arg4[%arg1, %dma_start3A_42, %dma_start3A_53] : memref<16x128x80xi32, #tpu.memory_space<hbm>> -> memref<1x1x80xi32, #tpu.memory_space<hbm>>
    %dma_start3A_55 = tpu.memref_squeeze %dma_start3A_54 : memref<1x1x80xi32, #tpu.memory_space<hbm>> -> memref<80xi32, #tpu.memory_space<hbm>>
    tpu.enqueue_dma source(%dma_start3A_55 : memref<80xi32, #tpu.memory_space<hbm>>) target(%dma_start3A_52 : memref<80xi32, #tpu.memory_space<vmem>>) target_semaphore(%arg16 : memref<!tpu.dma_semaphore, #tpu.memory_space<semaphore_mem>>)
    %mul3A_56 = arith.constant 10240 : i32
    %mul3A_57 = arith.muli %arg0, %mul3A_56 : i32
    %add3A = arith.addi %mul3A_57, %mul3A_0 : i32
    "tpu.region"() ({
      %run_scoped3A = tpu.sem_alloc : memref<!tpu.dma_semaphore, #tpu.memory_space<semaphore_mem>>
      %dma_start3A_133 = arith.constant 0 : i32
      %dma_start3A_134 = tpu.memref_slice %arg12[%mul3A_0, %dma_start3A_133] : memref<10240x128xf32, #tpu.memory_space<vmem_shared>> -> memref<640x128xf32, #tpu.memory_space<vmem_shared>>
      %dma_start3A_135 = arith.constant 0 : i32
      %dma_start3A_136 = tpu.memref_slice %arg2[%add3A, %dma_start3A_135] : memref<20480x128xf32, #tpu.memory_space<hbm>> -> memref<640x128xf32, #tpu.memory_space<hbm>>
      tpu.enqueue_dma source(%dma_start3A_136 : memref<640x128xf32, #tpu.memory_space<hbm>>) target(%dma_start3A_134 : memref<640x128xf32, #tpu.memory_space<vmem_shared>>) target_semaphore(%run_scoped3A : memref<!tpu.dma_semaphore, #tpu.memory_space<semaphore_mem>>)
      %dma_wait3A_137 = arith.constant 0 : i32
      %dma_wait3A_138 = tpu.memref_slice %arg12[%mul3A_0, %dma_wait3A_137] : memref<10240x128xf32, #tpu.memory_space<vmem_shared>> -> memref<640x128xf32, #tpu.memory_space<vmem_shared>>
      %dma_wait3A_139 = arith.constant 0 : i32
      %dma_wait3A_140 = tpu.memref_slice %arg2[%add3A, %dma_wait3A_139] : memref<20480x128xf32, #tpu.memory_space<hbm>> -> memref<640x128xf32, #tpu.memory_space<hbm>>
      tpu.wait_dma2 semaphore(%run_scoped3A : memref<!tpu.dma_semaphore, #tpu.memory_space<semaphore_mem>>) src(%dma_wait3A_140 : memref<640x128xf32, #tpu.memory_space<hbm>>) dst(%dma_wait3A_138 : memref<640x128xf32, #tpu.memory_space<vmem_shared>>)
      tpu.yield
    }) : () -> ()
    %barrier3A = arith.constant 0 : index
    tpu.barrier barrier_id(%barrier3A)
    %dma_wait3A = arith.constant 0 : i32
    %dma_wait3A_58 = arith.constant 0 : i32
    %dma_wait3A_59 = arith.constant 0 : i32
    %dma_wait3A_60 = tpu.memref_slice %arg6[%dma_wait3A_58, %dma_wait3A_59] : memref<1x80xi32, #tpu.memory_space<vmem>> -> memref<1x80xi32, #tpu.memory_space<vmem>>
    %dma_wait3A_61 = tpu.memref_squeeze %dma_wait3A_60 : memref<1x80xi32, #tpu.memory_space<vmem>> -> memref<80xi32, #tpu.memory_space<vmem>>
    %dma_wait3A_62 = arith.constant 0 : i32
    %dma_wait3A_63 = tpu.memref_slice %arg3[%arg0, %arg1, %dma_wait3A, %dma_wait3A_62] : memref<2x16x128x80xi32, #tpu.memory_space<hbm>> -> memref<1x1x1x80xi32, #tpu.memory_space<hbm>>
    %dma_wait3A_64 = tpu.memref_squeeze %dma_wait3A_63 : memref<1x1x1x80xi32, #tpu.memory_space<hbm>> -> memref<80xi32, #tpu.memory_space<hbm>>
    %dma_wait3A_65 = arith.constant 0 : i32
    %dma_wait3A_66 = tpu.memref_slice %arg6[%dma_wait3A_58, %dma_wait3A_65] : memref<1x80xi32, #tpu.memory_space<vmem>> -> memref<1x80xi32, #tpu.memory_space<vmem>>
    %dma_wait3A_67 = tpu.memref_squeeze %dma_wait3A_66 : memref<1x80xi32, #tpu.memory_space<vmem>> -> memref<80xi32, #tpu.memory_space<vmem>>
    %dma_wait3A_68 = arith.constant 0 : i32
    %dma_wait3A_69 = tpu.memref_slice %arg3[%arg0, %arg1, %dma_wait3A, %dma_wait3A_68] : memref<2x16x128x80xi32, #tpu.memory_space<hbm>> -> memref<1x1x1x80xi32, #tpu.memory_space<hbm>>
    %dma_wait3A_70 = tpu.memref_squeeze %dma_wait3A_69 : memref<1x1x1x80xi32, #tpu.memory_space<hbm>> -> memref<80xi32, #tpu.memory_space<hbm>>
    tpu.wait_dma2 semaphore(%arg13 : memref<!tpu.dma_semaphore, #tpu.memory_space<semaphore_mem>>) src(%dma_wait3A_70 : memref<80xi32, #tpu.memory_space<hbm>>) dst(%dma_wait3A_67 : memref<80xi32, #tpu.memory_space<vmem>>)
    %dma_start3A_71 = arith.constant 0 : i32
    %dma_start3A_72 = arith.constant 0 : i32
    %dma_start3A_73 = tpu.memref_slice %arg6[%dma_start3A_71, %dma_start3A_72] : memref<1x80xi32, #tpu.memory_space<vmem>> -> memref<1x80xi32, #tpu.memory_space<vmem>>
    %dma_start3A_74 = tpu.memref_squeeze %dma_start3A_73 : memref<1x80xi32, #tpu.memory_space<vmem>> -> memref<80xi32, #tpu.memory_space<vmem>>
    %dma_start3A_75 = arith.constant 0 : i32
    %dma_start3A_76 = arith.constant 0 : i32
    %dma_start3A_77 = tpu.memref_slice %arg2[%dma_start3A_75, %dma_start3A_76] : memref<20480x128xf32, #tpu.memory_space<hbm>> -> memref<20480x128xf32, #tpu.memory_space<hbm>>
    tpu.enqueue_indirect_dma source(%dma_start3A_77 : memref<20480x128xf32, #tpu.memory_space<hbm>>) target(%arg10 : memref<80x128xf32, #tpu.memory_space<vmem>>) offsets(%dma_start3A_74 : memref<80xi32, #tpu.memory_space<vmem>>) semaphore(%arg17 : memref<!tpu.dma_semaphore, #tpu.memory_space<semaphore_mem>>)
    %scan3A = arith.constant 0 : i32
    %scan3A_78 = arith.constant 0 : i32
    %scan3A_79 = arith.constant 64 : i32
    %scan3A_80 = arith.addi %scan3A_78, %scan3A_79 : i32
    %scan3A_81 = arith.constant 1 : i32
    scf.for %scan3A_133 = %scan3A_78 to %scan3A_80 step %scan3A_81  : i32 {
      %mul3A_134 = arith.constant 2 : i32
      %mul3A_135 = arith.muli %mul3A_134, %scan3A_133 : i32
      %dma_wait3A_136 = arith.constant 0 : i32
      %dma_wait3A_137 = arith.constant 0 : i32
      %dma_wait3A_138 = arith.constant 0 : i32
      %dma_wait3A_139 = tpu.memref_slice %arg7[%dma_wait3A_137, %dma_wait3A_138] : memref<1x80xi32, #tpu.memory_space<vmem>> -> memref<1x80xi32, #tpu.memory_space<vmem>>
      %dma_wait3A_140 = tpu.memref_squeeze %dma_wait3A_139 : memref<1x80xi32, #tpu.memory_space<vmem>> -> memref<80xi32, #tpu.memory_space<vmem>>
      %dma_wait3A_141 = arith.constant 0 : i32
      %dma_wait3A_142 = tpu.memref_slice %arg3[%arg0, %arg1, %dma_wait3A_136, %dma_wait3A_141] : memref<2x16x128x80xi32, #tpu.memory_space<hbm>> -> memref<1x1x1x80xi32, #tpu.memory_space<hbm>>
      %dma_wait3A_143 = tpu.memref_squeeze %dma_wait3A_142 : memref<1x1x1x80xi32, #tpu.memory_space<hbm>> -> memref<80xi32, #tpu.memory_space<hbm>>
      %dma_wait3A_144 = arith.constant 0 : i32
      %dma_wait3A_145 = tpu.memref_slice %arg7[%dma_wait3A_137, %dma_wait3A_144] : memref<1x80xi32, #tpu.memory_space<vmem>> -> memref<1x80xi32, #tpu.memory_space<vmem>>
      %dma_wait3A_146 = tpu.memref_squeeze %dma_wait3A_145 : memref<1x80xi32, #tpu.memory_space<vmem>> -> memref<80xi32, #tpu.memory_space<vmem>>
      %dma_wait3A_147 = arith.constant 0 : i32
      %dma_wait3A_148 = tpu.memref_slice %arg3[%arg0, %arg1, %dma_wait3A_136, %dma_wait3A_147] : memref<2x16x128x80xi32, #tpu.memory_space<hbm>> -> memref<1x1x1x80xi32, #tpu.memory_space<hbm>>
      %dma_wait3A_149 = tpu.memref_squeeze %dma_wait3A_148 : memref<1x1x1x80xi32, #tpu.memory_space<hbm>> -> memref<80xi32, #tpu.memory_space<hbm>>
      tpu.wait_dma2 semaphore(%arg14 : memref<!tpu.dma_semaphore, #tpu.memory_space<semaphore_mem>>) src(%dma_wait3A_149 : memref<80xi32, #tpu.memory_space<hbm>>) dst(%dma_wait3A_146 : memref<80xi32, #tpu.memory_space<vmem>>)
      %dma_start3A_150 = arith.constant 0 : i32
      %dma_start3A_151 = arith.constant 0 : i32
      %dma_start3A_152 = tpu.memref_slice %arg7[%dma_start3A_150, %dma_start3A_151] : memref<1x80xi32, #tpu.memory_space<vmem>> -> memref<1x80xi32, #tpu.memory_space<vmem>>
      %dma_start3A_153 = tpu.memref_squeeze %dma_start3A_152 : memref<1x80xi32, #tpu.memory_space<vmem>> -> memref<80xi32, #tpu.memory_space<vmem>>
      %dma_start3A_154 = arith.constant 0 : i32
      %dma_start3A_155 = arith.constant 0 : i32
      %dma_start3A_156 = tpu.memref_slice %arg2[%dma_start3A_154, %dma_start3A_155] : memref<20480x128xf32, #tpu.memory_space<hbm>> -> memref<20480x128xf32, #tpu.memory_space<hbm>>
      tpu.enqueue_indirect_dma source(%dma_start3A_156 : memref<20480x128xf32, #tpu.memory_space<hbm>>) target(%arg11 : memref<80x128xf32, #tpu.memory_space<vmem>>) offsets(%dma_start3A_153 : memref<80xi32, #tpu.memory_space<vmem>>) semaphore(%arg18 : memref<!tpu.dma_semaphore, #tpu.memory_space<semaphore_mem>>)
      %dma_wait3A_157 = arith.constant 0 : i32
      %dma_wait3A_158 = arith.constant 0 : i32
      %dma_wait3A_159 = tpu.memref_slice %arg6[%dma_wait3A_157, %dma_wait3A_158] : memref<1x80xi32, #tpu.memory_space<vmem>> -> memref<1x80xi32, #tpu.memory_space<vmem>>
      %dma_wait3A_160 = tpu.memref_squeeze %dma_wait3A_159 : memref<1x80xi32, #tpu.memory_space<vmem>> -> memref<80xi32, #tpu.memory_space<vmem>>
      %dma_wait3A_161 = arith.constant 0 : i32
      %dma_wait3A_162 = arith.constant 0 : i32
      %dma_wait3A_163 = tpu.memref_slice %arg2[%dma_wait3A_161, %dma_wait3A_162] : memref<20480x128xf32, #tpu.memory_space<hbm>> -> memref<20480x128xf32, #tpu.memory_space<hbm>>
      tpu.wait_indirect_dma semaphore(%arg17 : memref<!tpu.dma_semaphore, #tpu.memory_space<semaphore_mem>>) src(%dma_wait3A_163 : memref<20480x128xf32, #tpu.memory_space<hbm>>) dst(%arg10 : memref<80x128xf32, #tpu.memory_space<vmem>>)
      %add3A_164 = arith.constant 2 : i32
      %add3A_165 = arith.addi %mul3A_135, %add3A_164 : i32
      %min3A = arith.constant 127 : i32
      %min3A_166 = arith.minsi %add3A_165, %min3A : i32
      %dma_start3A_167 = arith.constant 0 : i32
      %dma_start3A_168 = arith.constant 0 : i32
      %dma_start3A_169 = tpu.memref_slice %arg6[%dma_start3A_167, %dma_start3A_168] : memref<1x80xi32, #tpu.memory_space<vmem>> -> memref<1x80xi32, #tpu.memory_space<vmem>>
      %dma_start3A_170 = tpu.memref_squeeze %dma_start3A_169 : memref<1x80xi32, #tpu.memory_space<vmem>> -> memref<80xi32, #tpu.memory_space<vmem>>
      %dma_start3A_171 = arith.constant 0 : i32
      %dma_start3A_172 = tpu.memref_slice %arg3[%arg0, %arg1, %min3A_166, %dma_start3A_171] : memref<2x16x128x80xi32, #tpu.memory_space<hbm>> -> memref<1x1x1x80xi32, #tpu.memory_space<hbm>>
      %dma_start3A_173 = tpu.memref_squeeze %dma_start3A_172 : memref<1x1x1x80xi32, #tpu.memory_space<hbm>> -> memref<80xi32, #tpu.memory_space<hbm>>
      %dma_start3A_174 = arith.constant 0 : i32
      %dma_start3A_175 = tpu.memref_slice %arg6[%dma_start3A_167, %dma_start3A_174] : memref<1x80xi32, #tpu.memory_space<vmem>> -> memref<1x80xi32, #tpu.memory_space<vmem>>
      %dma_start3A_176 = tpu.memref_squeeze %dma_start3A_175 : memref<1x80xi32, #tpu.memory_space<vmem>> -> memref<80xi32, #tpu.memory_space<vmem>>
      %dma_start3A_177 = arith.constant 0 : i32
      %dma_start3A_178 = tpu.memref_slice %arg3[%arg0, %arg1, %min3A_166, %dma_start3A_177] : memref<2x16x128x80xi32, #tpu.memory_space<hbm>> -> memref<1x1x1x80xi32, #tpu.memory_space<hbm>>
      %dma_start3A_179 = tpu.memref_squeeze %dma_start3A_178 : memref<1x1x1x80xi32, #tpu.memory_space<hbm>> -> memref<80xi32, #tpu.memory_space<hbm>>
      tpu.enqueue_dma source(%dma_start3A_179 : memref<80xi32, #tpu.memory_space<hbm>>) target(%dma_start3A_176 : memref<80xi32, #tpu.memory_space<vmem>>) target_semaphore(%arg13 : memref<!tpu.dma_semaphore, #tpu.memory_space<semaphore_mem>>)
      %dma_wait3A_180 = arith.constant 0 : i32
      %dma_wait3A_181 = arith.constant 0 : i32
      %dma_wait3A_182 = arith.constant 0 : i32
      %dma_wait3A_183 = tpu.memref_slice %arg8[%dma_wait3A_181, %dma_wait3A_182] : memref<1x80xi32, #tpu.memory_space<vmem>> -> memref<1x80xi32, #tpu.memory_space<vmem>>
      %dma_wait3A_184 = tpu.memref_squeeze %dma_wait3A_183 : memref<1x80xi32, #tpu.memory_space<vmem>> -> memref<80xi32, #tpu.memory_space<vmem>>
      %dma_wait3A_185 = arith.constant 0 : i32
      %dma_wait3A_186 = tpu.memref_slice %arg4[%arg1, %dma_wait3A_180, %dma_wait3A_185] : memref<16x128x80xi32, #tpu.memory_space<hbm>> -> memref<1x1x80xi32, #tpu.memory_space<hbm>>
      %dma_wait3A_187 = tpu.memref_squeeze %dma_wait3A_186 : memref<1x1x80xi32, #tpu.memory_space<hbm>> -> memref<80xi32, #tpu.memory_space<hbm>>
      %dma_wait3A_188 = arith.constant 0 : i32
      %dma_wait3A_189 = tpu.memref_slice %arg8[%dma_wait3A_181, %dma_wait3A_188] : memref<1x80xi32, #tpu.memory_space<vmem>> -> memref<1x80xi32, #tpu.memory_space<vmem>>
      %dma_wait3A_190 = tpu.memref_squeeze %dma_wait3A_189 : memref<1x80xi32, #tpu.memory_space<vmem>> -> memref<80xi32, #tpu.memory_space<vmem>>
      %dma_wait3A_191 = arith.constant 0 : i32
      %dma_wait3A_192 = tpu.memref_slice %arg4[%arg1, %dma_wait3A_180, %dma_wait3A_191] : memref<16x128x80xi32, #tpu.memory_space<hbm>> -> memref<1x1x80xi32, #tpu.memory_space<hbm>>
      %dma_wait3A_193 = tpu.memref_squeeze %dma_wait3A_192 : memref<1x1x80xi32, #tpu.memory_space<hbm>> -> memref<80xi32, #tpu.memory_space<hbm>>
      tpu.wait_dma2 semaphore(%arg15 : memref<!tpu.dma_semaphore, #tpu.memory_space<semaphore_mem>>) src(%dma_wait3A_193 : memref<80xi32, #tpu.memory_space<hbm>>) dst(%dma_wait3A_190 : memref<80xi32, #tpu.memory_space<vmem>>)
      %run_scoped3A = arith.constant 0 : i32
      "tpu.region"() ({
        %run_scoped3A_288 = tpu.sem_alloc : memref<!tpu.dma_semaphore, #tpu.memory_space<semaphore_mem>>
        %dma_start3A_289 = arith.constant 0 : i32
        %dma_start3A_290 = tpu.memref_slice %arg8[%run_scoped3A, %dma_start3A_289] : memref<1x80xi32, #tpu.memory_space<vmem>> -> memref<1x80xi32, #tpu.memory_space<vmem>>
        %dma_start3A_291 = tpu.memref_squeeze %dma_start3A_290 : memref<1x80xi32, #tpu.memory_space<vmem>> -> memref<80xi32, #tpu.memory_space<vmem>>
        %dma_start3A_292 = arith.constant 0 : i32
        %dma_start3A_293 = arith.constant 0 : i32
        %dma_start3A_294 = tpu.memref_slice %arg12[%dma_start3A_292, %dma_start3A_293] : memref<10240x128xf32, #tpu.memory_space<vmem_shared>> -> memref<10240x128xf32, #tpu.memory_space<vmem_shared>>
        tpu.enqueue_indirect_dma source(%arg10 : memref<80x128xf32, #tpu.memory_space<vmem>>) target(%dma_start3A_294 : memref<10240x128xf32, #tpu.memory_space<vmem_shared>>) offsets(%dma_start3A_291 : memref<80xi32, #tpu.memory_space<vmem>>) semaphore(%run_scoped3A_288 : memref<!tpu.dma_semaphore, #tpu.memory_space<semaphore_mem>>) {add = true}
        %dma_wait3A_295 = arith.constant 0 : i32
        %dma_wait3A_296 = tpu.memref_slice %arg8[%run_scoped3A, %dma_wait3A_295] : memref<1x80xi32, #tpu.memory_space<vmem>> -> memref<1x80xi32, #tpu.memory_space<vmem>>
        %dma_wait3A_297 = tpu.memref_squeeze %dma_wait3A_296 : memref<1x80xi32, #tpu.memory_space<vmem>> -> memref<80xi32, #tpu.memory_space<vmem>>
        %dma_wait3A_298 = arith.constant 0 : i32
        %dma_wait3A_299 = arith.constant 0 : i32
        %dma_wait3A_300 = tpu.memref_slice %arg12[%dma_wait3A_298, %dma_wait3A_299] : memref<10240x128xf32, #tpu.memory_space<vmem_shared>> -> memref<10240x128xf32, #tpu.memory_space<vmem_shared>>
        tpu.wait_indirect_dma semaphore(%run_scoped3A_288 : memref<!tpu.dma_semaphore, #tpu.memory_space<semaphore_mem>>) src(%arg10 : memref<80x128xf32, #tpu.memory_space<vmem>>) dst(%dma_wait3A_300 : memref<10240x128xf32, #tpu.memory_space<vmem_shared>>)
        tpu.yield
      }) : () -> ()
      %add3A_194 = arith.constant 2 : i32
      %add3A_195 = arith.addi %mul3A_135, %add3A_194 : i32
      %min3A_196 = arith.constant 127 : i32
      %min3A_197 = arith.minsi %add3A_195, %min3A_196 : i32
      %dma_start3A_198 = arith.constant 0 : i32
      %dma_start3A_199 = arith.constant 0 : i32
      %dma_start3A_200 = tpu.memref_slice %arg8[%dma_start3A_198, %dma_start3A_199] : memref<1x80xi32, #tpu.memory_space<vmem>> -> memref<1x80xi32, #tpu.memory_space<vmem>>
      %dma_start3A_201 = tpu.memref_squeeze %dma_start3A_200 : memref<1x80xi32, #tpu.memory_space<vmem>> -> memref<80xi32, #tpu.memory_space<vmem>>
      %dma_start3A_202 = arith.constant 0 : i32
      %dma_start3A_203 = tpu.memref_slice %arg4[%arg1, %min3A_197, %dma_start3A_202] : memref<16x128x80xi32, #tpu.memory_space<hbm>> -> memref<1x1x80xi32, #tpu.memory_space<hbm>>
      %dma_start3A_204 = tpu.memref_squeeze %dma_start3A_203 : memref<1x1x80xi32, #tpu.memory_space<hbm>> -> memref<80xi32, #tpu.memory_space<hbm>>
      %dma_start3A_205 = arith.constant 0 : i32
      %dma_start3A_206 = tpu.memref_slice %arg8[%dma_start3A_198, %dma_start3A_205] : memref<1x80xi32, #tpu.memory_space<vmem>> -> memref<1x80xi32, #tpu.memory_space<vmem>>
      %dma_start3A_207 = tpu.memref_squeeze %dma_start3A_206 : memref<1x80xi32, #tpu.memory_space<vmem>> -> memref<80xi32, #tpu.memory_space<vmem>>
      %dma_start3A_208 = arith.constant 0 : i32
      %dma_start3A_209 = tpu.memref_slice %arg4[%arg1, %min3A_197, %dma_start3A_208] : memref<16x128x80xi32, #tpu.memory_space<hbm>> -> memref<1x1x80xi32, #tpu.memory_space<hbm>>
      %dma_start3A_210 = tpu.memref_squeeze %dma_start3A_209 : memref<1x1x80xi32, #tpu.memory_space<hbm>> -> memref<80xi32, #tpu.memory_space<hbm>>
      tpu.enqueue_dma source(%dma_start3A_210 : memref<80xi32, #tpu.memory_space<hbm>>) target(%dma_start3A_207 : memref<80xi32, #tpu.memory_space<vmem>>) target_semaphore(%arg15 : memref<!tpu.dma_semaphore, #tpu.memory_space<semaphore_mem>>)
      %dma_wait3A_211 = arith.constant 0 : i32
      %dma_wait3A_212 = arith.constant 0 : i32
      %dma_wait3A_213 = arith.constant 0 : i32
      %dma_wait3A_214 = tpu.memref_slice %arg6[%dma_wait3A_212, %dma_wait3A_213] : memref<1x80xi32, #tpu.memory_space<vmem>> -> memref<1x80xi32, #tpu.memory_space<vmem>>
      %dma_wait3A_215 = tpu.memref_squeeze %dma_wait3A_214 : memref<1x80xi32, #tpu.memory_space<vmem>> -> memref<80xi32, #tpu.memory_space<vmem>>
      %dma_wait3A_216 = arith.constant 0 : i32
      %dma_wait3A_217 = tpu.memref_slice %arg3[%arg0, %arg1, %dma_wait3A_211, %dma_wait3A_216] : memref<2x16x128x80xi32, #tpu.memory_space<hbm>> -> memref<1x1x1x80xi32, #tpu.memory_space<hbm>>
      %dma_wait3A_218 = tpu.memref_squeeze %dma_wait3A_217 : memref<1x1x1x80xi32, #tpu.memory_space<hbm>> -> memref<80xi32, #tpu.memory_space<hbm>>
      %dma_wait3A_219 = arith.constant 0 : i32
      %dma_wait3A_220 = tpu.memref_slice %arg6[%dma_wait3A_212, %dma_wait3A_219] : memref<1x80xi32, #tpu.memory_space<vmem>> -> memref<1x80xi32, #tpu.memory_space<vmem>>
      %dma_wait3A_221 = tpu.memref_squeeze %dma_wait3A_220 : memref<1x80xi32, #tpu.memory_space<vmem>> -> memref<80xi32, #tpu.memory_space<vmem>>
      %dma_wait3A_222 = arith.constant 0 : i32
      %dma_wait3A_223 = tpu.memref_slice %arg3[%arg0, %arg1, %dma_wait3A_211, %dma_wait3A_222] : memref<2x16x128x80xi32, #tpu.memory_space<hbm>> -> memref<1x1x1x80xi32, #tpu.memory_space<hbm>>
      %dma_wait3A_224 = tpu.memref_squeeze %dma_wait3A_223 : memref<1x1x1x80xi32, #tpu.memory_space<hbm>> -> memref<80xi32, #tpu.memory_space<hbm>>
      tpu.wait_dma2 semaphore(%arg13 : memref<!tpu.dma_semaphore, #tpu.memory_space<semaphore_mem>>) src(%dma_wait3A_224 : memref<80xi32, #tpu.memory_space<hbm>>) dst(%dma_wait3A_221 : memref<80xi32, #tpu.memory_space<vmem>>)
      %dma_start3A_225 = arith.constant 0 : i32
      %dma_start3A_226 = arith.constant 0 : i32
      %dma_start3A_227 = tpu.memref_slice %arg6[%dma_start3A_225, %dma_start3A_226] : memref<1x80xi32, #tpu.memory_space<vmem>> -> memref<1x80xi32, #tpu.memory_space<vmem>>
      %dma_start3A_228 = tpu.memref_squeeze %dma_start3A_227 : memref<1x80xi32, #tpu.memory_space<vmem>> -> memref<80xi32, #tpu.memory_space<vmem>>
      %dma_start3A_229 = arith.constant 0 : i32
      %dma_start3A_230 = arith.constant 0 : i32
      %dma_start3A_231 = tpu.memref_slice %arg2[%dma_start3A_229, %dma_start3A_230] : memref<20480x128xf32, #tpu.memory_space<hbm>> -> memref<20480x128xf32, #tpu.memory_space<hbm>>
      tpu.enqueue_indirect_dma source(%dma_start3A_231 : memref<20480x128xf32, #tpu.memory_space<hbm>>) target(%arg10 : memref<80x128xf32, #tpu.memory_space<vmem>>) offsets(%dma_start3A_228 : memref<80xi32, #tpu.memory_space<vmem>>) semaphore(%arg17 : memref<!tpu.dma_semaphore, #tpu.memory_space<semaphore_mem>>)
      %dma_wait3A_232 = arith.constant 0 : i32
      %dma_wait3A_233 = arith.constant 0 : i32
      %dma_wait3A_234 = tpu.memref_slice %arg7[%dma_wait3A_232, %dma_wait3A_233] : memref<1x80xi32, #tpu.memory_space<vmem>> -> memref<1x80xi32, #tpu.memory_space<vmem>>
      %dma_wait3A_235 = tpu.memref_squeeze %dma_wait3A_234 : memref<1x80xi32, #tpu.memory_space<vmem>> -> memref<80xi32, #tpu.memory_space<vmem>>
      %dma_wait3A_236 = arith.constant 0 : i32
      %dma_wait3A_237 = arith.constant 0 : i32
      %dma_wait3A_238 = tpu.memref_slice %arg2[%dma_wait3A_236, %dma_wait3A_237] : memref<20480x128xf32, #tpu.memory_space<hbm>> -> memref<20480x128xf32, #tpu.memory_space<hbm>>
      tpu.wait_indirect_dma semaphore(%arg18 : memref<!tpu.dma_semaphore, #tpu.memory_space<semaphore_mem>>) src(%dma_wait3A_238 : memref<20480x128xf32, #tpu.memory_space<hbm>>) dst(%arg11 : memref<80x128xf32, #tpu.memory_space<vmem>>)
      %add3A_239 = arith.constant 3 : i32
      %add3A_240 = arith.addi %mul3A_135, %add3A_239 : i32
      %min3A_241 = arith.constant 127 : i32
      %min3A_242 = arith.minsi %add3A_240, %min3A_241 : i32
      %dma_start3A_243 = arith.constant 0 : i32
      %dma_start3A_244 = arith.constant 0 : i32
      %dma_start3A_245 = tpu.memref_slice %arg7[%dma_start3A_243, %dma_start3A_244] : memref<1x80xi32, #tpu.memory_space<vmem>> -> memref<1x80xi32, #tpu.memory_space<vmem>>
      %dma_start3A_246 = tpu.memref_squeeze %dma_start3A_245 : memref<1x80xi32, #tpu.memory_space<vmem>> -> memref<80xi32, #tpu.memory_space<vmem>>
      %dma_start3A_247 = arith.constant 0 : i32
      %dma_start3A_248 = tpu.memref_slice %arg3[%arg0, %arg1, %min3A_242, %dma_start3A_247] : memref<2x16x128x80xi32, #tpu.memory_space<hbm>> -> memref<1x1x1x80xi32, #tpu.memory_space<hbm>>
      %dma_start3A_249 = tpu.memref_squeeze %dma_start3A_248 : memref<1x1x1x80xi32, #tpu.memory_space<hbm>> -> memref<80xi32, #tpu.memory_space<hbm>>
      %dma_start3A_250 = arith.constant 0 : i32
      %dma_start3A_251 = tpu.memref_slice %arg7[%dma_start3A_243, %dma_start3A_250] : memref<1x80xi32, #tpu.memory_space<vmem>> -> memref<1x80xi32, #tpu.memory_space<vmem>>
      %dma_start3A_252 = tpu.memref_squeeze %dma_start3A_251 : memref<1x80xi32, #tpu.memory_space<vmem>> -> memref<80xi32, #tpu.memory_space<vmem>>
      %dma_start3A_253 = arith.constant 0 : i32
      %dma_start3A_254 = tpu.memref_slice %arg3[%arg0, %arg1, %min3A_242, %dma_start3A_253] : memref<2x16x128x80xi32, #tpu.memory_space<hbm>> -> memref<1x1x1x80xi32, #tpu.memory_space<hbm>>
      %dma_start3A_255 = tpu.memref_squeeze %dma_start3A_254 : memref<1x1x1x80xi32, #tpu.memory_space<hbm>> -> memref<80xi32, #tpu.memory_space<hbm>>
      tpu.enqueue_dma source(%dma_start3A_255 : memref<80xi32, #tpu.memory_space<hbm>>) target(%dma_start3A_252 : memref<80xi32, #tpu.memory_space<vmem>>) target_semaphore(%arg14 : memref<!tpu.dma_semaphore, #tpu.memory_space<semaphore_mem>>)
      %dma_wait3A_256 = arith.constant 0 : i32
      %dma_wait3A_257 = arith.constant 0 : i32
      %dma_wait3A_258 = arith.constant 0 : i32
      %dma_wait3A_259 = tpu.memref_slice %arg9[%dma_wait3A_257, %dma_wait3A_258] : memref<1x80xi32, #tpu.memory_space<vmem>> -> memref<1x80xi32, #tpu.memory_space<vmem>>
      %dma_wait3A_260 = tpu.memref_squeeze %dma_wait3A_259 : memref<1x80xi32, #tpu.memory_space<vmem>> -> memref<80xi32, #tpu.memory_space<vmem>>
      %dma_wait3A_261 = arith.constant 0 : i32
      %dma_wait3A_262 = tpu.memref_slice %arg4[%arg1, %dma_wait3A_256, %dma_wait3A_261] : memref<16x128x80xi32, #tpu.memory_space<hbm>> -> memref<1x1x80xi32, #tpu.memory_space<hbm>>
      %dma_wait3A_263 = tpu.memref_squeeze %dma_wait3A_262 : memref<1x1x80xi32, #tpu.memory_space<hbm>> -> memref<80xi32, #tpu.memory_space<hbm>>
      %dma_wait3A_264 = arith.constant 0 : i32
      %dma_wait3A_265 = tpu.memref_slice %arg9[%dma_wait3A_257, %dma_wait3A_264] : memref<1x80xi32, #tpu.memory_space<vmem>> -> memref<1x80xi32, #tpu.memory_space<vmem>>
      %dma_wait3A_266 = tpu.memref_squeeze %dma_wait3A_265 : memref<1x80xi32, #tpu.memory_space<vmem>> -> memref<80xi32, #tpu.memory_space<vmem>>
      %dma_wait3A_267 = arith.constant 0 : i32
      %dma_wait3A_268 = tpu.memref_slice %arg4[%arg1, %dma_wait3A_256, %dma_wait3A_267] : memref<16x128x80xi32, #tpu.memory_space<hbm>> -> memref<1x1x80xi32, #tpu.memory_space<hbm>>
      %dma_wait3A_269 = tpu.memref_squeeze %dma_wait3A_268 : memref<1x1x80xi32, #tpu.memory_space<hbm>> -> memref<80xi32, #tpu.memory_space<hbm>>
      tpu.wait_dma2 semaphore(%arg16 : memref<!tpu.dma_semaphore, #tpu.memory_space<semaphore_mem>>) src(%dma_wait3A_269 : memref<80xi32, #tpu.memory_space<hbm>>) dst(%dma_wait3A_266 : memref<80xi32, #tpu.memory_space<vmem>>)
      %run_scoped3A_270 = arith.constant 0 : i32
      "tpu.region"() ({
        %run_scoped3A_288 = tpu.sem_alloc : memref<!tpu.dma_semaphore, #tpu.memory_space<semaphore_mem>>
        %dma_start3A_289 = arith.constant 0 : i32
        %dma_start3A_290 = tpu.memref_slice %arg9[%run_scoped3A_270, %dma_start3A_289] : memref<1x80xi32, #tpu.memory_space<vmem>> -> memref<1x80xi32, #tpu.memory_space<vmem>>
        %dma_start3A_291 = tpu.memref_squeeze %dma_start3A_290 : memref<1x80xi32, #tpu.memory_space<vmem>> -> memref<80xi32, #tpu.memory_space<vmem>>
        %dma_start3A_292 = arith.constant 0 : i32
        %dma_start3A_293 = arith.constant 0 : i32
        %dma_start3A_294 = tpu.memref_slice %arg12[%dma_start3A_292, %dma_start3A_293] : memref<10240x128xf32, #tpu.memory_space<vmem_shared>> -> memref<10240x128xf32, #tpu.memory_space<vmem_shared>>
        tpu.enqueue_indirect_dma source(%arg11 : memref<80x128xf32, #tpu.memory_space<vmem>>) target(%dma_start3A_294 : memref<10240x128xf32, #tpu.memory_space<vmem_shared>>) offsets(%dma_start3A_291 : memref<80xi32, #tpu.memory_space<vmem>>) semaphore(%run_scoped3A_288 : memref<!tpu.dma_semaphore, #tpu.memory_space<semaphore_mem>>) {add = true}
        %dma_wait3A_295 = arith.constant 0 : i32
        %dma_wait3A_296 = tpu.memref_slice %arg9[%run_scoped3A_270, %dma_wait3A_295] : memref<1x80xi32, #tpu.memory_space<vmem>> -> memref<1x80xi32, #tpu.memory_space<vmem>>
        %dma_wait3A_297 = tpu.memref_squeeze %dma_wait3A_296 : memref<1x80xi32, #tpu.memory_space<vmem>> -> memref<80xi32, #tpu.memory_space<vmem>>
        %dma_wait3A_298 = arith.constant 0 : i32
        %dma_wait3A_299 = arith.constant 0 : i32
        %dma_wait3A_300 = tpu.memref_slice %arg12[%dma_wait3A_298, %dma_wait3A_299] : memref<10240x128xf32, #tpu.memory_space<vmem_shared>> -> memref<10240x128xf32, #tpu.memory_space<vmem_shared>>
        tpu.wait_indirect_dma semaphore(%run_scoped3A_288 : memref<!tpu.dma_semaphore, #tpu.memory_space<semaphore_mem>>) src(%arg11 : memref<80x128xf32, #tpu.memory_space<vmem>>) dst(%dma_wait3A_300 : memref<10240x128xf32, #tpu.memory_space<vmem_shared>>)
        tpu.yield
      }) : () -> ()
      %add3A_271 = arith.constant 3 : i32
      %add3A_272 = arith.addi %mul3A_135, %add3A_271 : i32
      %min3A_273 = arith.constant 127 : i32
      %min3A_274 = arith.minsi %add3A_272, %min3A_273 : i32
      %dma_start3A_275 = arith.constant 0 : i32
      %dma_start3A_276 = arith.constant 0 : i32
      %dma_start3A_277 = tpu.memref_slice %arg9[%dma_start3A_275, %dma_start3A_276] : memref<1x80xi32, #tpu.memory_space<vmem>> -> memref<1x80xi32, #tpu.memory_space<vmem>>
      %dma_start3A_278 = tpu.memref_squeeze %dma_start3A_277 : memref<1x80xi32, #tpu.memory_space<vmem>> -> memref<80xi32, #tpu.memory_space<vmem>>
      %dma_start3A_279 = arith.constant 0 : i32
      %dma_start3A_280 = tpu.memref_slice %arg4[%arg1, %min3A_274, %dma_start3A_279] : memref<16x128x80xi32, #tpu.memory_space<hbm>> -> memref<1x1x80xi32, #tpu.memory_space<hbm>>
      %dma_start3A_281 = tpu.memref_squeeze %dma_start3A_280 : memref<1x1x80xi32, #tpu.memory_space<hbm>> -> memref<80xi32, #tpu.memory_space<hbm>>
      %dma_start3A_282 = arith.constant 0 : i32
      %dma_start3A_283 = tpu.memref_slice %arg9[%dma_start3A_275, %dma_start3A_282] : memref<1x80xi32, #tpu.memory_space<vmem>> -> memref<1x80xi32, #tpu.memory_space<vmem>>
      %dma_start3A_284 = tpu.memref_squeeze %dma_start3A_283 : memref<1x80xi32, #tpu.memory_space<vmem>> -> memref<80xi32, #tpu.memory_space<vmem>>
      %dma_start3A_285 = arith.constant 0 : i32
      %dma_start3A_286 = tpu.memref_slice %arg4[%arg1, %min3A_274, %dma_start3A_285] : memref<16x128x80xi32, #tpu.memory_space<hbm>> -> memref<1x1x80xi32, #tpu.memory_space<hbm>>
      %dma_start3A_287 = tpu.memref_squeeze %dma_start3A_286 : memref<1x1x80xi32, #tpu.memory_space<hbm>> -> memref<80xi32, #tpu.memory_space<hbm>>
      tpu.enqueue_dma source(%dma_start3A_287 : memref<80xi32, #tpu.memory_space<hbm>>) target(%dma_start3A_284 : memref<80xi32, #tpu.memory_space<vmem>>) target_semaphore(%arg16 : memref<!tpu.dma_semaphore, #tpu.memory_space<semaphore_mem>>)
    }
    %scan3A_82 = arith.constant 64 : i32
    %dma_wait3A_83 = arith.constant 0 : i32
    %dma_wait3A_84 = arith.constant 0 : i32
    %dma_wait3A_85 = tpu.memref_slice %arg6[%dma_wait3A_83, %dma_wait3A_84] : memref<1x80xi32, #tpu.memory_space<vmem>> -> memref<1x80xi32, #tpu.memory_space<vmem>>
    %dma_wait3A_86 = tpu.memref_squeeze %dma_wait3A_85 : memref<1x80xi32, #tpu.memory_space<vmem>> -> memref<80xi32, #tpu.memory_space<vmem>>
    %dma_wait3A_87 = arith.constant 0 : i32
    %dma_wait3A_88 = arith.constant 0 : i32
    %dma_wait3A_89 = tpu.memref_slice %arg2[%dma_wait3A_87, %dma_wait3A_88] : memref<20480x128xf32, #tpu.memory_space<hbm>> -> memref<20480x128xf32, #tpu.memory_space<hbm>>
    tpu.wait_indirect_dma semaphore(%arg17 : memref<!tpu.dma_semaphore, #tpu.memory_space<semaphore_mem>>) src(%dma_wait3A_89 : memref<20480x128xf32, #tpu.memory_space<hbm>>) dst(%arg10 : memref<80x128xf32, #tpu.memory_space<vmem>>)
    %dma_wait3A_90 = arith.constant 0 : i32
    %dma_wait3A_91 = arith.constant 0 : i32
    %dma_wait3A_92 = arith.constant 0 : i32
    %dma_wait3A_93 = tpu.memref_slice %arg7[%dma_wait3A_91, %dma_wait3A_92] : memref<1x80xi32, #tpu.memory_space<vmem>> -> memref<1x80xi32, #tpu.memory_space<vmem>>
    %dma_wait3A_94 = tpu.memref_squeeze %dma_wait3A_93 : memref<1x80xi32, #tpu.memory_space<vmem>> -> memref<80xi32, #tpu.memory_space<vmem>>
    %dma_wait3A_95 = arith.constant 0 : i32
    %dma_wait3A_96 = tpu.memref_slice %arg3[%arg0, %arg1, %dma_wait3A_90, %dma_wait3A_95] : memref<2x16x128x80xi32, #tpu.memory_space<hbm>> -> memref<1x1x1x80xi32, #tpu.memory_space<hbm>>
    %dma_wait3A_97 = tpu.memref_squeeze %dma_wait3A_96 : memref<1x1x1x80xi32, #tpu.memory_space<hbm>> -> memref<80xi32, #tpu.memory_space<hbm>>
    %dma_wait3A_98 = arith.constant 0 : i32
    %dma_wait3A_99 = tpu.memref_slice %arg7[%dma_wait3A_91, %dma_wait3A_98] : memref<1x80xi32, #tpu.memory_space<vmem>> -> memref<1x80xi32, #tpu.memory_space<vmem>>
    %dma_wait3A_100 = tpu.memref_squeeze %dma_wait3A_99 : memref<1x80xi32, #tpu.memory_space<vmem>> -> memref<80xi32, #tpu.memory_space<vmem>>
    %dma_wait3A_101 = arith.constant 0 : i32
    %dma_wait3A_102 = tpu.memref_slice %arg3[%arg0, %arg1, %dma_wait3A_90, %dma_wait3A_101] : memref<2x16x128x80xi32, #tpu.memory_space<hbm>> -> memref<1x1x1x80xi32, #tpu.memory_space<hbm>>
    %dma_wait3A_103 = tpu.memref_squeeze %dma_wait3A_102 : memref<1x1x1x80xi32, #tpu.memory_space<hbm>> -> memref<80xi32, #tpu.memory_space<hbm>>
    tpu.wait_dma2 semaphore(%arg14 : memref<!tpu.dma_semaphore, #tpu.memory_space<semaphore_mem>>) src(%dma_wait3A_103 : memref<80xi32, #tpu.memory_space<hbm>>) dst(%dma_wait3A_100 : memref<80xi32, #tpu.memory_space<vmem>>)
    %dma_wait3A_104 = arith.constant 0 : i32
    %dma_wait3A_105 = arith.constant 0 : i32
    %dma_wait3A_106 = arith.constant 0 : i32
    %dma_wait3A_107 = tpu.memref_slice %arg8[%dma_wait3A_105, %dma_wait3A_106] : memref<1x80xi32, #tpu.memory_space<vmem>> -> memref<1x80xi32, #tpu.memory_space<vmem>>
    %dma_wait3A_108 = tpu.memref_squeeze %dma_wait3A_107 : memref<1x80xi32, #tpu.memory_space<vmem>> -> memref<80xi32, #tpu.memory_space<vmem>>
    %dma_wait3A_109 = arith.constant 0 : i32
    %dma_wait3A_110 = tpu.memref_slice %arg4[%arg1, %dma_wait3A_104, %dma_wait3A_109] : memref<16x128x80xi32, #tpu.memory_space<hbm>> -> memref<1x1x80xi32, #tpu.memory_space<hbm>>
    %dma_wait3A_111 = tpu.memref_squeeze %dma_wait3A_110 : memref<1x1x80xi32, #tpu.memory_space<hbm>> -> memref<80xi32, #tpu.memory_space<hbm>>
    %dma_wait3A_112 = arith.constant 0 : i32
    %dma_wait3A_113 = tpu.memref_slice %arg8[%dma_wait3A_105, %dma_wait3A_112] : memref<1x80xi32, #tpu.memory_space<vmem>> -> memref<1x80xi32, #tpu.memory_space<vmem>>
    %dma_wait3A_114 = tpu.memref_squeeze %dma_wait3A_113 : memref<1x80xi32, #tpu.memory_space<vmem>> -> memref<80xi32, #tpu.memory_space<vmem>>
    %dma_wait3A_115 = arith.constant 0 : i32
    %dma_wait3A_116 = tpu.memref_slice %arg4[%arg1, %dma_wait3A_104, %dma_wait3A_115] : memref<16x128x80xi32, #tpu.memory_space<hbm>> -> memref<1x1x80xi32, #tpu.memory_space<hbm>>
    %dma_wait3A_117 = tpu.memref_squeeze %dma_wait3A_116 : memref<1x1x80xi32, #tpu.memory_space<hbm>> -> memref<80xi32, #tpu.memory_space<hbm>>
    tpu.wait_dma2 semaphore(%arg15 : memref<!tpu.dma_semaphore, #tpu.memory_space<semaphore_mem>>) src(%dma_wait3A_117 : memref<80xi32, #tpu.memory_space<hbm>>) dst(%dma_wait3A_114 : memref<80xi32, #tpu.memory_space<vmem>>)
    %dma_wait3A_118 = arith.constant 0 : i32
    %dma_wait3A_119 = arith.constant 0 : i32
    %dma_wait3A_120 = arith.constant 0 : i32
    %dma_wait3A_121 = tpu.memref_slice %arg9[%dma_wait3A_119, %dma_wait3A_120] : memref<1x80xi32, #tpu.memory_space<vmem>> -> memref<1x80xi32, #tpu.memory_space<vmem>>
    %dma_wait3A_122 = tpu.memref_squeeze %dma_wait3A_121 : memref<1x80xi32, #tpu.memory_space<vmem>> -> memref<80xi32, #tpu.memory_space<vmem>>
    %dma_wait3A_123 = arith.constant 0 : i32
    %dma_wait3A_124 = tpu.memref_slice %arg4[%arg1, %dma_wait3A_118, %dma_wait3A_123] : memref<16x128x80xi32, #tpu.memory_space<hbm>> -> memref<1x1x80xi32, #tpu.memory_space<hbm>>
    %dma_wait3A_125 = tpu.memref_squeeze %dma_wait3A_124 : memref<1x1x80xi32, #tpu.memory_space<hbm>> -> memref<80xi32, #tpu.memory_space<hbm>>
    %dma_wait3A_126 = arith.constant 0 : i32
    %dma_wait3A_127 = tpu.memref_slice %arg9[%dma_wait3A_119, %dma_wait3A_126] : memref<1x80xi32, #tpu.memory_space<vmem>> -> memref<1x80xi32, #tpu.memory_space<vmem>>
    %dma_wait3A_128 = tpu.memref_squeeze %dma_wait3A_127 : memref<1x80xi32, #tpu.memory_space<vmem>> -> memref<80xi32, #tpu.memory_space<vmem>>
    %dma_wait3A_129 = arith.constant 0 : i32
    %dma_wait3A_130 = tpu.memref_slice %arg4[%arg1, %dma_wait3A_118, %dma_wait3A_129] : memref<16x128x80xi32, #tpu.memory_space<hbm>> -> memref<1x1x80xi32, #tpu.memory_space<hbm>>
    %dma_wait3A_131 = tpu.memref_squeeze %dma_wait3A_130 : memref<1x1x80xi32, #tpu.memory_space<hbm>> -> memref<80xi32, #tpu.memory_space<hbm>>
    tpu.wait_dma2 semaphore(%arg16 : memref<!tpu.dma_semaphore, #tpu.memory_space<semaphore_mem>>) src(%dma_wait3A_131 : memref<80xi32, #tpu.memory_space<hbm>>) dst(%dma_wait3A_128 : memref<80xi32, #tpu.memory_space<vmem>>)
    %barrier3A_132 = arith.constant 0 : index
    tpu.barrier barrier_id(%barrier3A_132)
    "tpu.region"() ({
      %run_scoped3A = tpu.sem_alloc : memref<!tpu.dma_semaphore, #tpu.memory_space<semaphore_mem>>
      %dma_start3A_133 = arith.constant 0 : i32
      %dma_start3A_134 = tpu.memref_slice %arg5[%arg0, %mul3A_0, %dma_start3A_133] : memref<2x10240x128xf32, #tpu.memory_space<hbm>> -> memref<1x640x128xf32, #tpu.memory_space<hbm>>
      %dma_start3A_135 = tpu.memref_squeeze %dma_start3A_134 : memref<1x640x128xf32, #tpu.memory_space<hbm>> -> memref<640x128xf32, #tpu.memory_space<hbm>>
      %dma_start3A_136 = arith.constant 0 : i32
      %dma_start3A_137 = tpu.memref_slice %arg12[%mul3A_0, %dma_start3A_136] : memref<10240x128xf32, #tpu.memory_space<vmem_shared>> -> memref<640x128xf32, #tpu.memory_space<vmem_shared>>
      tpu.enqueue_dma source(%dma_start3A_137 : memref<640x128xf32, #tpu.memory_space<vmem_shared>>) target(%dma_start3A_135 : memref<640x128xf32, #tpu.memory_space<hbm>>) target_semaphore(%run_scoped3A : memref<!tpu.dma_semaphore, #tpu.memory_space<semaphore_mem>>)
      %dma_wait3A_138 = arith.constant 0 : i32
      %dma_wait3A_139 = tpu.memref_slice %arg5[%arg0, %mul3A_0, %dma_wait3A_138] : memref<2x10240x128xf32, #tpu.memory_space<hbm>> -> memref<1x640x128xf32, #tpu.memory_space<hbm>>
      %dma_wait3A_140 = tpu.memref_squeeze %dma_wait3A_139 : memref<1x640x128xf32, #tpu.memory_space<hbm>> -> memref<640x128xf32, #tpu.memory_space<hbm>>
      %dma_wait3A_141 = arith.constant 0 : i32
      %dma_wait3A_142 = tpu.memref_slice %arg12[%mul3A_0, %dma_wait3A_141] : memref<10240x128xf32, #tpu.memory_space<vmem_shared>> -> memref<640x128xf32, #tpu.memory_space<vmem_shared>>
      tpu.wait_dma2 semaphore(%run_scoped3A : memref<!tpu.dma_semaphore, #tpu.memory_space<semaphore_mem>>) src(%dma_wait3A_142 : memref<640x128xf32, #tpu.memory_space<vmem_shared>>) dst(%dma_wait3A_140 : memref<640x128xf32, #tpu.memory_space<hbm>>)
      tpu.yield
    }) : () -> ()
    return
  }
}

#map = affine_map<(d0, d1) -> (0, 0)>
#map1 = affine_map<(d0, d1) -> (0, 0, 0, 0)>
#map2 = affine_map<(d0, d1) -> (0, 0, 0)>
module attributes {stable_mosaic.version = 14 : i64} {
  func.func @_sc_aggregate(%arg0: i32, %arg1: i32, %arg2: memref<20480x128xf32, #tpu.memory_space<hbm>>, %arg3: memref<2x16x128x80xi32, #tpu.memory_space<hbm>>, %arg4: memref<16x128x80xi32, #tpu.memory_space<hbm>>, %arg5: memref<2x10240x128xf32, #tpu.memory_space<hbm>>, %arg6: memref<1x80xi32, #tpu.memory_space<vmem>>, %arg7: memref<1x80xi32, #tpu.memory_space<vmem>>, %arg8: memref<1x80xi32, #tpu.memory_space<vmem>>, %arg9: memref<1x80xi32, #tpu.memory_space<vmem>>, %arg10: memref<80x128xf32, #tpu.memory_space<vmem>>, %arg11: memref<80x128xf32, #tpu.memory_space<vmem>>, %arg12: memref<10240x128xf32, #tpu.memory_space<vmem_shared>>, %arg13: memref<!tpu.dma_semaphore, #tpu.memory_space<semaphore_mem>>, %arg14: memref<!tpu.dma_semaphore, #tpu.memory_space<semaphore_mem>>, %arg15: memref<!tpu.dma_semaphore, #tpu.memory_space<semaphore_mem>>, %arg16: memref<!tpu.dma_semaphore, #tpu.memory_space<semaphore_mem>>, %arg17: memref<!tpu.dma_semaphore, #tpu.memory_space<semaphore_mem>>, %arg18: memref<!tpu.dma_semaphore, #tpu.memory_space<semaphore_mem>>) attributes {dimension_semantics = [#tpu.dimension_semantics<core_parallel>, #tpu.dimension_semantics<subcore_parallel>], iteration_bounds = array<i64: 2, 16>, scalar_prefetch = 0 : i64, scratch_operands = 13 : i64, tpu.core_type = #tpu.core_type<sc_vector_subcore>, window_params = [{transform_indices = #map}, {transform_indices = #map1}, {transform_indices = #map2}, {transform_indices = #map2}]} {
    %mul3A = arith.constant 640 : i32
    %mul3A_0 = arith.muli %arg1, %mul3A : i32
    %dma_start3A = arith.constant 0 : i32
    %dma_start3A_1 = arith.constant 0 : i32
    %dma_start3A_2 = arith.constant 0 : i32
    %dma_start3A_3 = tpu.memref_slice %arg6[%dma_start3A_1, %dma_start3A_2] : memref<1x80xi32, #tpu.memory_space<vmem>> -> memref<1x80xi32, #tpu.memory_space<vmem>>
    %dma_start3A_4 = tpu.memref_squeeze %dma_start3A_3 : memref<1x80xi32, #tpu.memory_space<vmem>> -> memref<80xi32, #tpu.memory_space<vmem>>
    %dma_start3A_5 = arith.constant 0 : i32
    %dma_start3A_6 = tpu.memref_slice %arg3[%arg0, %arg1, %dma_start3A, %dma_start3A_5] : memref<2x16x128x80xi32, #tpu.memory_space<hbm>> -> memref<1x1x1x80xi32, #tpu.memory_space<hbm>>
    %dma_start3A_7 = tpu.memref_squeeze %dma_start3A_6 : memref<1x1x1x80xi32, #tpu.memory_space<hbm>> -> memref<80xi32, #tpu.memory_space<hbm>>
    %dma_start3A_8 = arith.constant 0 : i32
    %dma_start3A_9 = tpu.memref_slice %arg6[%dma_start3A_1, %dma_start3A_8] : memref<1x80xi32, #tpu.memory_space<vmem>> -> memref<1x80xi32, #tpu.memory_space<vmem>>
    %dma_start3A_10 = tpu.memref_squeeze %dma_start3A_9 : memref<1x80xi32, #tpu.memory_space<vmem>> -> memref<80xi32, #tpu.memory_space<vmem>>
    %dma_start3A_11 = arith.constant 0 : i32
    %dma_start3A_12 = tpu.memref_slice %arg3[%arg0, %arg1, %dma_start3A, %dma_start3A_11] : memref<2x16x128x80xi32, #tpu.memory_space<hbm>> -> memref<1x1x1x80xi32, #tpu.memory_space<hbm>>
    %dma_start3A_13 = tpu.memref_squeeze %dma_start3A_12 : memref<1x1x1x80xi32, #tpu.memory_space<hbm>> -> memref<80xi32, #tpu.memory_space<hbm>>
    tpu.enqueue_dma source(%dma_start3A_13 : memref<80xi32, #tpu.memory_space<hbm>>) target(%dma_start3A_10 : memref<80xi32, #tpu.memory_space<vmem>>) target_semaphore(%arg13 : memref<!tpu.dma_semaphore, #tpu.memory_space<semaphore_mem>>)
    %dma_start3A_14 = arith.constant 0 : i32
    %dma_start3A_15 = arith.constant 0 : i32
    %dma_start3A_16 = arith.constant 0 : i32
    %dma_start3A_17 = tpu.memref_slice %arg8[%dma_start3A_15, %dma_start3A_16] : memref<1x80xi32, #tpu.memory_space<vmem>> -> memref<1x80xi32, #tpu.memory_space<vmem>>
    %dma_start3A_18 = tpu.memref_squeeze %dma_start3A_17 : memref<1x80xi32, #tpu.memory_space<vmem>> -> memref<80xi32, #tpu.memory_space<vmem>>
    %dma_start3A_19 = arith.constant 0 : i32
    %dma_start3A_20 = tpu.memref_slice %arg4[%arg1, %dma_start3A_14, %dma_start3A_19] : memref<16x128x80xi32, #tpu.memory_space<hbm>> -> memref<1x1x80xi32, #tpu.memory_space<hbm>>
    %dma_start3A_21 = tpu.memref_squeeze %dma_start3A_20 : memref<1x1x80xi32, #tpu.memory_space<hbm>> -> memref<80xi32, #tpu.memory_space<hbm>>
    %dma_start3A_22 = arith.constant 0 : i32
    %dma_start3A_23 = tpu.memref_slice %arg8[%dma_start3A_15, %dma_start3A_22] : memref<1x80xi32, #tpu.memory_space<vmem>> -> memref<1x80xi32, #tpu.memory_space<vmem>>
    %dma_start3A_24 = tpu.memref_squeeze %dma_start3A_23 : memref<1x80xi32, #tpu.memory_space<vmem>> -> memref<80xi32, #tpu.memory_space<vmem>>
    %dma_start3A_25 = arith.constant 0 : i32
    %dma_start3A_26 = tpu.memref_slice %arg4[%arg1, %dma_start3A_14, %dma_start3A_25] : memref<16x128x80xi32, #tpu.memory_space<hbm>> -> memref<1x1x80xi32, #tpu.memory_space<hbm>>
    %dma_start3A_27 = tpu.memref_squeeze %dma_start3A_26 : memref<1x1x80xi32, #tpu.memory_space<hbm>> -> memref<80xi32, #tpu.memory_space<hbm>>
    tpu.enqueue_dma source(%dma_start3A_27 : memref<80xi32, #tpu.memory_space<hbm>>) target(%dma_start3A_24 : memref<80xi32, #tpu.memory_space<vmem>>) target_semaphore(%arg15 : memref<!tpu.dma_semaphore, #tpu.memory_space<semaphore_mem>>)
    %dma_start3A_28 = arith.constant 1 : i32
    %dma_start3A_29 = arith.constant 0 : i32
    %dma_start3A_30 = arith.constant 0 : i32
    %dma_start3A_31 = tpu.memref_slice %arg7[%dma_start3A_29, %dma_start3A_30] : memref<1x80xi32, #tpu.memory_space<vmem>> -> memref<1x80xi32, #tpu.memory_space<vmem>>
    %dma_start3A_32 = tpu.memref_squeeze %dma_start3A_31 : memref<1x80xi32, #tpu.memory_space<vmem>> -> memref<80xi32, #tpu.memory_space<vmem>>
    %dma_start3A_33 = arith.constant 0 : i32
    %dma_start3A_34 = tpu.memref_slice %arg3[%arg0, %arg1, %dma_start3A_28, %dma_start3A_33] : memref<2x16x128x80xi32, #tpu.memory_space<hbm>> -> memref<1x1x1x80xi32, #tpu.memory_space<hbm>>
    %dma_start3A_35 = tpu.memref_squeeze %dma_start3A_34 : memref<1x1x1x80xi32, #tpu.memory_space<hbm>> -> memref<80xi32, #tpu.memory_space<hbm>>
    %dma_start3A_36 = arith.constant 0 : i32
    %dma_start3A_37 = tpu.memref_slice %arg7[%dma_start3A_29, %dma_start3A_36] : memref<1x80xi32, #tpu.memory_space<vmem>> -> memref<1x80xi32, #tpu.memory_space<vmem>>
    %dma_start3A_38 = tpu.memref_squeeze %dma_start3A_37 : memref<1x80xi32, #tpu.memory_space<vmem>> -> memref<80xi32, #tpu.memory_space<vmem>>
    %dma_start3A_39 = arith.constant 0 : i32
    %dma_start3A_40 = tpu.memref_slice %arg3[%arg0, %arg1, %dma_start3A_28, %dma_start3A_39] : memref<2x16x128x80xi32, #tpu.memory_space<hbm>> -> memref<1x1x1x80xi32, #tpu.memory_space<hbm>>
    %dma_start3A_41 = tpu.memref_squeeze %dma_start3A_40 : memref<1x1x1x80xi32, #tpu.memory_space<hbm>> -> memref<80xi32, #tpu.memory_space<hbm>>
    tpu.enqueue_dma source(%dma_start3A_41 : memref<80xi32, #tpu.memory_space<hbm>>) target(%dma_start3A_38 : memref<80xi32, #tpu.memory_space<vmem>>) target_semaphore(%arg14 : memref<!tpu.dma_semaphore, #tpu.memory_space<semaphore_mem>>)
    %dma_start3A_42 = arith.constant 1 : i32
    %dma_start3A_43 = arith.constant 0 : i32
    %dma_start3A_44 = arith.constant 0 : i32
    %dma_start3A_45 = tpu.memref_slice %arg9[%dma_start3A_43, %dma_start3A_44] : memref<1x80xi32, #tpu.memory_space<vmem>> -> memref<1x80xi32, #tpu.memory_space<vmem>>
    %dma_start3A_46 = tpu.memref_squeeze %dma_start3A_45 : memref<1x80xi32, #tpu.memory_space<vmem>> -> memref<80xi32, #tpu.memory_space<vmem>>
    %dma_start3A_47 = arith.constant 0 : i32
    %dma_start3A_48 = tpu.memref_slice %arg4[%arg1, %dma_start3A_42, %dma_start3A_47] : memref<16x128x80xi32, #tpu.memory_space<hbm>> -> memref<1x1x80xi32, #tpu.memory_space<hbm>>
    %dma_start3A_49 = tpu.memref_squeeze %dma_start3A_48 : memref<1x1x80xi32, #tpu.memory_space<hbm>> -> memref<80xi32, #tpu.memory_space<hbm>>
    %dma_start3A_50 = arith.constant 0 : i32
    %dma_start3A_51 = tpu.memref_slice %arg9[%dma_start3A_43, %dma_start3A_50] : memref<1x80xi32, #tpu.memory_space<vmem>> -> memref<1x80xi32, #tpu.memory_space<vmem>>
    %dma_start3A_52 = tpu.memref_squeeze %dma_start3A_51 : memref<1x80xi32, #tpu.memory_space<vmem>> -> memref<80xi32, #tpu.memory_space<vmem>>
    %dma_start3A_53 = arith.constant 0 : i32
    %dma_start3A_54 = tpu.memref_slice %arg4[%arg1, %dma_start3A_42, %dma_start3A_53] : memref<16x128x80xi32, #tpu.memory_space<hbm>> -> memref<1x1x80xi32, #tpu.memory_space<hbm>>
    %dma_start3A_55 = tpu.memref_squeeze %dma_start3A_54 : memref<1x1x80xi32, #tpu.memory_space<hbm>> -> memref<80xi32, #tpu.memory_space<hbm>>
    tpu.enqueue_dma source(%dma_start3A_55 : memref<80xi32, #tpu.memory_space<hbm>>) target(%dma_start3A_52 : memref<80xi32, #tpu.memory_space<vmem>>) target_semaphore(%arg16 : memref<!tpu.dma_semaphore, #tpu.memory_space<semaphore_mem>>)
    %mul3A_56 = arith.constant 10240 : i32
    %mul3A_57 = arith.muli %arg0, %mul3A_56 : i32
    %add3A = arith.addi %mul3A_57, %mul3A_0 : i32
    "tpu.region"() ({
      %run_scoped3A = tpu.sem_alloc : memref<!tpu.dma_semaphore, #tpu.memory_space<semaphore_mem>>
      %dma_start3A_133 = arith.constant 0 : i32
      %dma_start3A_134 = tpu.memref_slice %arg12[%mul3A_0, %dma_start3A_133] : memref<10240x128xf32, #tpu.memory_space<vmem_shared>> -> memref<640x128xf32, #tpu.memory_space<vmem_shared>>
      %dma_start3A_135 = arith.constant 0 : i32
      %dma_start3A_136 = tpu.memref_slice %arg2[%add3A, %dma_start3A_135] : memref<20480x128xf32, #tpu.memory_space<hbm>> -> memref<640x128xf32, #tpu.memory_space<hbm>>
      tpu.enqueue_dma source(%dma_start3A_136 : memref<640x128xf32, #tpu.memory_space<hbm>>) target(%dma_start3A_134 : memref<640x128xf32, #tpu.memory_space<vmem_shared>>) target_semaphore(%run_scoped3A : memref<!tpu.dma_semaphore, #tpu.memory_space<semaphore_mem>>)
      %dma_wait3A_137 = arith.constant 0 : i32
      %dma_wait3A_138 = tpu.memref_slice %arg12[%mul3A_0, %dma_wait3A_137] : memref<10240x128xf32, #tpu.memory_space<vmem_shared>> -> memref<640x128xf32, #tpu.memory_space<vmem_shared>>
      %dma_wait3A_139 = arith.constant 0 : i32
      %dma_wait3A_140 = tpu.memref_slice %arg2[%add3A, %dma_wait3A_139] : memref<20480x128xf32, #tpu.memory_space<hbm>> -> memref<640x128xf32, #tpu.memory_space<hbm>>
      tpu.wait_dma2 semaphore(%run_scoped3A : memref<!tpu.dma_semaphore, #tpu.memory_space<semaphore_mem>>) src(%dma_wait3A_140 : memref<640x128xf32, #tpu.memory_space<hbm>>) dst(%dma_wait3A_138 : memref<640x128xf32, #tpu.memory_space<vmem_shared>>)
      tpu.yield
    }) : () -> ()
    %barrier3A = arith.constant 0 : index
    tpu.barrier barrier_id(%barrier3A)
    %dma_wait3A = arith.constant 0 : i32
    %dma_wait3A_58 = arith.constant 0 : i32
    %dma_wait3A_59 = arith.constant 0 : i32
    %dma_wait3A_60 = tpu.memref_slice %arg6[%dma_wait3A_58, %dma_wait3A_59] : memref<1x80xi32, #tpu.memory_space<vmem>> -> memref<1x80xi32, #tpu.memory_space<vmem>>
    %dma_wait3A_61 = tpu.memref_squeeze %dma_wait3A_60 : memref<1x80xi32, #tpu.memory_space<vmem>> -> memref<80xi32, #tpu.memory_space<vmem>>
    %dma_wait3A_62 = arith.constant 0 : i32
    %dma_wait3A_63 = tpu.memref_slice %arg3[%arg0, %arg1, %dma_wait3A, %dma_wait3A_62] : memref<2x16x128x80xi32, #tpu.memory_space<hbm>> -> memref<1x1x1x80xi32, #tpu.memory_space<hbm>>
    %dma_wait3A_64 = tpu.memref_squeeze %dma_wait3A_63 : memref<1x1x1x80xi32, #tpu.memory_space<hbm>> -> memref<80xi32, #tpu.memory_space<hbm>>
    %dma_wait3A_65 = arith.constant 0 : i32
    %dma_wait3A_66 = tpu.memref_slice %arg6[%dma_wait3A_58, %dma_wait3A_65] : memref<1x80xi32, #tpu.memory_space<vmem>> -> memref<1x80xi32, #tpu.memory_space<vmem>>
    %dma_wait3A_67 = tpu.memref_squeeze %dma_wait3A_66 : memref<1x80xi32, #tpu.memory_space<vmem>> -> memref<80xi32, #tpu.memory_space<vmem>>
    %dma_wait3A_68 = arith.constant 0 : i32
    %dma_wait3A_69 = tpu.memref_slice %arg3[%arg0, %arg1, %dma_wait3A, %dma_wait3A_68] : memref<2x16x128x80xi32, #tpu.memory_space<hbm>> -> memref<1x1x1x80xi32, #tpu.memory_space<hbm>>
    %dma_wait3A_70 = tpu.memref_squeeze %dma_wait3A_69 : memref<1x1x1x80xi32, #tpu.memory_space<hbm>> -> memref<80xi32, #tpu.memory_space<hbm>>
    tpu.wait_dma2 semaphore(%arg13 : memref<!tpu.dma_semaphore, #tpu.memory_space<semaphore_mem>>) src(%dma_wait3A_70 : memref<80xi32, #tpu.memory_space<hbm>>) dst(%dma_wait3A_67 : memref<80xi32, #tpu.memory_space<vmem>>)
    %dma_start3A_71 = arith.constant 0 : i32
    %dma_start3A_72 = arith.constant 0 : i32
    %dma_start3A_73 = tpu.memref_slice %arg6[%dma_start3A_71, %dma_start3A_72] : memref<1x80xi32, #tpu.memory_space<vmem>> -> memref<1x80xi32, #tpu.memory_space<vmem>>
    %dma_start3A_74 = tpu.memref_squeeze %dma_start3A_73 : memref<1x80xi32, #tpu.memory_space<vmem>> -> memref<80xi32, #tpu.memory_space<vmem>>
    %dma_start3A_75 = arith.constant 0 : i32
    %dma_start3A_76 = arith.constant 0 : i32
    %dma_start3A_77 = tpu.memref_slice %arg2[%dma_start3A_75, %dma_start3A_76] : memref<20480x128xf32, #tpu.memory_space<hbm>> -> memref<20480x128xf32, #tpu.memory_space<hbm>>
    tpu.enqueue_indirect_dma source(%dma_start3A_77 : memref<20480x128xf32, #tpu.memory_space<hbm>>) target(%arg10 : memref<80x128xf32, #tpu.memory_space<vmem>>) offsets(%dma_start3A_74 : memref<80xi32, #tpu.memory_space<vmem>>) semaphore(%arg17 : memref<!tpu.dma_semaphore, #tpu.memory_space<semaphore_mem>>)
    %scan3A = arith.constant 0 : i32
    %scan3A_78 = arith.constant 0 : i32
    %scan3A_79 = arith.constant 64 : i32
    %scan3A_80 = arith.addi %scan3A_78, %scan3A_79 : i32
    %scan3A_81 = arith.constant 1 : i32
    scf.for %scan3A_133 = %scan3A_78 to %scan3A_80 step %scan3A_81  : i32 {
      %mul3A_134 = arith.constant 2 : i32
      %mul3A_135 = arith.muli %mul3A_134, %scan3A_133 : i32
      %dma_wait3A_136 = arith.constant 0 : i32
      %dma_wait3A_137 = arith.constant 0 : i32
      %dma_wait3A_138 = arith.constant 0 : i32
      %dma_wait3A_139 = tpu.memref_slice %arg7[%dma_wait3A_137, %dma_wait3A_138] : memref<1x80xi32, #tpu.memory_space<vmem>> -> memref<1x80xi32, #tpu.memory_space<vmem>>
      %dma_wait3A_140 = tpu.memref_squeeze %dma_wait3A_139 : memref<1x80xi32, #tpu.memory_space<vmem>> -> memref<80xi32, #tpu.memory_space<vmem>>
      %dma_wait3A_141 = arith.constant 0 : i32
      %dma_wait3A_142 = tpu.memref_slice %arg3[%arg0, %arg1, %dma_wait3A_136, %dma_wait3A_141] : memref<2x16x128x80xi32, #tpu.memory_space<hbm>> -> memref<1x1x1x80xi32, #tpu.memory_space<hbm>>
      %dma_wait3A_143 = tpu.memref_squeeze %dma_wait3A_142 : memref<1x1x1x80xi32, #tpu.memory_space<hbm>> -> memref<80xi32, #tpu.memory_space<hbm>>
      %dma_wait3A_144 = arith.constant 0 : i32
      %dma_wait3A_145 = tpu.memref_slice %arg7[%dma_wait3A_137, %dma_wait3A_144] : memref<1x80xi32, #tpu.memory_space<vmem>> -> memref<1x80xi32, #tpu.memory_space<vmem>>
      %dma_wait3A_146 = tpu.memref_squeeze %dma_wait3A_145 : memref<1x80xi32, #tpu.memory_space<vmem>> -> memref<80xi32, #tpu.memory_space<vmem>>
      %dma_wait3A_147 = arith.constant 0 : i32
      %dma_wait3A_148 = tpu.memref_slice %arg3[%arg0, %arg1, %dma_wait3A_136, %dma_wait3A_147] : memref<2x16x128x80xi32, #tpu.memory_space<hbm>> -> memref<1x1x1x80xi32, #tpu.memory_space<hbm>>
      %dma_wait3A_149 = tpu.memref_squeeze %dma_wait3A_148 : memref<1x1x1x80xi32, #tpu.memory_space<hbm>> -> memref<80xi32, #tpu.memory_space<hbm>>
      tpu.wait_dma2 semaphore(%arg14 : memref<!tpu.dma_semaphore, #tpu.memory_space<semaphore_mem>>) src(%dma_wait3A_149 : memref<80xi32, #tpu.memory_space<hbm>>) dst(%dma_wait3A_146 : memref<80xi32, #tpu.memory_space<vmem>>)
      %dma_start3A_150 = arith.constant 0 : i32
      %dma_start3A_151 = arith.constant 0 : i32
      %dma_start3A_152 = tpu.memref_slice %arg7[%dma_start3A_150, %dma_start3A_151] : memref<1x80xi32, #tpu.memory_space<vmem>> -> memref<1x80xi32, #tpu.memory_space<vmem>>
      %dma_start3A_153 = tpu.memref_squeeze %dma_start3A_152 : memref<1x80xi32, #tpu.memory_space<vmem>> -> memref<80xi32, #tpu.memory_space<vmem>>
      %dma_start3A_154 = arith.constant 0 : i32
      %dma_start3A_155 = arith.constant 0 : i32
      %dma_start3A_156 = tpu.memref_slice %arg2[%dma_start3A_154, %dma_start3A_155] : memref<20480x128xf32, #tpu.memory_space<hbm>> -> memref<20480x128xf32, #tpu.memory_space<hbm>>
      tpu.enqueue_indirect_dma source(%dma_start3A_156 : memref<20480x128xf32, #tpu.memory_space<hbm>>) target(%arg11 : memref<80x128xf32, #tpu.memory_space<vmem>>) offsets(%dma_start3A_153 : memref<80xi32, #tpu.memory_space<vmem>>) semaphore(%arg18 : memref<!tpu.dma_semaphore, #tpu.memory_space<semaphore_mem>>)
      %dma_wait3A_157 = arith.constant 0 : i32
      %dma_wait3A_158 = arith.constant 0 : i32
      %dma_wait3A_159 = tpu.memref_slice %arg6[%dma_wait3A_157, %dma_wait3A_158] : memref<1x80xi32, #tpu.memory_space<vmem>> -> memref<1x80xi32, #tpu.memory_space<vmem>>
      %dma_wait3A_160 = tpu.memref_squeeze %dma_wait3A_159 : memref<1x80xi32, #tpu.memory_space<vmem>> -> memref<80xi32, #tpu.memory_space<vmem>>
      %dma_wait3A_161 = arith.constant 0 : i32
      %dma_wait3A_162 = arith.constant 0 : i32
      %dma_wait3A_163 = tpu.memref_slice %arg2[%dma_wait3A_161, %dma_wait3A_162] : memref<20480x128xf32, #tpu.memory_space<hbm>> -> memref<20480x128xf32, #tpu.memory_space<hbm>>
      tpu.wait_indirect_dma semaphore(%arg17 : memref<!tpu.dma_semaphore, #tpu.memory_space<semaphore_mem>>) src(%dma_wait3A_163 : memref<20480x128xf32, #tpu.memory_space<hbm>>) dst(%arg10 : memref<80x128xf32, #tpu.memory_space<vmem>>)
      %add3A_164 = arith.constant 2 : i32
      %add3A_165 = arith.addi %mul3A_135, %add3A_164 : i32
      %min3A = arith.constant 127 : i32
      %min3A_166 = arith.minsi %add3A_165, %min3A : i32
      %dma_start3A_167 = arith.constant 0 : i32
      %dma_start3A_168 = arith.constant 0 : i32
      %dma_start3A_169 = tpu.memref_slice %arg6[%dma_start3A_167, %dma_start3A_168] : memref<1x80xi32, #tpu.memory_space<vmem>> -> memref<1x80xi32, #tpu.memory_space<vmem>>
      %dma_start3A_170 = tpu.memref_squeeze %dma_start3A_169 : memref<1x80xi32, #tpu.memory_space<vmem>> -> memref<80xi32, #tpu.memory_space<vmem>>
      %dma_start3A_171 = arith.constant 0 : i32
      %dma_start3A_172 = tpu.memref_slice %arg3[%arg0, %arg1, %min3A_166, %dma_start3A_171] : memref<2x16x128x80xi32, #tpu.memory_space<hbm>> -> memref<1x1x1x80xi32, #tpu.memory_space<hbm>>
      %dma_start3A_173 = tpu.memref_squeeze %dma_start3A_172 : memref<1x1x1x80xi32, #tpu.memory_space<hbm>> -> memref<80xi32, #tpu.memory_space<hbm>>
      %dma_start3A_174 = arith.constant 0 : i32
      %dma_start3A_175 = tpu.memref_slice %arg6[%dma_start3A_167, %dma_start3A_174] : memref<1x80xi32, #tpu.memory_space<vmem>> -> memref<1x80xi32, #tpu.memory_space<vmem>>
      %dma_start3A_176 = tpu.memref_squeeze %dma_start3A_175 : memref<1x80xi32, #tpu.memory_space<vmem>> -> memref<80xi32, #tpu.memory_space<vmem>>
      %dma_start3A_177 = arith.constant 0 : i32
      %dma_start3A_178 = tpu.memref_slice %arg3[%arg0, %arg1, %min3A_166, %dma_start3A_177] : memref<2x16x128x80xi32, #tpu.memory_space<hbm>> -> memref<1x1x1x80xi32, #tpu.memory_space<hbm>>
      %dma_start3A_179 = tpu.memref_squeeze %dma_start3A_178 : memref<1x1x1x80xi32, #tpu.memory_space<hbm>> -> memref<80xi32, #tpu.memory_space<hbm>>
      tpu.enqueue_dma source(%dma_start3A_179 : memref<80xi32, #tpu.memory_space<hbm>>) target(%dma_start3A_176 : memref<80xi32, #tpu.memory_space<vmem>>) target_semaphore(%arg13 : memref<!tpu.dma_semaphore, #tpu.memory_space<semaphore_mem>>)
      %dma_wait3A_180 = arith.constant 0 : i32
      %dma_wait3A_181 = arith.constant 0 : i32
      %dma_wait3A_182 = arith.constant 0 : i32
      %dma_wait3A_183 = tpu.memref_slice %arg8[%dma_wait3A_181, %dma_wait3A_182] : memref<1x80xi32, #tpu.memory_space<vmem>> -> memref<1x80xi32, #tpu.memory_space<vmem>>
      %dma_wait3A_184 = tpu.memref_squeeze %dma_wait3A_183 : memref<1x80xi32, #tpu.memory_space<vmem>> -> memref<80xi32, #tpu.memory_space<vmem>>
      %dma_wait3A_185 = arith.constant 0 : i32
      %dma_wait3A_186 = tpu.memref_slice %arg4[%arg1, %dma_wait3A_180, %dma_wait3A_185] : memref<16x128x80xi32, #tpu.memory_space<hbm>> -> memref<1x1x80xi32, #tpu.memory_space<hbm>>
      %dma_wait3A_187 = tpu.memref_squeeze %dma_wait3A_186 : memref<1x1x80xi32, #tpu.memory_space<hbm>> -> memref<80xi32, #tpu.memory_space<hbm>>
      %dma_wait3A_188 = arith.constant 0 : i32
      %dma_wait3A_189 = tpu.memref_slice %arg8[%dma_wait3A_181, %dma_wait3A_188] : memref<1x80xi32, #tpu.memory_space<vmem>> -> memref<1x80xi32, #tpu.memory_space<vmem>>
      %dma_wait3A_190 = tpu.memref_squeeze %dma_wait3A_189 : memref<1x80xi32, #tpu.memory_space<vmem>> -> memref<80xi32, #tpu.memory_space<vmem>>
      %dma_wait3A_191 = arith.constant 0 : i32
      %dma_wait3A_192 = tpu.memref_slice %arg4[%arg1, %dma_wait3A_180, %dma_wait3A_191] : memref<16x128x80xi32, #tpu.memory_space<hbm>> -> memref<1x1x80xi32, #tpu.memory_space<hbm>>
      %dma_wait3A_193 = tpu.memref_squeeze %dma_wait3A_192 : memref<1x1x80xi32, #tpu.memory_space<hbm>> -> memref<80xi32, #tpu.memory_space<hbm>>
      tpu.wait_dma2 semaphore(%arg15 : memref<!tpu.dma_semaphore, #tpu.memory_space<semaphore_mem>>) src(%dma_wait3A_193 : memref<80xi32, #tpu.memory_space<hbm>>) dst(%dma_wait3A_190 : memref<80xi32, #tpu.memory_space<vmem>>)
      %run_scoped3A = arith.constant 0 : i32
      "tpu.region"() ({
        %run_scoped3A_288 = tpu.sem_alloc : memref<!tpu.dma_semaphore, #tpu.memory_space<semaphore_mem>>
        %dma_start3A_289 = arith.constant 0 : i32
        %dma_start3A_290 = tpu.memref_slice %arg8[%run_scoped3A, %dma_start3A_289] : memref<1x80xi32, #tpu.memory_space<vmem>> -> memref<1x80xi32, #tpu.memory_space<vmem>>
        %dma_start3A_291 = tpu.memref_squeeze %dma_start3A_290 : memref<1x80xi32, #tpu.memory_space<vmem>> -> memref<80xi32, #tpu.memory_space<vmem>>
        %dma_start3A_292 = arith.constant 0 : i32
        %dma_start3A_293 = arith.constant 0 : i32
        %dma_start3A_294 = tpu.memref_slice %arg12[%dma_start3A_292, %dma_start3A_293] : memref<10240x128xf32, #tpu.memory_space<vmem_shared>> -> memref<10240x128xf32, #tpu.memory_space<vmem_shared>>
        tpu.enqueue_indirect_dma source(%arg10 : memref<80x128xf32, #tpu.memory_space<vmem>>) target(%dma_start3A_294 : memref<10240x128xf32, #tpu.memory_space<vmem_shared>>) offsets(%dma_start3A_291 : memref<80xi32, #tpu.memory_space<vmem>>) semaphore(%run_scoped3A_288 : memref<!tpu.dma_semaphore, #tpu.memory_space<semaphore_mem>>) {add = true}
        %dma_wait3A_295 = arith.constant 0 : i32
        %dma_wait3A_296 = tpu.memref_slice %arg8[%run_scoped3A, %dma_wait3A_295] : memref<1x80xi32, #tpu.memory_space<vmem>> -> memref<1x80xi32, #tpu.memory_space<vmem>>
        %dma_wait3A_297 = tpu.memref_squeeze %dma_wait3A_296 : memref<1x80xi32, #tpu.memory_space<vmem>> -> memref<80xi32, #tpu.memory_space<vmem>>
        %dma_wait3A_298 = arith.constant 0 : i32
        %dma_wait3A_299 = arith.constant 0 : i32
        %dma_wait3A_300 = tpu.memref_slice %arg12[%dma_wait3A_298, %dma_wait3A_299] : memref<10240x128xf32, #tpu.memory_space<vmem_shared>> -> memref<10240x128xf32, #tpu.memory_space<vmem_shared>>
        tpu.wait_indirect_dma semaphore(%run_scoped3A_288 : memref<!tpu.dma_semaphore, #tpu.memory_space<semaphore_mem>>) src(%arg10 : memref<80x128xf32, #tpu.memory_space<vmem>>) dst(%dma_wait3A_300 : memref<10240x128xf32, #tpu.memory_space<vmem_shared>>)
        tpu.yield
      }) : () -> ()
      %add3A_194 = arith.constant 2 : i32
      %add3A_195 = arith.addi %mul3A_135, %add3A_194 : i32
      %min3A_196 = arith.constant 127 : i32
      %min3A_197 = arith.minsi %add3A_195, %min3A_196 : i32
      %dma_start3A_198 = arith.constant 0 : i32
      %dma_start3A_199 = arith.constant 0 : i32
      %dma_start3A_200 = tpu.memref_slice %arg8[%dma_start3A_198, %dma_start3A_199] : memref<1x80xi32, #tpu.memory_space<vmem>> -> memref<1x80xi32, #tpu.memory_space<vmem>>
      %dma_start3A_201 = tpu.memref_squeeze %dma_start3A_200 : memref<1x80xi32, #tpu.memory_space<vmem>> -> memref<80xi32, #tpu.memory_space<vmem>>
      %dma_start3A_202 = arith.constant 0 : i32
      %dma_start3A_203 = tpu.memref_slice %arg4[%arg1, %min3A_197, %dma_start3A_202] : memref<16x128x80xi32, #tpu.memory_space<hbm>> -> memref<1x1x80xi32, #tpu.memory_space<hbm>>
      %dma_start3A_204 = tpu.memref_squeeze %dma_start3A_203 : memref<1x1x80xi32, #tpu.memory_space<hbm>> -> memref<80xi32, #tpu.memory_space<hbm>>
      %dma_start3A_205 = arith.constant 0 : i32
      %dma_start3A_206 = tpu.memref_slice %arg8[%dma_start3A_198, %dma_start3A_205] : memref<1x80xi32, #tpu.memory_space<vmem>> -> memref<1x80xi32, #tpu.memory_space<vmem>>
      %dma_start3A_207 = tpu.memref_squeeze %dma_start3A_206 : memref<1x80xi32, #tpu.memory_space<vmem>> -> memref<80xi32, #tpu.memory_space<vmem>>
      %dma_start3A_208 = arith.constant 0 : i32
      %dma_start3A_209 = tpu.memref_slice %arg4[%arg1, %min3A_197, %dma_start3A_208] : memref<16x128x80xi32, #tpu.memory_space<hbm>> -> memref<1x1x80xi32, #tpu.memory_space<hbm>>
      %dma_start3A_210 = tpu.memref_squeeze %dma_start3A_209 : memref<1x1x80xi32, #tpu.memory_space<hbm>> -> memref<80xi32, #tpu.memory_space<hbm>>
      tpu.enqueue_dma source(%dma_start3A_210 : memref<80xi32, #tpu.memory_space<hbm>>) target(%dma_start3A_207 : memref<80xi32, #tpu.memory_space<vmem>>) target_semaphore(%arg15 : memref<!tpu.dma_semaphore, #tpu.memory_space<semaphore_mem>>)
      %dma_wait3A_211 = arith.constant 0 : i32
      %dma_wait3A_212 = arith.constant 0 : i32
      %dma_wait3A_213 = arith.constant 0 : i32
      %dma_wait3A_214 = tpu.memref_slice %arg6[%dma_wait3A_212, %dma_wait3A_213] : memref<1x80xi32, #tpu.memory_space<vmem>> -> memref<1x80xi32, #tpu.memory_space<vmem>>
      %dma_wait3A_215 = tpu.memref_squeeze %dma_wait3A_214 : memref<1x80xi32, #tpu.memory_space<vmem>> -> memref<80xi32, #tpu.memory_space<vmem>>
      %dma_wait3A_216 = arith.constant 0 : i32
      %dma_wait3A_217 = tpu.memref_slice %arg3[%arg0, %arg1, %dma_wait3A_211, %dma_wait3A_216] : memref<2x16x128x80xi32, #tpu.memory_space<hbm>> -> memref<1x1x1x80xi32, #tpu.memory_space<hbm>>
      %dma_wait3A_218 = tpu.memref_squeeze %dma_wait3A_217 : memref<1x1x1x80xi32, #tpu.memory_space<hbm>> -> memref<80xi32, #tpu.memory_space<hbm>>
      %dma_wait3A_219 = arith.constant 0 : i32
      %dma_wait3A_220 = tpu.memref_slice %arg6[%dma_wait3A_212, %dma_wait3A_219] : memref<1x80xi32, #tpu.memory_space<vmem>> -> memref<1x80xi32, #tpu.memory_space<vmem>>
      %dma_wait3A_221 = tpu.memref_squeeze %dma_wait3A_220 : memref<1x80xi32, #tpu.memory_space<vmem>> -> memref<80xi32, #tpu.memory_space<vmem>>
      %dma_wait3A_222 = arith.constant 0 : i32
      %dma_wait3A_223 = tpu.memref_slice %arg3[%arg0, %arg1, %dma_wait3A_211, %dma_wait3A_222] : memref<2x16x128x80xi32, #tpu.memory_space<hbm>> -> memref<1x1x1x80xi32, #tpu.memory_space<hbm>>
      %dma_wait3A_224 = tpu.memref_squeeze %dma_wait3A_223 : memref<1x1x1x80xi32, #tpu.memory_space<hbm>> -> memref<80xi32, #tpu.memory_space<hbm>>
      tpu.wait_dma2 semaphore(%arg13 : memref<!tpu.dma_semaphore, #tpu.memory_space<semaphore_mem>>) src(%dma_wait3A_224 : memref<80xi32, #tpu.memory_space<hbm>>) dst(%dma_wait3A_221 : memref<80xi32, #tpu.memory_space<vmem>>)
      %dma_start3A_225 = arith.constant 0 : i32
      %dma_start3A_226 = arith.constant 0 : i32
      %dma_start3A_227 = tpu.memref_slice %arg6[%dma_start3A_225, %dma_start3A_226] : memref<1x80xi32, #tpu.memory_space<vmem>> -> memref<1x80xi32, #tpu.memory_space<vmem>>
      %dma_start3A_228 = tpu.memref_squeeze %dma_start3A_227 : memref<1x80xi32, #tpu.memory_space<vmem>> -> memref<80xi32, #tpu.memory_space<vmem>>
      %dma_start3A_229 = arith.constant 0 : i32
      %dma_start3A_230 = arith.constant 0 : i32
      %dma_start3A_231 = tpu.memref_slice %arg2[%dma_start3A_229, %dma_start3A_230] : memref<20480x128xf32, #tpu.memory_space<hbm>> -> memref<20480x128xf32, #tpu.memory_space<hbm>>
      tpu.enqueue_indirect_dma source(%dma_start3A_231 : memref<20480x128xf32, #tpu.memory_space<hbm>>) target(%arg10 : memref<80x128xf32, #tpu.memory_space<vmem>>) offsets(%dma_start3A_228 : memref<80xi32, #tpu.memory_space<vmem>>) semaphore(%arg17 : memref<!tpu.dma_semaphore, #tpu.memory_space<semaphore_mem>>)
      %dma_wait3A_232 = arith.constant 0 : i32
      %dma_wait3A_233 = arith.constant 0 : i32
      %dma_wait3A_234 = tpu.memref_slice %arg7[%dma_wait3A_232, %dma_wait3A_233] : memref<1x80xi32, #tpu.memory_space<vmem>> -> memref<1x80xi32, #tpu.memory_space<vmem>>
      %dma_wait3A_235 = tpu.memref_squeeze %dma_wait3A_234 : memref<1x80xi32, #tpu.memory_space<vmem>> -> memref<80xi32, #tpu.memory_space<vmem>>
      %dma_wait3A_236 = arith.constant 0 : i32
      %dma_wait3A_237 = arith.constant 0 : i32
      %dma_wait3A_238 = tpu.memref_slice %arg2[%dma_wait3A_236, %dma_wait3A_237] : memref<20480x128xf32, #tpu.memory_space<hbm>> -> memref<20480x128xf32, #tpu.memory_space<hbm>>
      tpu.wait_indirect_dma semaphore(%arg18 : memref<!tpu.dma_semaphore, #tpu.memory_space<semaphore_mem>>) src(%dma_wait3A_238 : memref<20480x128xf32, #tpu.memory_space<hbm>>) dst(%arg11 : memref<80x128xf32, #tpu.memory_space<vmem>>)
      %add3A_239 = arith.constant 3 : i32
      %add3A_240 = arith.addi %mul3A_135, %add3A_239 : i32
      %min3A_241 = arith.constant 127 : i32
      %min3A_242 = arith.minsi %add3A_240, %min3A_241 : i32
      %dma_start3A_243 = arith.constant 0 : i32
      %dma_start3A_244 = arith.constant 0 : i32
      %dma_start3A_245 = tpu.memref_slice %arg7[%dma_start3A_243, %dma_start3A_244] : memref<1x80xi32, #tpu.memory_space<vmem>> -> memref<1x80xi32, #tpu.memory_space<vmem>>
      %dma_start3A_246 = tpu.memref_squeeze %dma_start3A_245 : memref<1x80xi32, #tpu.memory_space<vmem>> -> memref<80xi32, #tpu.memory_space<vmem>>
      %dma_start3A_247 = arith.constant 0 : i32
      %dma_start3A_248 = tpu.memref_slice %arg3[%arg0, %arg1, %min3A_242, %dma_start3A_247] : memref<2x16x128x80xi32, #tpu.memory_space<hbm>> -> memref<1x1x1x80xi32, #tpu.memory_space<hbm>>
      %dma_start3A_249 = tpu.memref_squeeze %dma_start3A_248 : memref<1x1x1x80xi32, #tpu.memory_space<hbm>> -> memref<80xi32, #tpu.memory_space<hbm>>
      %dma_start3A_250 = arith.constant 0 : i32
      %dma_start3A_251 = tpu.memref_slice %arg7[%dma_start3A_243, %dma_start3A_250] : memref<1x80xi32, #tpu.memory_space<vmem>> -> memref<1x80xi32, #tpu.memory_space<vmem>>
      %dma_start3A_252 = tpu.memref_squeeze %dma_start3A_251 : memref<1x80xi32, #tpu.memory_space<vmem>> -> memref<80xi32, #tpu.memory_space<vmem>>
      %dma_start3A_253 = arith.constant 0 : i32
      %dma_start3A_254 = tpu.memref_slice %arg3[%arg0, %arg1, %min3A_242, %dma_start3A_253] : memref<2x16x128x80xi32, #tpu.memory_space<hbm>> -> memref<1x1x1x80xi32, #tpu.memory_space<hbm>>
      %dma_start3A_255 = tpu.memref_squeeze %dma_start3A_254 : memref<1x1x1x80xi32, #tpu.memory_space<hbm>> -> memref<80xi32, #tpu.memory_space<hbm>>
      tpu.enqueue_dma source(%dma_start3A_255 : memref<80xi32, #tpu.memory_space<hbm>>) target(%dma_start3A_252 : memref<80xi32, #tpu.memory_space<vmem>>) target_semaphore(%arg14 : memref<!tpu.dma_semaphore, #tpu.memory_space<semaphore_mem>>)
      %dma_wait3A_256 = arith.constant 0 : i32
      %dma_wait3A_257 = arith.constant 0 : i32
      %dma_wait3A_258 = arith.constant 0 : i32
      %dma_wait3A_259 = tpu.memref_slice %arg9[%dma_wait3A_257, %dma_wait3A_258] : memref<1x80xi32, #tpu.memory_space<vmem>> -> memref<1x80xi32, #tpu.memory_space<vmem>>
      %dma_wait3A_260 = tpu.memref_squeeze %dma_wait3A_259 : memref<1x80xi32, #tpu.memory_space<vmem>> -> memref<80xi32, #tpu.memory_space<vmem>>
      %dma_wait3A_261 = arith.constant 0 : i32
      %dma_wait3A_262 = tpu.memref_slice %arg4[%arg1, %dma_wait3A_256, %dma_wait3A_261] : memref<16x128x80xi32, #tpu.memory_space<hbm>> -> memref<1x1x80xi32, #tpu.memory_space<hbm>>
      %dma_wait3A_263 = tpu.memref_squeeze %dma_wait3A_262 : memref<1x1x80xi32, #tpu.memory_space<hbm>> -> memref<80xi32, #tpu.memory_space<hbm>>
      %dma_wait3A_264 = arith.constant 0 : i32
      %dma_wait3A_265 = tpu.memref_slice %arg9[%dma_wait3A_257, %dma_wait3A_264] : memref<1x80xi32, #tpu.memory_space<vmem>> -> memref<1x80xi32, #tpu.memory_space<vmem>>
      %dma_wait3A_266 = tpu.memref_squeeze %dma_wait3A_265 : memref<1x80xi32, #tpu.memory_space<vmem>> -> memref<80xi32, #tpu.memory_space<vmem>>
      %dma_wait3A_267 = arith.constant 0 : i32
      %dma_wait3A_268 = tpu.memref_slice %arg4[%arg1, %dma_wait3A_256, %dma_wait3A_267] : memref<16x128x80xi32, #tpu.memory_space<hbm>> -> memref<1x1x80xi32, #tpu.memory_space<hbm>>
      %dma_wait3A_269 = tpu.memref_squeeze %dma_wait3A_268 : memref<1x1x80xi32, #tpu.memory_space<hbm>> -> memref<80xi32, #tpu.memory_space<hbm>>
      tpu.wait_dma2 semaphore(%arg16 : memref<!tpu.dma_semaphore, #tpu.memory_space<semaphore_mem>>) src(%dma_wait3A_269 : memref<80xi32, #tpu.memory_space<hbm>>) dst(%dma_wait3A_266 : memref<80xi32, #tpu.memory_space<vmem>>)
      %run_scoped3A_270 = arith.constant 0 : i32
      "tpu.region"() ({
        %run_scoped3A_288 = tpu.sem_alloc : memref<!tpu.dma_semaphore, #tpu.memory_space<semaphore_mem>>
        %dma_start3A_289 = arith.constant 0 : i32
        %dma_start3A_290 = tpu.memref_slice %arg9[%run_scoped3A_270, %dma_start3A_289] : memref<1x80xi32, #tpu.memory_space<vmem>> -> memref<1x80xi32, #tpu.memory_space<vmem>>
        %dma_start3A_291 = tpu.memref_squeeze %dma_start3A_290 : memref<1x80xi32, #tpu.memory_space<vmem>> -> memref<80xi32, #tpu.memory_space<vmem>>
        %dma_start3A_292 = arith.constant 0 : i32
        %dma_start3A_293 = arith.constant 0 : i32
        %dma_start3A_294 = tpu.memref_slice %arg12[%dma_start3A_292, %dma_start3A_293] : memref<10240x128xf32, #tpu.memory_space<vmem_shared>> -> memref<10240x128xf32, #tpu.memory_space<vmem_shared>>
        tpu.enqueue_indirect_dma source(%arg11 : memref<80x128xf32, #tpu.memory_space<vmem>>) target(%dma_start3A_294 : memref<10240x128xf32, #tpu.memory_space<vmem_shared>>) offsets(%dma_start3A_291 : memref<80xi32, #tpu.memory_space<vmem>>) semaphore(%run_scoped3A_288 : memref<!tpu.dma_semaphore, #tpu.memory_space<semaphore_mem>>) {add = true}
        %dma_wait3A_295 = arith.constant 0 : i32
        %dma_wait3A_296 = tpu.memref_slice %arg9[%run_scoped3A_270, %dma_wait3A_295] : memref<1x80xi32, #tpu.memory_space<vmem>> -> memref<1x80xi32, #tpu.memory_space<vmem>>
        %dma_wait3A_297 = tpu.memref_squeeze %dma_wait3A_296 : memref<1x80xi32, #tpu.memory_space<vmem>> -> memref<80xi32, #tpu.memory_space<vmem>>
        %dma_wait3A_298 = arith.constant 0 : i32
        %dma_wait3A_299 = arith.constant 0 : i32
        %dma_wait3A_300 = tpu.memref_slice %arg12[%dma_wait3A_298, %dma_wait3A_299] : memref<10240x128xf32, #tpu.memory_space<vmem_shared>> -> memref<10240x128xf32, #tpu.memory_space<vmem_shared>>
        tpu.wait_indirect_dma semaphore(%run_scoped3A_288 : memref<!tpu.dma_semaphore, #tpu.memory_space<semaphore_mem>>) src(%arg11 : memref<80x128xf32, #tpu.memory_space<vmem>>) dst(%dma_wait3A_300 : memref<10240x128xf32, #tpu.memory_space<vmem_shared>>)
        tpu.yield
      }) : () -> ()
      %add3A_271 = arith.constant 3 : i32
      %add3A_272 = arith.addi %mul3A_135, %add3A_271 : i32
      %min3A_273 = arith.constant 127 : i32
      %min3A_274 = arith.minsi %add3A_272, %min3A_273 : i32
      %dma_start3A_275 = arith.constant 0 : i32
      %dma_start3A_276 = arith.constant 0 : i32
      %dma_start3A_277 = tpu.memref_slice %arg9[%dma_start3A_275, %dma_start3A_276] : memref<1x80xi32, #tpu.memory_space<vmem>> -> memref<1x80xi32, #tpu.memory_space<vmem>>
      %dma_start3A_278 = tpu.memref_squeeze %dma_start3A_277 : memref<1x80xi32, #tpu.memory_space<vmem>> -> memref<80xi32, #tpu.memory_space<vmem>>
      %dma_start3A_279 = arith.constant 0 : i32
      %dma_start3A_280 = tpu.memref_slice %arg4[%arg1, %min3A_274, %dma_start3A_279] : memref<16x128x80xi32, #tpu.memory_space<hbm>> -> memref<1x1x80xi32, #tpu.memory_space<hbm>>
      %dma_start3A_281 = tpu.memref_squeeze %dma_start3A_280 : memref<1x1x80xi32, #tpu.memory_space<hbm>> -> memref<80xi32, #tpu.memory_space<hbm>>
      %dma_start3A_282 = arith.constant 0 : i32
      %dma_start3A_283 = tpu.memref_slice %arg9[%dma_start3A_275, %dma_start3A_282] : memref<1x80xi32, #tpu.memory_space<vmem>> -> memref<1x80xi32, #tpu.memory_space<vmem>>
      %dma_start3A_284 = tpu.memref_squeeze %dma_start3A_283 : memref<1x80xi32, #tpu.memory_space<vmem>> -> memref<80xi32, #tpu.memory_space<vmem>>
      %dma_start3A_285 = arith.constant 0 : i32
      %dma_start3A_286 = tpu.memref_slice %arg4[%arg1, %min3A_274, %dma_start3A_285] : memref<16x128x80xi32, #tpu.memory_space<hbm>> -> memref<1x1x80xi32, #tpu.memory_space<hbm>>
      %dma_start3A_287 = tpu.memref_squeeze %dma_start3A_286 : memref<1x1x80xi32, #tpu.memory_space<hbm>> -> memref<80xi32, #tpu.memory_space<hbm>>
      tpu.enqueue_dma source(%dma_start3A_287 : memref<80xi32, #tpu.memory_space<hbm>>) target(%dma_start3A_284 : memref<80xi32, #tpu.memory_space<vmem>>) target_semaphore(%arg16 : memref<!tpu.dma_semaphore, #tpu.memory_space<semaphore_mem>>)
    }
    %scan3A_82 = arith.constant 64 : i32
    %dma_wait3A_83 = arith.constant 0 : i32
    %dma_wait3A_84 = arith.constant 0 : i32
    %dma_wait3A_85 = tpu.memref_slice %arg6[%dma_wait3A_83, %dma_wait3A_84] : memref<1x80xi32, #tpu.memory_space<vmem>> -> memref<1x80xi32, #tpu.memory_space<vmem>>
    %dma_wait3A_86 = tpu.memref_squeeze %dma_wait3A_85 : memref<1x80xi32, #tpu.memory_space<vmem>> -> memref<80xi32, #tpu.memory_space<vmem>>
    %dma_wait3A_87 = arith.constant 0 : i32
    %dma_wait3A_88 = arith.constant 0 : i32
    %dma_wait3A_89 = tpu.memref_slice %arg2[%dma_wait3A_87, %dma_wait3A_88] : memref<20480x128xf32, #tpu.memory_space<hbm>> -> memref<20480x128xf32, #tpu.memory_space<hbm>>
    tpu.wait_indirect_dma semaphore(%arg17 : memref<!tpu.dma_semaphore, #tpu.memory_space<semaphore_mem>>) src(%dma_wait3A_89 : memref<20480x128xf32, #tpu.memory_space<hbm>>) dst(%arg10 : memref<80x128xf32, #tpu.memory_space<vmem>>)
    %dma_wait3A_90 = arith.constant 0 : i32
    %dma_wait3A_91 = arith.constant 0 : i32
    %dma_wait3A_92 = arith.constant 0 : i32
    %dma_wait3A_93 = tpu.memref_slice %arg7[%dma_wait3A_91, %dma_wait3A_92] : memref<1x80xi32, #tpu.memory_space<vmem>> -> memref<1x80xi32, #tpu.memory_space<vmem>>
    %dma_wait3A_94 = tpu.memref_squeeze %dma_wait3A_93 : memref<1x80xi32, #tpu.memory_space<vmem>> -> memref<80xi32, #tpu.memory_space<vmem>>
    %dma_wait3A_95 = arith.constant 0 : i32
    %dma_wait3A_96 = tpu.memref_slice %arg3[%arg0, %arg1, %dma_wait3A_90, %dma_wait3A_95] : memref<2x16x128x80xi32, #tpu.memory_space<hbm>> -> memref<1x1x1x80xi32, #tpu.memory_space<hbm>>
    %dma_wait3A_97 = tpu.memref_squeeze %dma_wait3A_96 : memref<1x1x1x80xi32, #tpu.memory_space<hbm>> -> memref<80xi32, #tpu.memory_space<hbm>>
    %dma_wait3A_98 = arith.constant 0 : i32
    %dma_wait3A_99 = tpu.memref_slice %arg7[%dma_wait3A_91, %dma_wait3A_98] : memref<1x80xi32, #tpu.memory_space<vmem>> -> memref<1x80xi32, #tpu.memory_space<vmem>>
    %dma_wait3A_100 = tpu.memref_squeeze %dma_wait3A_99 : memref<1x80xi32, #tpu.memory_space<vmem>> -> memref<80xi32, #tpu.memory_space<vmem>>
    %dma_wait3A_101 = arith.constant 0 : i32
    %dma_wait3A_102 = tpu.memref_slice %arg3[%arg0, %arg1, %dma_wait3A_90, %dma_wait3A_101] : memref<2x16x128x80xi32, #tpu.memory_space<hbm>> -> memref<1x1x1x80xi32, #tpu.memory_space<hbm>>
    %dma_wait3A_103 = tpu.memref_squeeze %dma_wait3A_102 : memref<1x1x1x80xi32, #tpu.memory_space<hbm>> -> memref<80xi32, #tpu.memory_space<hbm>>
    tpu.wait_dma2 semaphore(%arg14 : memref<!tpu.dma_semaphore, #tpu.memory_space<semaphore_mem>>) src(%dma_wait3A_103 : memref<80xi32, #tpu.memory_space<hbm>>) dst(%dma_wait3A_100 : memref<80xi32, #tpu.memory_space<vmem>>)
    %dma_wait3A_104 = arith.constant 0 : i32
    %dma_wait3A_105 = arith.constant 0 : i32
    %dma_wait3A_106 = arith.constant 0 : i32
    %dma_wait3A_107 = tpu.memref_slice %arg8[%dma_wait3A_105, %dma_wait3A_106] : memref<1x80xi32, #tpu.memory_space<vmem>> -> memref<1x80xi32, #tpu.memory_space<vmem>>
    %dma_wait3A_108 = tpu.memref_squeeze %dma_wait3A_107 : memref<1x80xi32, #tpu.memory_space<vmem>> -> memref<80xi32, #tpu.memory_space<vmem>>
    %dma_wait3A_109 = arith.constant 0 : i32
    %dma_wait3A_110 = tpu.memref_slice %arg4[%arg1, %dma_wait3A_104, %dma_wait3A_109] : memref<16x128x80xi32, #tpu.memory_space<hbm>> -> memref<1x1x80xi32, #tpu.memory_space<hbm>>
    %dma_wait3A_111 = tpu.memref_squeeze %dma_wait3A_110 : memref<1x1x80xi32, #tpu.memory_space<hbm>> -> memref<80xi32, #tpu.memory_space<hbm>>
    %dma_wait3A_112 = arith.constant 0 : i32
    %dma_wait3A_113 = tpu.memref_slice %arg8[%dma_wait3A_105, %dma_wait3A_112] : memref<1x80xi32, #tpu.memory_space<vmem>> -> memref<1x80xi32, #tpu.memory_space<vmem>>
    %dma_wait3A_114 = tpu.memref_squeeze %dma_wait3A_113 : memref<1x80xi32, #tpu.memory_space<vmem>> -> memref<80xi32, #tpu.memory_space<vmem>>
    %dma_wait3A_115 = arith.constant 0 : i32
    %dma_wait3A_116 = tpu.memref_slice %arg4[%arg1, %dma_wait3A_104, %dma_wait3A_115] : memref<16x128x80xi32, #tpu.memory_space<hbm>> -> memref<1x1x80xi32, #tpu.memory_space<hbm>>
    %dma_wait3A_117 = tpu.memref_squeeze %dma_wait3A_116 : memref<1x1x80xi32, #tpu.memory_space<hbm>> -> memref<80xi32, #tpu.memory_space<hbm>>
    tpu.wait_dma2 semaphore(%arg15 : memref<!tpu.dma_semaphore, #tpu.memory_space<semaphore_mem>>) src(%dma_wait3A_117 : memref<80xi32, #tpu.memory_space<hbm>>) dst(%dma_wait3A_114 : memref<80xi32, #tpu.memory_space<vmem>>)
    %dma_wait3A_118 = arith.constant 0 : i32
    %dma_wait3A_119 = arith.constant 0 : i32
    %dma_wait3A_120 = arith.constant 0 : i32
    %dma_wait3A_121 = tpu.memref_slice %arg9[%dma_wait3A_119, %dma_wait3A_120] : memref<1x80xi32, #tpu.memory_space<vmem>> -> memref<1x80xi32, #tpu.memory_space<vmem>>
    %dma_wait3A_122 = tpu.memref_squeeze %dma_wait3A_121 : memref<1x80xi32, #tpu.memory_space<vmem>> -> memref<80xi32, #tpu.memory_space<vmem>>
    %dma_wait3A_123 = arith.constant 0 : i32
    %dma_wait3A_124 = tpu.memref_slice %arg4[%arg1, %dma_wait3A_118, %dma_wait3A_123] : memref<16x128x80xi32, #tpu.memory_space<hbm>> -> memref<1x1x80xi32, #tpu.memory_space<hbm>>
    %dma_wait3A_125 = tpu.memref_squeeze %dma_wait3A_124 : memref<1x1x80xi32, #tpu.memory_space<hbm>> -> memref<80xi32, #tpu.memory_space<hbm>>
    %dma_wait3A_126 = arith.constant 0 : i32
    %dma_wait3A_127 = tpu.memref_slice %arg9[%dma_wait3A_119, %dma_wait3A_126] : memref<1x80xi32, #tpu.memory_space<vmem>> -> memref<1x80xi32, #tpu.memory_space<vmem>>
    %dma_wait3A_128 = tpu.memref_squeeze %dma_wait3A_127 : memref<1x80xi32, #tpu.memory_space<vmem>> -> memref<80xi32, #tpu.memory_space<vmem>>
    %dma_wait3A_129 = arith.constant 0 : i32
    %dma_wait3A_130 = tpu.memref_slice %arg4[%arg1, %dma_wait3A_118, %dma_wait3A_129] : memref<16x128x80xi32, #tpu.memory_space<hbm>> -> memref<1x1x80xi32, #tpu.memory_space<hbm>>
    %dma_wait3A_131 = tpu.memref_squeeze %dma_wait3A_130 : memref<1x1x80xi32, #tpu.memory_space<hbm>> -> memref<80xi32, #tpu.memory_space<hbm>>
    tpu.wait_dma2 semaphore(%arg16 : memref<!tpu.dma_semaphore, #tpu.memory_space<semaphore_mem>>) src(%dma_wait3A_131 : memref<80xi32, #tpu.memory_space<hbm>>) dst(%dma_wait3A_128 : memref<80xi32, #tpu.memory_space<vmem>>)
    %barrier3A_132 = arith.constant 0 : index
    tpu.barrier barrier_id(%barrier3A_132)
    "tpu.region"() ({
      %run_scoped3A = tpu.sem_alloc : memref<!tpu.dma_semaphore, #tpu.memory_space<semaphore_mem>>
      %dma_start3A_133 = arith.constant 0 : i32
      %dma_start3A_134 = tpu.memref_slice %arg5[%arg0, %mul3A_0, %dma_start3A_133] : memref<2x10240x128xf32, #tpu.memory_space<hbm>> -> memref<1x640x128xf32, #tpu.memory_space<hbm>>
      %dma_start3A_135 = tpu.memref_squeeze %dma_start3A_134 : memref<1x640x128xf32, #tpu.memory_space<hbm>> -> memref<640x128xf32, #tpu.memory_space<hbm>>
      %dma_start3A_136 = arith.constant 0 : i32
      %dma_start3A_137 = tpu.memref_slice %arg12[%mul3A_0, %dma_start3A_136] : memref<10240x128xf32, #tpu.memory_space<vmem_shared>> -> memref<640x128xf32, #tpu.memory_space<vmem_shared>>
      tpu.enqueue_dma source(%dma_start3A_137 : memref<640x128xf32, #tpu.memory_space<vmem_shared>>) target(%dma_start3A_135 : memref<640x128xf32, #tpu.memory_space<hbm>>) target_semaphore(%run_scoped3A : memref<!tpu.dma_semaphore, #tpu.memory_space<semaphore_mem>>)
      %dma_wait3A_138 = arith.constant 0 : i32
      %dma_wait3A_139 = tpu.memref_slice %arg5[%arg0, %mul3A_0, %dma_wait3A_138] : memref<2x10240x128xf32, #tpu.memory_space<hbm>> -> memref<1x640x128xf32, #tpu.memory_space<hbm>>
      %dma_wait3A_140 = tpu.memref_squeeze %dma_wait3A_139 : memref<1x640x128xf32, #tpu.memory_space<hbm>> -> memref<640x128xf32, #tpu.memory_space<hbm>>
      %dma_wait3A_141 = arith.constant 0 : i32
      %dma_wait3A_142 = tpu.memref_slice %arg12[%mul3A_0, %dma_wait3A_141] : memref<10240x128xf32, #tpu.memory_space<vmem_shared>> -> memref<640x128xf32, #tpu.memory_space<vmem_shared>>
      tpu.wait_dma2 semaphore(%run_scoped3A : memref<!tpu.dma_semaphore, #tpu.memory_space<semaphore_mem>>) src(%dma_wait3A_142 : memref<640x128xf32, #tpu.memory_space<vmem_shared>>) dst(%dma_wait3A_140 : memref<640x128xf32, #tpu.memory_space<hbm>>)
      tpu.yield
    }) : () -> ()
    return
  }
}

#map = affine_map<(d0, d1) -> (0, 0)>
#map1 = affine_map<(d0, d1) -> (0, 0, 0, 0)>
#map2 = affine_map<(d0, d1) -> (0, 0, 0)>
module attributes {stable_mosaic.version = 14 : i64} {
  func.func @_sc_aggregate(%arg0: i32, %arg1: i32, %arg2: memref<20480x128xf32, #tpu.memory_space<hbm>>, %arg3: memref<2x16x128x80xi32, #tpu.memory_space<hbm>>, %arg4: memref<16x128x80xi32, #tpu.memory_space<hbm>>, %arg5: memref<2x10240x128xf32, #tpu.memory_space<hbm>>, %arg6: memref<1x80xi32, #tpu.memory_space<vmem>>, %arg7: memref<1x80xi32, #tpu.memory_space<vmem>>, %arg8: memref<1x80xi32, #tpu.memory_space<vmem>>, %arg9: memref<1x80xi32, #tpu.memory_space<vmem>>, %arg10: memref<80x128xf32, #tpu.memory_space<vmem>>, %arg11: memref<80x128xf32, #tpu.memory_space<vmem>>, %arg12: memref<10240x128xf32, #tpu.memory_space<vmem_shared>>, %arg13: memref<!tpu.dma_semaphore, #tpu.memory_space<semaphore_mem>>, %arg14: memref<!tpu.dma_semaphore, #tpu.memory_space<semaphore_mem>>, %arg15: memref<!tpu.dma_semaphore, #tpu.memory_space<semaphore_mem>>, %arg16: memref<!tpu.dma_semaphore, #tpu.memory_space<semaphore_mem>>, %arg17: memref<!tpu.dma_semaphore, #tpu.memory_space<semaphore_mem>>, %arg18: memref<!tpu.dma_semaphore, #tpu.memory_space<semaphore_mem>>) attributes {dimension_semantics = [#tpu.dimension_semantics<core_parallel>, #tpu.dimension_semantics<subcore_parallel>], iteration_bounds = array<i64: 2, 16>, scalar_prefetch = 0 : i64, scratch_operands = 13 : i64, tpu.core_type = #tpu.core_type<sc_vector_subcore>, window_params = [{transform_indices = #map}, {transform_indices = #map1}, {transform_indices = #map2}, {transform_indices = #map2}]} {
    %mul3A = arith.constant 640 : i32
    %mul3A_0 = arith.muli %arg1, %mul3A : i32
    %dma_start3A = arith.constant 0 : i32
    %dma_start3A_1 = arith.constant 0 : i32
    %dma_start3A_2 = arith.constant 0 : i32
    %dma_start3A_3 = tpu.memref_slice %arg6[%dma_start3A_1, %dma_start3A_2] : memref<1x80xi32, #tpu.memory_space<vmem>> -> memref<1x80xi32, #tpu.memory_space<vmem>>
    %dma_start3A_4 = tpu.memref_squeeze %dma_start3A_3 : memref<1x80xi32, #tpu.memory_space<vmem>> -> memref<80xi32, #tpu.memory_space<vmem>>
    %dma_start3A_5 = arith.constant 0 : i32
    %dma_start3A_6 = tpu.memref_slice %arg3[%arg0, %arg1, %dma_start3A, %dma_start3A_5] : memref<2x16x128x80xi32, #tpu.memory_space<hbm>> -> memref<1x1x1x80xi32, #tpu.memory_space<hbm>>
    %dma_start3A_7 = tpu.memref_squeeze %dma_start3A_6 : memref<1x1x1x80xi32, #tpu.memory_space<hbm>> -> memref<80xi32, #tpu.memory_space<hbm>>
    %dma_start3A_8 = arith.constant 0 : i32
    %dma_start3A_9 = tpu.memref_slice %arg6[%dma_start3A_1, %dma_start3A_8] : memref<1x80xi32, #tpu.memory_space<vmem>> -> memref<1x80xi32, #tpu.memory_space<vmem>>
    %dma_start3A_10 = tpu.memref_squeeze %dma_start3A_9 : memref<1x80xi32, #tpu.memory_space<vmem>> -> memref<80xi32, #tpu.memory_space<vmem>>
    %dma_start3A_11 = arith.constant 0 : i32
    %dma_start3A_12 = tpu.memref_slice %arg3[%arg0, %arg1, %dma_start3A, %dma_start3A_11] : memref<2x16x128x80xi32, #tpu.memory_space<hbm>> -> memref<1x1x1x80xi32, #tpu.memory_space<hbm>>
    %dma_start3A_13 = tpu.memref_squeeze %dma_start3A_12 : memref<1x1x1x80xi32, #tpu.memory_space<hbm>> -> memref<80xi32, #tpu.memory_space<hbm>>
    tpu.enqueue_dma source(%dma_start3A_13 : memref<80xi32, #tpu.memory_space<hbm>>) target(%dma_start3A_10 : memref<80xi32, #tpu.memory_space<vmem>>) target_semaphore(%arg13 : memref<!tpu.dma_semaphore, #tpu.memory_space<semaphore_mem>>)
    %dma_start3A_14 = arith.constant 0 : i32
    %dma_start3A_15 = arith.constant 0 : i32
    %dma_start3A_16 = arith.constant 0 : i32
    %dma_start3A_17 = tpu.memref_slice %arg8[%dma_start3A_15, %dma_start3A_16] : memref<1x80xi32, #tpu.memory_space<vmem>> -> memref<1x80xi32, #tpu.memory_space<vmem>>
    %dma_start3A_18 = tpu.memref_squeeze %dma_start3A_17 : memref<1x80xi32, #tpu.memory_space<vmem>> -> memref<80xi32, #tpu.memory_space<vmem>>
    %dma_start3A_19 = arith.constant 0 : i32
    %dma_start3A_20 = tpu.memref_slice %arg4[%arg1, %dma_start3A_14, %dma_start3A_19] : memref<16x128x80xi32, #tpu.memory_space<hbm>> -> memref<1x1x80xi32, #tpu.memory_space<hbm>>
    %dma_start3A_21 = tpu.memref_squeeze %dma_start3A_20 : memref<1x1x80xi32, #tpu.memory_space<hbm>> -> memref<80xi32, #tpu.memory_space<hbm>>
    %dma_start3A_22 = arith.constant 0 : i32
    %dma_start3A_23 = tpu.memref_slice %arg8[%dma_start3A_15, %dma_start3A_22] : memref<1x80xi32, #tpu.memory_space<vmem>> -> memref<1x80xi32, #tpu.memory_space<vmem>>
    %dma_start3A_24 = tpu.memref_squeeze %dma_start3A_23 : memref<1x80xi32, #tpu.memory_space<vmem>> -> memref<80xi32, #tpu.memory_space<vmem>>
    %dma_start3A_25 = arith.constant 0 : i32
    %dma_start3A_26 = tpu.memref_slice %arg4[%arg1, %dma_start3A_14, %dma_start3A_25] : memref<16x128x80xi32, #tpu.memory_space<hbm>> -> memref<1x1x80xi32, #tpu.memory_space<hbm>>
    %dma_start3A_27 = tpu.memref_squeeze %dma_start3A_26 : memref<1x1x80xi32, #tpu.memory_space<hbm>> -> memref<80xi32, #tpu.memory_space<hbm>>
    tpu.enqueue_dma source(%dma_start3A_27 : memref<80xi32, #tpu.memory_space<hbm>>) target(%dma_start3A_24 : memref<80xi32, #tpu.memory_space<vmem>>) target_semaphore(%arg15 : memref<!tpu.dma_semaphore, #tpu.memory_space<semaphore_mem>>)
    %dma_start3A_28 = arith.constant 1 : i32
    %dma_start3A_29 = arith.constant 0 : i32
    %dma_start3A_30 = arith.constant 0 : i32
    %dma_start3A_31 = tpu.memref_slice %arg7[%dma_start3A_29, %dma_start3A_30] : memref<1x80xi32, #tpu.memory_space<vmem>> -> memref<1x80xi32, #tpu.memory_space<vmem>>
    %dma_start3A_32 = tpu.memref_squeeze %dma_start3A_31 : memref<1x80xi32, #tpu.memory_space<vmem>> -> memref<80xi32, #tpu.memory_space<vmem>>
    %dma_start3A_33 = arith.constant 0 : i32
    %dma_start3A_34 = tpu.memref_slice %arg3[%arg0, %arg1, %dma_start3A_28, %dma_start3A_33] : memref<2x16x128x80xi32, #tpu.memory_space<hbm>> -> memref<1x1x1x80xi32, #tpu.memory_space<hbm>>
    %dma_start3A_35 = tpu.memref_squeeze %dma_start3A_34 : memref<1x1x1x80xi32, #tpu.memory_space<hbm>> -> memref<80xi32, #tpu.memory_space<hbm>>
    %dma_start3A_36 = arith.constant 0 : i32
    %dma_start3A_37 = tpu.memref_slice %arg7[%dma_start3A_29, %dma_start3A_36] : memref<1x80xi32, #tpu.memory_space<vmem>> -> memref<1x80xi32, #tpu.memory_space<vmem>>
    %dma_start3A_38 = tpu.memref_squeeze %dma_start3A_37 : memref<1x80xi32, #tpu.memory_space<vmem>> -> memref<80xi32, #tpu.memory_space<vmem>>
    %dma_start3A_39 = arith.constant 0 : i32
    %dma_start3A_40 = tpu.memref_slice %arg3[%arg0, %arg1, %dma_start3A_28, %dma_start3A_39] : memref<2x16x128x80xi32, #tpu.memory_space<hbm>> -> memref<1x1x1x80xi32, #tpu.memory_space<hbm>>
    %dma_start3A_41 = tpu.memref_squeeze %dma_start3A_40 : memref<1x1x1x80xi32, #tpu.memory_space<hbm>> -> memref<80xi32, #tpu.memory_space<hbm>>
    tpu.enqueue_dma source(%dma_start3A_41 : memref<80xi32, #tpu.memory_space<hbm>>) target(%dma_start3A_38 : memref<80xi32, #tpu.memory_space<vmem>>) target_semaphore(%arg14 : memref<!tpu.dma_semaphore, #tpu.memory_space<semaphore_mem>>)
    %dma_start3A_42 = arith.constant 1 : i32
    %dma_start3A_43 = arith.constant 0 : i32
    %dma_start3A_44 = arith.constant 0 : i32
    %dma_start3A_45 = tpu.memref_slice %arg9[%dma_start3A_43, %dma_start3A_44] : memref<1x80xi32, #tpu.memory_space<vmem>> -> memref<1x80xi32, #tpu.memory_space<vmem>>
    %dma_start3A_46 = tpu.memref_squeeze %dma_start3A_45 : memref<1x80xi32, #tpu.memory_space<vmem>> -> memref<80xi32, #tpu.memory_space<vmem>>
    %dma_start3A_47 = arith.constant 0 : i32
    %dma_start3A_48 = tpu.memref_slice %arg4[%arg1, %dma_start3A_42, %dma_start3A_47] : memref<16x128x80xi32, #tpu.memory_space<hbm>> -> memref<1x1x80xi32, #tpu.memory_space<hbm>>
    %dma_start3A_49 = tpu.memref_squeeze %dma_start3A_48 : memref<1x1x80xi32, #tpu.memory_space<hbm>> -> memref<80xi32, #tpu.memory_space<hbm>>
    %dma_start3A_50 = arith.constant 0 : i32
    %dma_start3A_51 = tpu.memref_slice %arg9[%dma_start3A_43, %dma_start3A_50] : memref<1x80xi32, #tpu.memory_space<vmem>> -> memref<1x80xi32, #tpu.memory_space<vmem>>
    %dma_start3A_52 = tpu.memref_squeeze %dma_start3A_51 : memref<1x80xi32, #tpu.memory_space<vmem>> -> memref<80xi32, #tpu.memory_space<vmem>>
    %dma_start3A_53 = arith.constant 0 : i32
    %dma_start3A_54 = tpu.memref_slice %arg4[%arg1, %dma_start3A_42, %dma_start3A_53] : memref<16x128x80xi32, #tpu.memory_space<hbm>> -> memref<1x1x80xi32, #tpu.memory_space<hbm>>
    %dma_start3A_55 = tpu.memref_squeeze %dma_start3A_54 : memref<1x1x80xi32, #tpu.memory_space<hbm>> -> memref<80xi32, #tpu.memory_space<hbm>>
    tpu.enqueue_dma source(%dma_start3A_55 : memref<80xi32, #tpu.memory_space<hbm>>) target(%dma_start3A_52 : memref<80xi32, #tpu.memory_space<vmem>>) target_semaphore(%arg16 : memref<!tpu.dma_semaphore, #tpu.memory_space<semaphore_mem>>)
    %mul3A_56 = arith.constant 10240 : i32
    %mul3A_57 = arith.muli %arg0, %mul3A_56 : i32
    %add3A = arith.addi %mul3A_57, %mul3A_0 : i32
    "tpu.region"() ({
      %run_scoped3A = tpu.sem_alloc : memref<!tpu.dma_semaphore, #tpu.memory_space<semaphore_mem>>
      %dma_start3A_133 = arith.constant 0 : i32
      %dma_start3A_134 = tpu.memref_slice %arg12[%mul3A_0, %dma_start3A_133] : memref<10240x128xf32, #tpu.memory_space<vmem_shared>> -> memref<640x128xf32, #tpu.memory_space<vmem_shared>>
      %dma_start3A_135 = arith.constant 0 : i32
      %dma_start3A_136 = tpu.memref_slice %arg2[%add3A, %dma_start3A_135] : memref<20480x128xf32, #tpu.memory_space<hbm>> -> memref<640x128xf32, #tpu.memory_space<hbm>>
      tpu.enqueue_dma source(%dma_start3A_136 : memref<640x128xf32, #tpu.memory_space<hbm>>) target(%dma_start3A_134 : memref<640x128xf32, #tpu.memory_space<vmem_shared>>) target_semaphore(%run_scoped3A : memref<!tpu.dma_semaphore, #tpu.memory_space<semaphore_mem>>)
      %dma_wait3A_137 = arith.constant 0 : i32
      %dma_wait3A_138 = tpu.memref_slice %arg12[%mul3A_0, %dma_wait3A_137] : memref<10240x128xf32, #tpu.memory_space<vmem_shared>> -> memref<640x128xf32, #tpu.memory_space<vmem_shared>>
      %dma_wait3A_139 = arith.constant 0 : i32
      %dma_wait3A_140 = tpu.memref_slice %arg2[%add3A, %dma_wait3A_139] : memref<20480x128xf32, #tpu.memory_space<hbm>> -> memref<640x128xf32, #tpu.memory_space<hbm>>
      tpu.wait_dma2 semaphore(%run_scoped3A : memref<!tpu.dma_semaphore, #tpu.memory_space<semaphore_mem>>) src(%dma_wait3A_140 : memref<640x128xf32, #tpu.memory_space<hbm>>) dst(%dma_wait3A_138 : memref<640x128xf32, #tpu.memory_space<vmem_shared>>)
      tpu.yield
    }) : () -> ()
    %barrier3A = arith.constant 0 : index
    tpu.barrier barrier_id(%barrier3A)
    %dma_wait3A = arith.constant 0 : i32
    %dma_wait3A_58 = arith.constant 0 : i32
    %dma_wait3A_59 = arith.constant 0 : i32
    %dma_wait3A_60 = tpu.memref_slice %arg6[%dma_wait3A_58, %dma_wait3A_59] : memref<1x80xi32, #tpu.memory_space<vmem>> -> memref<1x80xi32, #tpu.memory_space<vmem>>
    %dma_wait3A_61 = tpu.memref_squeeze %dma_wait3A_60 : memref<1x80xi32, #tpu.memory_space<vmem>> -> memref<80xi32, #tpu.memory_space<vmem>>
    %dma_wait3A_62 = arith.constant 0 : i32
    %dma_wait3A_63 = tpu.memref_slice %arg3[%arg0, %arg1, %dma_wait3A, %dma_wait3A_62] : memref<2x16x128x80xi32, #tpu.memory_space<hbm>> -> memref<1x1x1x80xi32, #tpu.memory_space<hbm>>
    %dma_wait3A_64 = tpu.memref_squeeze %dma_wait3A_63 : memref<1x1x1x80xi32, #tpu.memory_space<hbm>> -> memref<80xi32, #tpu.memory_space<hbm>>
    %dma_wait3A_65 = arith.constant 0 : i32
    %dma_wait3A_66 = tpu.memref_slice %arg6[%dma_wait3A_58, %dma_wait3A_65] : memref<1x80xi32, #tpu.memory_space<vmem>> -> memref<1x80xi32, #tpu.memory_space<vmem>>
    %dma_wait3A_67 = tpu.memref_squeeze %dma_wait3A_66 : memref<1x80xi32, #tpu.memory_space<vmem>> -> memref<80xi32, #tpu.memory_space<vmem>>
    %dma_wait3A_68 = arith.constant 0 : i32
    %dma_wait3A_69 = tpu.memref_slice %arg3[%arg0, %arg1, %dma_wait3A, %dma_wait3A_68] : memref<2x16x128x80xi32, #tpu.memory_space<hbm>> -> memref<1x1x1x80xi32, #tpu.memory_space<hbm>>
    %dma_wait3A_70 = tpu.memref_squeeze %dma_wait3A_69 : memref<1x1x1x80xi32, #tpu.memory_space<hbm>> -> memref<80xi32, #tpu.memory_space<hbm>>
    tpu.wait_dma2 semaphore(%arg13 : memref<!tpu.dma_semaphore, #tpu.memory_space<semaphore_mem>>) src(%dma_wait3A_70 : memref<80xi32, #tpu.memory_space<hbm>>) dst(%dma_wait3A_67 : memref<80xi32, #tpu.memory_space<vmem>>)
    %dma_start3A_71 = arith.constant 0 : i32
    %dma_start3A_72 = arith.constant 0 : i32
    %dma_start3A_73 = tpu.memref_slice %arg6[%dma_start3A_71, %dma_start3A_72] : memref<1x80xi32, #tpu.memory_space<vmem>> -> memref<1x80xi32, #tpu.memory_space<vmem>>
    %dma_start3A_74 = tpu.memref_squeeze %dma_start3A_73 : memref<1x80xi32, #tpu.memory_space<vmem>> -> memref<80xi32, #tpu.memory_space<vmem>>
    %dma_start3A_75 = arith.constant 0 : i32
    %dma_start3A_76 = arith.constant 0 : i32
    %dma_start3A_77 = tpu.memref_slice %arg2[%dma_start3A_75, %dma_start3A_76] : memref<20480x128xf32, #tpu.memory_space<hbm>> -> memref<20480x128xf32, #tpu.memory_space<hbm>>
    tpu.enqueue_indirect_dma source(%dma_start3A_77 : memref<20480x128xf32, #tpu.memory_space<hbm>>) target(%arg10 : memref<80x128xf32, #tpu.memory_space<vmem>>) offsets(%dma_start3A_74 : memref<80xi32, #tpu.memory_space<vmem>>) semaphore(%arg17 : memref<!tpu.dma_semaphore, #tpu.memory_space<semaphore_mem>>)
    %scan3A = arith.constant 0 : i32
    %scan3A_78 = arith.constant 0 : i32
    %scan3A_79 = arith.constant 64 : i32
    %scan3A_80 = arith.addi %scan3A_78, %scan3A_79 : i32
    %scan3A_81 = arith.constant 1 : i32
    scf.for %scan3A_133 = %scan3A_78 to %scan3A_80 step %scan3A_81  : i32 {
      %mul3A_134 = arith.constant 2 : i32
      %mul3A_135 = arith.muli %mul3A_134, %scan3A_133 : i32
      %dma_wait3A_136 = arith.constant 0 : i32
      %dma_wait3A_137 = arith.constant 0 : i32
      %dma_wait3A_138 = arith.constant 0 : i32
      %dma_wait3A_139 = tpu.memref_slice %arg7[%dma_wait3A_137, %dma_wait3A_138] : memref<1x80xi32, #tpu.memory_space<vmem>> -> memref<1x80xi32, #tpu.memory_space<vmem>>
      %dma_wait3A_140 = tpu.memref_squeeze %dma_wait3A_139 : memref<1x80xi32, #tpu.memory_space<vmem>> -> memref<80xi32, #tpu.memory_space<vmem>>
      %dma_wait3A_141 = arith.constant 0 : i32
      %dma_wait3A_142 = tpu.memref_slice %arg3[%arg0, %arg1, %dma_wait3A_136, %dma_wait3A_141] : memref<2x16x128x80xi32, #tpu.memory_space<hbm>> -> memref<1x1x1x80xi32, #tpu.memory_space<hbm>>
      %dma_wait3A_143 = tpu.memref_squeeze %dma_wait3A_142 : memref<1x1x1x80xi32, #tpu.memory_space<hbm>> -> memref<80xi32, #tpu.memory_space<hbm>>
      %dma_wait3A_144 = arith.constant 0 : i32
      %dma_wait3A_145 = tpu.memref_slice %arg7[%dma_wait3A_137, %dma_wait3A_144] : memref<1x80xi32, #tpu.memory_space<vmem>> -> memref<1x80xi32, #tpu.memory_space<vmem>>
      %dma_wait3A_146 = tpu.memref_squeeze %dma_wait3A_145 : memref<1x80xi32, #tpu.memory_space<vmem>> -> memref<80xi32, #tpu.memory_space<vmem>>
      %dma_wait3A_147 = arith.constant 0 : i32
      %dma_wait3A_148 = tpu.memref_slice %arg3[%arg0, %arg1, %dma_wait3A_136, %dma_wait3A_147] : memref<2x16x128x80xi32, #tpu.memory_space<hbm>> -> memref<1x1x1x80xi32, #tpu.memory_space<hbm>>
      %dma_wait3A_149 = tpu.memref_squeeze %dma_wait3A_148 : memref<1x1x1x80xi32, #tpu.memory_space<hbm>> -> memref<80xi32, #tpu.memory_space<hbm>>
      tpu.wait_dma2 semaphore(%arg14 : memref<!tpu.dma_semaphore, #tpu.memory_space<semaphore_mem>>) src(%dma_wait3A_149 : memref<80xi32, #tpu.memory_space<hbm>>) dst(%dma_wait3A_146 : memref<80xi32, #tpu.memory_space<vmem>>)
      %dma_start3A_150 = arith.constant 0 : i32
      %dma_start3A_151 = arith.constant 0 : i32
      %dma_start3A_152 = tpu.memref_slice %arg7[%dma_start3A_150, %dma_start3A_151] : memref<1x80xi32, #tpu.memory_space<vmem>> -> memref<1x80xi32, #tpu.memory_space<vmem>>
      %dma_start3A_153 = tpu.memref_squeeze %dma_start3A_152 : memref<1x80xi32, #tpu.memory_space<vmem>> -> memref<80xi32, #tpu.memory_space<vmem>>
      %dma_start3A_154 = arith.constant 0 : i32
      %dma_start3A_155 = arith.constant 0 : i32
      %dma_start3A_156 = tpu.memref_slice %arg2[%dma_start3A_154, %dma_start3A_155] : memref<20480x128xf32, #tpu.memory_space<hbm>> -> memref<20480x128xf32, #tpu.memory_space<hbm>>
      tpu.enqueue_indirect_dma source(%dma_start3A_156 : memref<20480x128xf32, #tpu.memory_space<hbm>>) target(%arg11 : memref<80x128xf32, #tpu.memory_space<vmem>>) offsets(%dma_start3A_153 : memref<80xi32, #tpu.memory_space<vmem>>) semaphore(%arg18 : memref<!tpu.dma_semaphore, #tpu.memory_space<semaphore_mem>>)
      %dma_wait3A_157 = arith.constant 0 : i32
      %dma_wait3A_158 = arith.constant 0 : i32
      %dma_wait3A_159 = tpu.memref_slice %arg6[%dma_wait3A_157, %dma_wait3A_158] : memref<1x80xi32, #tpu.memory_space<vmem>> -> memref<1x80xi32, #tpu.memory_space<vmem>>
      %dma_wait3A_160 = tpu.memref_squeeze %dma_wait3A_159 : memref<1x80xi32, #tpu.memory_space<vmem>> -> memref<80xi32, #tpu.memory_space<vmem>>
      %dma_wait3A_161 = arith.constant 0 : i32
      %dma_wait3A_162 = arith.constant 0 : i32
      %dma_wait3A_163 = tpu.memref_slice %arg2[%dma_wait3A_161, %dma_wait3A_162] : memref<20480x128xf32, #tpu.memory_space<hbm>> -> memref<20480x128xf32, #tpu.memory_space<hbm>>
      tpu.wait_indirect_dma semaphore(%arg17 : memref<!tpu.dma_semaphore, #tpu.memory_space<semaphore_mem>>) src(%dma_wait3A_163 : memref<20480x128xf32, #tpu.memory_space<hbm>>) dst(%arg10 : memref<80x128xf32, #tpu.memory_space<vmem>>)
      %add3A_164 = arith.constant 2 : i32
      %add3A_165 = arith.addi %mul3A_135, %add3A_164 : i32
      %min3A = arith.constant 127 : i32
      %min3A_166 = arith.minsi %add3A_165, %min3A : i32
      %dma_start3A_167 = arith.constant 0 : i32
      %dma_start3A_168 = arith.constant 0 : i32
      %dma_start3A_169 = tpu.memref_slice %arg6[%dma_start3A_167, %dma_start3A_168] : memref<1x80xi32, #tpu.memory_space<vmem>> -> memref<1x80xi32, #tpu.memory_space<vmem>>
      %dma_start3A_170 = tpu.memref_squeeze %dma_start3A_169 : memref<1x80xi32, #tpu.memory_space<vmem>> -> memref<80xi32, #tpu.memory_space<vmem>>
      %dma_start3A_171 = arith.constant 0 : i32
      %dma_start3A_172 = tpu.memref_slice %arg3[%arg0, %arg1, %min3A_166, %dma_start3A_171] : memref<2x16x128x80xi32, #tpu.memory_space<hbm>> -> memref<1x1x1x80xi32, #tpu.memory_space<hbm>>
      %dma_start3A_173 = tpu.memref_squeeze %dma_start3A_172 : memref<1x1x1x80xi32, #tpu.memory_space<hbm>> -> memref<80xi32, #tpu.memory_space<hbm>>
      %dma_start3A_174 = arith.constant 0 : i32
      %dma_start3A_175 = tpu.memref_slice %arg6[%dma_start3A_167, %dma_start3A_174] : memref<1x80xi32, #tpu.memory_space<vmem>> -> memref<1x80xi32, #tpu.memory_space<vmem>>
      %dma_start3A_176 = tpu.memref_squeeze %dma_start3A_175 : memref<1x80xi32, #tpu.memory_space<vmem>> -> memref<80xi32, #tpu.memory_space<vmem>>
      %dma_start3A_177 = arith.constant 0 : i32
      %dma_start3A_178 = tpu.memref_slice %arg3[%arg0, %arg1, %min3A_166, %dma_start3A_177] : memref<2x16x128x80xi32, #tpu.memory_space<hbm>> -> memref<1x1x1x80xi32, #tpu.memory_space<hbm>>
      %dma_start3A_179 = tpu.memref_squeeze %dma_start3A_178 : memref<1x1x1x80xi32, #tpu.memory_space<hbm>> -> memref<80xi32, #tpu.memory_space<hbm>>
      tpu.enqueue_dma source(%dma_start3A_179 : memref<80xi32, #tpu.memory_space<hbm>>) target(%dma_start3A_176 : memref<80xi32, #tpu.memory_space<vmem>>) target_semaphore(%arg13 : memref<!tpu.dma_semaphore, #tpu.memory_space<semaphore_mem>>)
      %dma_wait3A_180 = arith.constant 0 : i32
      %dma_wait3A_181 = arith.constant 0 : i32
      %dma_wait3A_182 = arith.constant 0 : i32
      %dma_wait3A_183 = tpu.memref_slice %arg8[%dma_wait3A_181, %dma_wait3A_182] : memref<1x80xi32, #tpu.memory_space<vmem>> -> memref<1x80xi32, #tpu.memory_space<vmem>>
      %dma_wait3A_184 = tpu.memref_squeeze %dma_wait3A_183 : memref<1x80xi32, #tpu.memory_space<vmem>> -> memref<80xi32, #tpu.memory_space<vmem>>
      %dma_wait3A_185 = arith.constant 0 : i32
      %dma_wait3A_186 = tpu.memref_slice %arg4[%arg1, %dma_wait3A_180, %dma_wait3A_185] : memref<16x128x80xi32, #tpu.memory_space<hbm>> -> memref<1x1x80xi32, #tpu.memory_space<hbm>>
      %dma_wait3A_187 = tpu.memref_squeeze %dma_wait3A_186 : memref<1x1x80xi32, #tpu.memory_space<hbm>> -> memref<80xi32, #tpu.memory_space<hbm>>
      %dma_wait3A_188 = arith.constant 0 : i32
      %dma_wait3A_189 = tpu.memref_slice %arg8[%dma_wait3A_181, %dma_wait3A_188] : memref<1x80xi32, #tpu.memory_space<vmem>> -> memref<1x80xi32, #tpu.memory_space<vmem>>
      %dma_wait3A_190 = tpu.memref_squeeze %dma_wait3A_189 : memref<1x80xi32, #tpu.memory_space<vmem>> -> memref<80xi32, #tpu.memory_space<vmem>>
      %dma_wait3A_191 = arith.constant 0 : i32
      %dma_wait3A_192 = tpu.memref_slice %arg4[%arg1, %dma_wait3A_180, %dma_wait3A_191] : memref<16x128x80xi32, #tpu.memory_space<hbm>> -> memref<1x1x80xi32, #tpu.memory_space<hbm>>
      %dma_wait3A_193 = tpu.memref_squeeze %dma_wait3A_192 : memref<1x1x80xi32, #tpu.memory_space<hbm>> -> memref<80xi32, #tpu.memory_space<hbm>>
      tpu.wait_dma2 semaphore(%arg15 : memref<!tpu.dma_semaphore, #tpu.memory_space<semaphore_mem>>) src(%dma_wait3A_193 : memref<80xi32, #tpu.memory_space<hbm>>) dst(%dma_wait3A_190 : memref<80xi32, #tpu.memory_space<vmem>>)
      %run_scoped3A = arith.constant 0 : i32
      "tpu.region"() ({
        %run_scoped3A_288 = tpu.sem_alloc : memref<!tpu.dma_semaphore, #tpu.memory_space<semaphore_mem>>
        %dma_start3A_289 = arith.constant 0 : i32
        %dma_start3A_290 = tpu.memref_slice %arg8[%run_scoped3A, %dma_start3A_289] : memref<1x80xi32, #tpu.memory_space<vmem>> -> memref<1x80xi32, #tpu.memory_space<vmem>>
        %dma_start3A_291 = tpu.memref_squeeze %dma_start3A_290 : memref<1x80xi32, #tpu.memory_space<vmem>> -> memref<80xi32, #tpu.memory_space<vmem>>
        %dma_start3A_292 = arith.constant 0 : i32
        %dma_start3A_293 = arith.constant 0 : i32
        %dma_start3A_294 = tpu.memref_slice %arg12[%dma_start3A_292, %dma_start3A_293] : memref<10240x128xf32, #tpu.memory_space<vmem_shared>> -> memref<10240x128xf32, #tpu.memory_space<vmem_shared>>
        tpu.enqueue_indirect_dma source(%arg10 : memref<80x128xf32, #tpu.memory_space<vmem>>) target(%dma_start3A_294 : memref<10240x128xf32, #tpu.memory_space<vmem_shared>>) offsets(%dma_start3A_291 : memref<80xi32, #tpu.memory_space<vmem>>) semaphore(%run_scoped3A_288 : memref<!tpu.dma_semaphore, #tpu.memory_space<semaphore_mem>>) {add = true}
        %dma_wait3A_295 = arith.constant 0 : i32
        %dma_wait3A_296 = tpu.memref_slice %arg8[%run_scoped3A, %dma_wait3A_295] : memref<1x80xi32, #tpu.memory_space<vmem>> -> memref<1x80xi32, #tpu.memory_space<vmem>>
        %dma_wait3A_297 = tpu.memref_squeeze %dma_wait3A_296 : memref<1x80xi32, #tpu.memory_space<vmem>> -> memref<80xi32, #tpu.memory_space<vmem>>
        %dma_wait3A_298 = arith.constant 0 : i32
        %dma_wait3A_299 = arith.constant 0 : i32
        %dma_wait3A_300 = tpu.memref_slice %arg12[%dma_wait3A_298, %dma_wait3A_299] : memref<10240x128xf32, #tpu.memory_space<vmem_shared>> -> memref<10240x128xf32, #tpu.memory_space<vmem_shared>>
        tpu.wait_indirect_dma semaphore(%run_scoped3A_288 : memref<!tpu.dma_semaphore, #tpu.memory_space<semaphore_mem>>) src(%arg10 : memref<80x128xf32, #tpu.memory_space<vmem>>) dst(%dma_wait3A_300 : memref<10240x128xf32, #tpu.memory_space<vmem_shared>>)
        tpu.yield
      }) : () -> ()
      %add3A_194 = arith.constant 2 : i32
      %add3A_195 = arith.addi %mul3A_135, %add3A_194 : i32
      %min3A_196 = arith.constant 127 : i32
      %min3A_197 = arith.minsi %add3A_195, %min3A_196 : i32
      %dma_start3A_198 = arith.constant 0 : i32
      %dma_start3A_199 = arith.constant 0 : i32
      %dma_start3A_200 = tpu.memref_slice %arg8[%dma_start3A_198, %dma_start3A_199] : memref<1x80xi32, #tpu.memory_space<vmem>> -> memref<1x80xi32, #tpu.memory_space<vmem>>
      %dma_start3A_201 = tpu.memref_squeeze %dma_start3A_200 : memref<1x80xi32, #tpu.memory_space<vmem>> -> memref<80xi32, #tpu.memory_space<vmem>>
      %dma_start3A_202 = arith.constant 0 : i32
      %dma_start3A_203 = tpu.memref_slice %arg4[%arg1, %min3A_197, %dma_start3A_202] : memref<16x128x80xi32, #tpu.memory_space<hbm>> -> memref<1x1x80xi32, #tpu.memory_space<hbm>>
      %dma_start3A_204 = tpu.memref_squeeze %dma_start3A_203 : memref<1x1x80xi32, #tpu.memory_space<hbm>> -> memref<80xi32, #tpu.memory_space<hbm>>
      %dma_start3A_205 = arith.constant 0 : i32
      %dma_start3A_206 = tpu.memref_slice %arg8[%dma_start3A_198, %dma_start3A_205] : memref<1x80xi32, #tpu.memory_space<vmem>> -> memref<1x80xi32, #tpu.memory_space<vmem>>
      %dma_start3A_207 = tpu.memref_squeeze %dma_start3A_206 : memref<1x80xi32, #tpu.memory_space<vmem>> -> memref<80xi32, #tpu.memory_space<vmem>>
      %dma_start3A_208 = arith.constant 0 : i32
      %dma_start3A_209 = tpu.memref_slice %arg4[%arg1, %min3A_197, %dma_start3A_208] : memref<16x128x80xi32, #tpu.memory_space<hbm>> -> memref<1x1x80xi32, #tpu.memory_space<hbm>>
      %dma_start3A_210 = tpu.memref_squeeze %dma_start3A_209 : memref<1x1x80xi32, #tpu.memory_space<hbm>> -> memref<80xi32, #tpu.memory_space<hbm>>
      tpu.enqueue_dma source(%dma_start3A_210 : memref<80xi32, #tpu.memory_space<hbm>>) target(%dma_start3A_207 : memref<80xi32, #tpu.memory_space<vmem>>) target_semaphore(%arg15 : memref<!tpu.dma_semaphore, #tpu.memory_space<semaphore_mem>>)
      %dma_wait3A_211 = arith.constant 0 : i32
      %dma_wait3A_212 = arith.constant 0 : i32
      %dma_wait3A_213 = arith.constant 0 : i32
      %dma_wait3A_214 = tpu.memref_slice %arg6[%dma_wait3A_212, %dma_wait3A_213] : memref<1x80xi32, #tpu.memory_space<vmem>> -> memref<1x80xi32, #tpu.memory_space<vmem>>
      %dma_wait3A_215 = tpu.memref_squeeze %dma_wait3A_214 : memref<1x80xi32, #tpu.memory_space<vmem>> -> memref<80xi32, #tpu.memory_space<vmem>>
      %dma_wait3A_216 = arith.constant 0 : i32
      %dma_wait3A_217 = tpu.memref_slice %arg3[%arg0, %arg1, %dma_wait3A_211, %dma_wait3A_216] : memref<2x16x128x80xi32, #tpu.memory_space<hbm>> -> memref<1x1x1x80xi32, #tpu.memory_space<hbm>>
      %dma_wait3A_218 = tpu.memref_squeeze %dma_wait3A_217 : memref<1x1x1x80xi32, #tpu.memory_space<hbm>> -> memref<80xi32, #tpu.memory_space<hbm>>
      %dma_wait3A_219 = arith.constant 0 : i32
      %dma_wait3A_220 = tpu.memref_slice %arg6[%dma_wait3A_212, %dma_wait3A_219] : memref<1x80xi32, #tpu.memory_space<vmem>> -> memref<1x80xi32, #tpu.memory_space<vmem>>
      %dma_wait3A_221 = tpu.memref_squeeze %dma_wait3A_220 : memref<1x80xi32, #tpu.memory_space<vmem>> -> memref<80xi32, #tpu.memory_space<vmem>>
      %dma_wait3A_222 = arith.constant 0 : i32
      %dma_wait3A_223 = tpu.memref_slice %arg3[%arg0, %arg1, %dma_wait3A_211, %dma_wait3A_222] : memref<2x16x128x80xi32, #tpu.memory_space<hbm>> -> memref<1x1x1x80xi32, #tpu.memory_space<hbm>>
      %dma_wait3A_224 = tpu.memref_squeeze %dma_wait3A_223 : memref<1x1x1x80xi32, #tpu.memory_space<hbm>> -> memref<80xi32, #tpu.memory_space<hbm>>
      tpu.wait_dma2 semaphore(%arg13 : memref<!tpu.dma_semaphore, #tpu.memory_space<semaphore_mem>>) src(%dma_wait3A_224 : memref<80xi32, #tpu.memory_space<hbm>>) dst(%dma_wait3A_221 : memref<80xi32, #tpu.memory_space<vmem>>)
      %dma_start3A_225 = arith.constant 0 : i32
      %dma_start3A_226 = arith.constant 0 : i32
      %dma_start3A_227 = tpu.memref_slice %arg6[%dma_start3A_225, %dma_start3A_226] : memref<1x80xi32, #tpu.memory_space<vmem>> -> memref<1x80xi32, #tpu.memory_space<vmem>>
      %dma_start3A_228 = tpu.memref_squeeze %dma_start3A_227 : memref<1x80xi32, #tpu.memory_space<vmem>> -> memref<80xi32, #tpu.memory_space<vmem>>
      %dma_start3A_229 = arith.constant 0 : i32
      %dma_start3A_230 = arith.constant 0 : i32
      %dma_start3A_231 = tpu.memref_slice %arg2[%dma_start3A_229, %dma_start3A_230] : memref<20480x128xf32, #tpu.memory_space<hbm>> -> memref<20480x128xf32, #tpu.memory_space<hbm>>
      tpu.enqueue_indirect_dma source(%dma_start3A_231 : memref<20480x128xf32, #tpu.memory_space<hbm>>) target(%arg10 : memref<80x128xf32, #tpu.memory_space<vmem>>) offsets(%dma_start3A_228 : memref<80xi32, #tpu.memory_space<vmem>>) semaphore(%arg17 : memref<!tpu.dma_semaphore, #tpu.memory_space<semaphore_mem>>)
      %dma_wait3A_232 = arith.constant 0 : i32
      %dma_wait3A_233 = arith.constant 0 : i32
      %dma_wait3A_234 = tpu.memref_slice %arg7[%dma_wait3A_232, %dma_wait3A_233] : memref<1x80xi32, #tpu.memory_space<vmem>> -> memref<1x80xi32, #tpu.memory_space<vmem>>
      %dma_wait3A_235 = tpu.memref_squeeze %dma_wait3A_234 : memref<1x80xi32, #tpu.memory_space<vmem>> -> memref<80xi32, #tpu.memory_space<vmem>>
      %dma_wait3A_236 = arith.constant 0 : i32
      %dma_wait3A_237 = arith.constant 0 : i32
      %dma_wait3A_238 = tpu.memref_slice %arg2[%dma_wait3A_236, %dma_wait3A_237] : memref<20480x128xf32, #tpu.memory_space<hbm>> -> memref<20480x128xf32, #tpu.memory_space<hbm>>
      tpu.wait_indirect_dma semaphore(%arg18 : memref<!tpu.dma_semaphore, #tpu.memory_space<semaphore_mem>>) src(%dma_wait3A_238 : memref<20480x128xf32, #tpu.memory_space<hbm>>) dst(%arg11 : memref<80x128xf32, #tpu.memory_space<vmem>>)
      %add3A_239 = arith.constant 3 : i32
      %add3A_240 = arith.addi %mul3A_135, %add3A_239 : i32
      %min3A_241 = arith.constant 127 : i32
      %min3A_242 = arith.minsi %add3A_240, %min3A_241 : i32
      %dma_start3A_243 = arith.constant 0 : i32
      %dma_start3A_244 = arith.constant 0 : i32
      %dma_start3A_245 = tpu.memref_slice %arg7[%dma_start3A_243, %dma_start3A_244] : memref<1x80xi32, #tpu.memory_space<vmem>> -> memref<1x80xi32, #tpu.memory_space<vmem>>
      %dma_start3A_246 = tpu.memref_squeeze %dma_start3A_245 : memref<1x80xi32, #tpu.memory_space<vmem>> -> memref<80xi32, #tpu.memory_space<vmem>>
      %dma_start3A_247 = arith.constant 0 : i32
      %dma_start3A_248 = tpu.memref_slice %arg3[%arg0, %arg1, %min3A_242, %dma_start3A_247] : memref<2x16x128x80xi32, #tpu.memory_space<hbm>> -> memref<1x1x1x80xi32, #tpu.memory_space<hbm>>
      %dma_start3A_249 = tpu.memref_squeeze %dma_start3A_248 : memref<1x1x1x80xi32, #tpu.memory_space<hbm>> -> memref<80xi32, #tpu.memory_space<hbm>>
      %dma_start3A_250 = arith.constant 0 : i32
      %dma_start3A_251 = tpu.memref_slice %arg7[%dma_start3A_243, %dma_start3A_250] : memref<1x80xi32, #tpu.memory_space<vmem>> -> memref<1x80xi32, #tpu.memory_space<vmem>>
      %dma_start3A_252 = tpu.memref_squeeze %dma_start3A_251 : memref<1x80xi32, #tpu.memory_space<vmem>> -> memref<80xi32, #tpu.memory_space<vmem>>
      %dma_start3A_253 = arith.constant 0 : i32
      %dma_start3A_254 = tpu.memref_slice %arg3[%arg0, %arg1, %min3A_242, %dma_start3A_253] : memref<2x16x128x80xi32, #tpu.memory_space<hbm>> -> memref<1x1x1x80xi32, #tpu.memory_space<hbm>>
      %dma_start3A_255 = tpu.memref_squeeze %dma_start3A_254 : memref<1x1x1x80xi32, #tpu.memory_space<hbm>> -> memref<80xi32, #tpu.memory_space<hbm>>
      tpu.enqueue_dma source(%dma_start3A_255 : memref<80xi32, #tpu.memory_space<hbm>>) target(%dma_start3A_252 : memref<80xi32, #tpu.memory_space<vmem>>) target_semaphore(%arg14 : memref<!tpu.dma_semaphore, #tpu.memory_space<semaphore_mem>>)
      %dma_wait3A_256 = arith.constant 0 : i32
      %dma_wait3A_257 = arith.constant 0 : i32
      %dma_wait3A_258 = arith.constant 0 : i32
      %dma_wait3A_259 = tpu.memref_slice %arg9[%dma_wait3A_257, %dma_wait3A_258] : memref<1x80xi32, #tpu.memory_space<vmem>> -> memref<1x80xi32, #tpu.memory_space<vmem>>
      %dma_wait3A_260 = tpu.memref_squeeze %dma_wait3A_259 : memref<1x80xi32, #tpu.memory_space<vmem>> -> memref<80xi32, #tpu.memory_space<vmem>>
      %dma_wait3A_261 = arith.constant 0 : i32
      %dma_wait3A_262 = tpu.memref_slice %arg4[%arg1, %dma_wait3A_256, %dma_wait3A_261] : memref<16x128x80xi32, #tpu.memory_space<hbm>> -> memref<1x1x80xi32, #tpu.memory_space<hbm>>
      %dma_wait3A_263 = tpu.memref_squeeze %dma_wait3A_262 : memref<1x1x80xi32, #tpu.memory_space<hbm>> -> memref<80xi32, #tpu.memory_space<hbm>>
      %dma_wait3A_264 = arith.constant 0 : i32
      %dma_wait3A_265 = tpu.memref_slice %arg9[%dma_wait3A_257, %dma_wait3A_264] : memref<1x80xi32, #tpu.memory_space<vmem>> -> memref<1x80xi32, #tpu.memory_space<vmem>>
      %dma_wait3A_266 = tpu.memref_squeeze %dma_wait3A_265 : memref<1x80xi32, #tpu.memory_space<vmem>> -> memref<80xi32, #tpu.memory_space<vmem>>
      %dma_wait3A_267 = arith.constant 0 : i32
      %dma_wait3A_268 = tpu.memref_slice %arg4[%arg1, %dma_wait3A_256, %dma_wait3A_267] : memref<16x128x80xi32, #tpu.memory_space<hbm>> -> memref<1x1x80xi32, #tpu.memory_space<hbm>>
      %dma_wait3A_269 = tpu.memref_squeeze %dma_wait3A_268 : memref<1x1x80xi32, #tpu.memory_space<hbm>> -> memref<80xi32, #tpu.memory_space<hbm>>
      tpu.wait_dma2 semaphore(%arg16 : memref<!tpu.dma_semaphore, #tpu.memory_space<semaphore_mem>>) src(%dma_wait3A_269 : memref<80xi32, #tpu.memory_space<hbm>>) dst(%dma_wait3A_266 : memref<80xi32, #tpu.memory_space<vmem>>)
      %run_scoped3A_270 = arith.constant 0 : i32
      "tpu.region"() ({
        %run_scoped3A_288 = tpu.sem_alloc : memref<!tpu.dma_semaphore, #tpu.memory_space<semaphore_mem>>
        %dma_start3A_289 = arith.constant 0 : i32
        %dma_start3A_290 = tpu.memref_slice %arg9[%run_scoped3A_270, %dma_start3A_289] : memref<1x80xi32, #tpu.memory_space<vmem>> -> memref<1x80xi32, #tpu.memory_space<vmem>>
        %dma_start3A_291 = tpu.memref_squeeze %dma_start3A_290 : memref<1x80xi32, #tpu.memory_space<vmem>> -> memref<80xi32, #tpu.memory_space<vmem>>
        %dma_start3A_292 = arith.constant 0 : i32
        %dma_start3A_293 = arith.constant 0 : i32
        %dma_start3A_294 = tpu.memref_slice %arg12[%dma_start3A_292, %dma_start3A_293] : memref<10240x128xf32, #tpu.memory_space<vmem_shared>> -> memref<10240x128xf32, #tpu.memory_space<vmem_shared>>
        tpu.enqueue_indirect_dma source(%arg11 : memref<80x128xf32, #tpu.memory_space<vmem>>) target(%dma_start3A_294 : memref<10240x128xf32, #tpu.memory_space<vmem_shared>>) offsets(%dma_start3A_291 : memref<80xi32, #tpu.memory_space<vmem>>) semaphore(%run_scoped3A_288 : memref<!tpu.dma_semaphore, #tpu.memory_space<semaphore_mem>>) {add = true}
        %dma_wait3A_295 = arith.constant 0 : i32
        %dma_wait3A_296 = tpu.memref_slice %arg9[%run_scoped3A_270, %dma_wait3A_295] : memref<1x80xi32, #tpu.memory_space<vmem>> -> memref<1x80xi32, #tpu.memory_space<vmem>>
        %dma_wait3A_297 = tpu.memref_squeeze %dma_wait3A_296 : memref<1x80xi32, #tpu.memory_space<vmem>> -> memref<80xi32, #tpu.memory_space<vmem>>
        %dma_wait3A_298 = arith.constant 0 : i32
        %dma_wait3A_299 = arith.constant 0 : i32
        %dma_wait3A_300 = tpu.memref_slice %arg12[%dma_wait3A_298, %dma_wait3A_299] : memref<10240x128xf32, #tpu.memory_space<vmem_shared>> -> memref<10240x128xf32, #tpu.memory_space<vmem_shared>>
        tpu.wait_indirect_dma semaphore(%run_scoped3A_288 : memref<!tpu.dma_semaphore, #tpu.memory_space<semaphore_mem>>) src(%arg11 : memref<80x128xf32, #tpu.memory_space<vmem>>) dst(%dma_wait3A_300 : memref<10240x128xf32, #tpu.memory_space<vmem_shared>>)
        tpu.yield
      }) : () -> ()
      %add3A_271 = arith.constant 3 : i32
      %add3A_272 = arith.addi %mul3A_135, %add3A_271 : i32
      %min3A_273 = arith.constant 127 : i32
      %min3A_274 = arith.minsi %add3A_272, %min3A_273 : i32
      %dma_start3A_275 = arith.constant 0 : i32
      %dma_start3A_276 = arith.constant 0 : i32
      %dma_start3A_277 = tpu.memref_slice %arg9[%dma_start3A_275, %dma_start3A_276] : memref<1x80xi32, #tpu.memory_space<vmem>> -> memref<1x80xi32, #tpu.memory_space<vmem>>
      %dma_start3A_278 = tpu.memref_squeeze %dma_start3A_277 : memref<1x80xi32, #tpu.memory_space<vmem>> -> memref<80xi32, #tpu.memory_space<vmem>>
      %dma_start3A_279 = arith.constant 0 : i32
      %dma_start3A_280 = tpu.memref_slice %arg4[%arg1, %min3A_274, %dma_start3A_279] : memref<16x128x80xi32, #tpu.memory_space<hbm>> -> memref<1x1x80xi32, #tpu.memory_space<hbm>>
      %dma_start3A_281 = tpu.memref_squeeze %dma_start3A_280 : memref<1x1x80xi32, #tpu.memory_space<hbm>> -> memref<80xi32, #tpu.memory_space<hbm>>
      %dma_start3A_282 = arith.constant 0 : i32
      %dma_start3A_283 = tpu.memref_slice %arg9[%dma_start3A_275, %dma_start3A_282] : memref<1x80xi32, #tpu.memory_space<vmem>> -> memref<1x80xi32, #tpu.memory_space<vmem>>
      %dma_start3A_284 = tpu.memref_squeeze %dma_start3A_283 : memref<1x80xi32, #tpu.memory_space<vmem>> -> memref<80xi32, #tpu.memory_space<vmem>>
      %dma_start3A_285 = arith.constant 0 : i32
      %dma_start3A_286 = tpu.memref_slice %arg4[%arg1, %min3A_274, %dma_start3A_285] : memref<16x128x80xi32, #tpu.memory_space<hbm>> -> memref<1x1x80xi32, #tpu.memory_space<hbm>>
      %dma_start3A_287 = tpu.memref_squeeze %dma_start3A_286 : memref<1x1x80xi32, #tpu.memory_space<hbm>> -> memref<80xi32, #tpu.memory_space<hbm>>
      tpu.enqueue_dma source(%dma_start3A_287 : memref<80xi32, #tpu.memory_space<hbm>>) target(%dma_start3A_284 : memref<80xi32, #tpu.memory_space<vmem>>) target_semaphore(%arg16 : memref<!tpu.dma_semaphore, #tpu.memory_space<semaphore_mem>>)
    }
    %scan3A_82 = arith.constant 64 : i32
    %dma_wait3A_83 = arith.constant 0 : i32
    %dma_wait3A_84 = arith.constant 0 : i32
    %dma_wait3A_85 = tpu.memref_slice %arg6[%dma_wait3A_83, %dma_wait3A_84] : memref<1x80xi32, #tpu.memory_space<vmem>> -> memref<1x80xi32, #tpu.memory_space<vmem>>
    %dma_wait3A_86 = tpu.memref_squeeze %dma_wait3A_85 : memref<1x80xi32, #tpu.memory_space<vmem>> -> memref<80xi32, #tpu.memory_space<vmem>>
    %dma_wait3A_87 = arith.constant 0 : i32
    %dma_wait3A_88 = arith.constant 0 : i32
    %dma_wait3A_89 = tpu.memref_slice %arg2[%dma_wait3A_87, %dma_wait3A_88] : memref<20480x128xf32, #tpu.memory_space<hbm>> -> memref<20480x128xf32, #tpu.memory_space<hbm>>
    tpu.wait_indirect_dma semaphore(%arg17 : memref<!tpu.dma_semaphore, #tpu.memory_space<semaphore_mem>>) src(%dma_wait3A_89 : memref<20480x128xf32, #tpu.memory_space<hbm>>) dst(%arg10 : memref<80x128xf32, #tpu.memory_space<vmem>>)
    %dma_wait3A_90 = arith.constant 0 : i32
    %dma_wait3A_91 = arith.constant 0 : i32
    %dma_wait3A_92 = arith.constant 0 : i32
    %dma_wait3A_93 = tpu.memref_slice %arg7[%dma_wait3A_91, %dma_wait3A_92] : memref<1x80xi32, #tpu.memory_space<vmem>> -> memref<1x80xi32, #tpu.memory_space<vmem>>
    %dma_wait3A_94 = tpu.memref_squeeze %dma_wait3A_93 : memref<1x80xi32, #tpu.memory_space<vmem>> -> memref<80xi32, #tpu.memory_space<vmem>>
    %dma_wait3A_95 = arith.constant 0 : i32
    %dma_wait3A_96 = tpu.memref_slice %arg3[%arg0, %arg1, %dma_wait3A_90, %dma_wait3A_95] : memref<2x16x128x80xi32, #tpu.memory_space<hbm>> -> memref<1x1x1x80xi32, #tpu.memory_space<hbm>>
    %dma_wait3A_97 = tpu.memref_squeeze %dma_wait3A_96 : memref<1x1x1x80xi32, #tpu.memory_space<hbm>> -> memref<80xi32, #tpu.memory_space<hbm>>
    %dma_wait3A_98 = arith.constant 0 : i32
    %dma_wait3A_99 = tpu.memref_slice %arg7[%dma_wait3A_91, %dma_wait3A_98] : memref<1x80xi32, #tpu.memory_space<vmem>> -> memref<1x80xi32, #tpu.memory_space<vmem>>
    %dma_wait3A_100 = tpu.memref_squeeze %dma_wait3A_99 : memref<1x80xi32, #tpu.memory_space<vmem>> -> memref<80xi32, #tpu.memory_space<vmem>>
    %dma_wait3A_101 = arith.constant 0 : i32
    %dma_wait3A_102 = tpu.memref_slice %arg3[%arg0, %arg1, %dma_wait3A_90, %dma_wait3A_101] : memref<2x16x128x80xi32, #tpu.memory_space<hbm>> -> memref<1x1x1x80xi32, #tpu.memory_space<hbm>>
    %dma_wait3A_103 = tpu.memref_squeeze %dma_wait3A_102 : memref<1x1x1x80xi32, #tpu.memory_space<hbm>> -> memref<80xi32, #tpu.memory_space<hbm>>
    tpu.wait_dma2 semaphore(%arg14 : memref<!tpu.dma_semaphore, #tpu.memory_space<semaphore_mem>>) src(%dma_wait3A_103 : memref<80xi32, #tpu.memory_space<hbm>>) dst(%dma_wait3A_100 : memref<80xi32, #tpu.memory_space<vmem>>)
    %dma_wait3A_104 = arith.constant 0 : i32
    %dma_wait3A_105 = arith.constant 0 : i32
    %dma_wait3A_106 = arith.constant 0 : i32
    %dma_wait3A_107 = tpu.memref_slice %arg8[%dma_wait3A_105, %dma_wait3A_106] : memref<1x80xi32, #tpu.memory_space<vmem>> -> memref<1x80xi32, #tpu.memory_space<vmem>>
    %dma_wait3A_108 = tpu.memref_squeeze %dma_wait3A_107 : memref<1x80xi32, #tpu.memory_space<vmem>> -> memref<80xi32, #tpu.memory_space<vmem>>
    %dma_wait3A_109 = arith.constant 0 : i32
    %dma_wait3A_110 = tpu.memref_slice %arg4[%arg1, %dma_wait3A_104, %dma_wait3A_109] : memref<16x128x80xi32, #tpu.memory_space<hbm>> -> memref<1x1x80xi32, #tpu.memory_space<hbm>>
    %dma_wait3A_111 = tpu.memref_squeeze %dma_wait3A_110 : memref<1x1x80xi32, #tpu.memory_space<hbm>> -> memref<80xi32, #tpu.memory_space<hbm>>
    %dma_wait3A_112 = arith.constant 0 : i32
    %dma_wait3A_113 = tpu.memref_slice %arg8[%dma_wait3A_105, %dma_wait3A_112] : memref<1x80xi32, #tpu.memory_space<vmem>> -> memref<1x80xi32, #tpu.memory_space<vmem>>
    %dma_wait3A_114 = tpu.memref_squeeze %dma_wait3A_113 : memref<1x80xi32, #tpu.memory_space<vmem>> -> memref<80xi32, #tpu.memory_space<vmem>>
    %dma_wait3A_115 = arith.constant 0 : i32
    %dma_wait3A_116 = tpu.memref_slice %arg4[%arg1, %dma_wait3A_104, %dma_wait3A_115] : memref<16x128x80xi32, #tpu.memory_space<hbm>> -> memref<1x1x80xi32, #tpu.memory_space<hbm>>
    %dma_wait3A_117 = tpu.memref_squeeze %dma_wait3A_116 : memref<1x1x80xi32, #tpu.memory_space<hbm>> -> memref<80xi32, #tpu.memory_space<hbm>>
    tpu.wait_dma2 semaphore(%arg15 : memref<!tpu.dma_semaphore, #tpu.memory_space<semaphore_mem>>) src(%dma_wait3A_117 : memref<80xi32, #tpu.memory_space<hbm>>) dst(%dma_wait3A_114 : memref<80xi32, #tpu.memory_space<vmem>>)
    %dma_wait3A_118 = arith.constant 0 : i32
    %dma_wait3A_119 = arith.constant 0 : i32
    %dma_wait3A_120 = arith.constant 0 : i32
    %dma_wait3A_121 = tpu.memref_slice %arg9[%dma_wait3A_119, %dma_wait3A_120] : memref<1x80xi32, #tpu.memory_space<vmem>> -> memref<1x80xi32, #tpu.memory_space<vmem>>
    %dma_wait3A_122 = tpu.memref_squeeze %dma_wait3A_121 : memref<1x80xi32, #tpu.memory_space<vmem>> -> memref<80xi32, #tpu.memory_space<vmem>>
    %dma_wait3A_123 = arith.constant 0 : i32
    %dma_wait3A_124 = tpu.memref_slice %arg4[%arg1, %dma_wait3A_118, %dma_wait3A_123] : memref<16x128x80xi32, #tpu.memory_space<hbm>> -> memref<1x1x80xi32, #tpu.memory_space<hbm>>
    %dma_wait3A_125 = tpu.memref_squeeze %dma_wait3A_124 : memref<1x1x80xi32, #tpu.memory_space<hbm>> -> memref<80xi32, #tpu.memory_space<hbm>>
    %dma_wait3A_126 = arith.constant 0 : i32
    %dma_wait3A_127 = tpu.memref_slice %arg9[%dma_wait3A_119, %dma_wait3A_126] : memref<1x80xi32, #tpu.memory_space<vmem>> -> memref<1x80xi32, #tpu.memory_space<vmem>>
    %dma_wait3A_128 = tpu.memref_squeeze %dma_wait3A_127 : memref<1x80xi32, #tpu.memory_space<vmem>> -> memref<80xi32, #tpu.memory_space<vmem>>
    %dma_wait3A_129 = arith.constant 0 : i32
    %dma_wait3A_130 = tpu.memref_slice %arg4[%arg1, %dma_wait3A_118, %dma_wait3A_129] : memref<16x128x80xi32, #tpu.memory_space<hbm>> -> memref<1x1x80xi32, #tpu.memory_space<hbm>>
    %dma_wait3A_131 = tpu.memref_squeeze %dma_wait3A_130 : memref<1x1x80xi32, #tpu.memory_space<hbm>> -> memref<80xi32, #tpu.memory_space<hbm>>
    tpu.wait_dma2 semaphore(%arg16 : memref<!tpu.dma_semaphore, #tpu.memory_space<semaphore_mem>>) src(%dma_wait3A_131 : memref<80xi32, #tpu.memory_space<hbm>>) dst(%dma_wait3A_128 : memref<80xi32, #tpu.memory_space<vmem>>)
    %barrier3A_132 = arith.constant 0 : index
    tpu.barrier barrier_id(%barrier3A_132)
    "tpu.region"() ({
      %run_scoped3A = tpu.sem_alloc : memref<!tpu.dma_semaphore, #tpu.memory_space<semaphore_mem>>
      %dma_start3A_133 = arith.constant 0 : i32
      %dma_start3A_134 = tpu.memref_slice %arg5[%arg0, %mul3A_0, %dma_start3A_133] : memref<2x10240x128xf32, #tpu.memory_space<hbm>> -> memref<1x640x128xf32, #tpu.memory_space<hbm>>
      %dma_start3A_135 = tpu.memref_squeeze %dma_start3A_134 : memref<1x640x128xf32, #tpu.memory_space<hbm>> -> memref<640x128xf32, #tpu.memory_space<hbm>>
      %dma_start3A_136 = arith.constant 0 : i32
      %dma_start3A_137 = tpu.memref_slice %arg12[%mul3A_0, %dma_start3A_136] : memref<10240x128xf32, #tpu.memory_space<vmem_shared>> -> memref<640x128xf32, #tpu.memory_space<vmem_shared>>
      tpu.enqueue_dma source(%dma_start3A_137 : memref<640x128xf32, #tpu.memory_space<vmem_shared>>) target(%dma_start3A_135 : memref<640x128xf32, #tpu.memory_space<hbm>>) target_semaphore(%run_scoped3A : memref<!tpu.dma_semaphore, #tpu.memory_space<semaphore_mem>>)
      %dma_wait3A_138 = arith.constant 0 : i32
      %dma_wait3A_139 = tpu.memref_slice %arg5[%arg0, %mul3A_0, %dma_wait3A_138] : memref<2x10240x128xf32, #tpu.memory_space<hbm>> -> memref<1x640x128xf32, #tpu.memory_space<hbm>>
      %dma_wait3A_140 = tpu.memref_squeeze %dma_wait3A_139 : memref<1x640x128xf32, #tpu.memory_space<hbm>> -> memref<640x128xf32, #tpu.memory_space<hbm>>
      %dma_wait3A_141 = arith.constant 0 : i32
      %dma_wait3A_142 = tpu.memref_slice %arg12[%mul3A_0, %dma_wait3A_141] : memref<10240x128xf32, #tpu.memory_space<vmem_shared>> -> memref<640x128xf32, #tpu.memory_space<vmem_shared>>
      tpu.wait_dma2 semaphore(%run_scoped3A : memref<!tpu.dma_semaphore, #tpu.memory_space<semaphore_mem>>) src(%dma_wait3A_142 : memref<640x128xf32, #tpu.memory_space<vmem_shared>>) dst(%dma_wait3A_140 : memref<640x128xf32, #tpu.memory_space<hbm>>)
      tpu.yield
    }) : () -> ()
    return
  }
}

module attributes {stable_mosaic.version = 14 : i64} {
  func.func @_tc_pre_body(%arg0: i32, %arg1: memref<640x256xf32, #tpu.memory_space<vmem>>, %arg2: memref<256x256xf32, #tpu.memory_space<vmem>>, %arg3: memref<640x1xf32, #tpu.memory_space<vmem>>, %arg4: memref<2x640x128xf32, #tpu.memory_space<vmem>>) attributes {dimension_semantics = [#tpu.dimension_semantics<arbitrary>], iteration_bounds = array<i64: 16>, scalar_prefetch = 0 : i64, scratch_operands = 0 : i64, tpu.core_type = #tpu.core_type<tc>, window_params = [{transform_indices = @transform_0, window_bounds = array<i64: 640, 256>}, {pipeline_mode = #tpu.pipeline_mode<synchronous>, transform_indices = @transform_1, window_bounds = array<i64: 256, 256>}, {transform_indices = @transform_2, window_bounds = array<i64: 640, 1>}, {transform_indices = @transform_3, window_bounds = array<i64: 2, 640, 128>}]} {
    %get3A = arith.constant 0 : index
    %get3A_0 = arith.constant 0 : index
    %get3A_1 = vector.load %arg1[%get3A, %get3A_0] : memref<640x256xf32, #tpu.memory_space<vmem>>, vector<640x256xf32>
    %get3A_2 = arith.constant 0 : index
    %get3A_3 = arith.constant 0 : index
    %get3A_4 = vector.load %arg2[%get3A_2, %get3A_3] : memref<256x256xf32, #tpu.memory_space<vmem>>, vector<256x256xf32>
    %dot_general3A = arith.constant dense<0.000000e+00> : vector<640x256xf32>
    %dot_general3A_5 = tpu.matmul %get3A_1, %get3A_4, %dot_general3A {dimension_numbers = #tpu.dot_dimension_numbers<[1], [0], [0], [1], [0, 0, 1, 1], [], []>, transpose_lhs_hint = false} : vector<640x256xf32>, vector<256x256xf32>, vector<640x256xf32> -> vector<640x256xf32>
    %get3A_6 = arith.constant 0 : index
    %get3A_7 = arith.constant 0 : index
    %get3A_8 = vector.load %arg3[%get3A_6, %get3A_7] : memref<640x1xf32, #tpu.memory_space<vmem>>, vector<640x1xf32>
    %mul3A = vector.broadcast %get3A_8 : vector<640x1xf32> to vector<640x256xf32>
    %mul3A_9 = arith.mulf %dot_general3A_5, %mul3A : vector<640x256xf32>
    %slice3A = vector.extract_strided_slice %mul3A_9 {offsets = [0, 0], sizes = [640, 128], strides = [1, 1]} : vector<640x256xf32> to vector<640x128xf32>
    %swap3A = arith.constant 0 : index
    %swap3A_10 = arith.constant 0 : index
    %swap3A_11 = arith.constant 0 : index
    %swap3A_12 = vector.load %arg4[%swap3A, %swap3A_10, %swap3A_11] : memref<2x640x128xf32, #tpu.memory_space<vmem>>, vector<1x640x128xf32>
    %swap3A_13 = vector.shape_cast %swap3A_12 : vector<1x640x128xf32> to vector<640x128xf32>
    %swap3A_14 = vector.shape_cast %slice3A : vector<640x128xf32> to vector<1x640x128xf32>
    tpu.vector_store %arg4[%swap3A, %swap3A_10, %swap3A_11], %swap3A_14 {strides = array<i32>} : memref<2x640x128xf32, #tpu.memory_space<vmem>>, vector<1x640x128xf32>,
    %slice3A_15 = vector.extract_strided_slice %mul3A_9 {offsets = [0, 128], sizes = [640, 128], strides = [1, 1]} : vector<640x256xf32> to vector<640x128xf32>
    %swap3A_16 = arith.constant 1 : index
    %swap3A_17 = arith.constant 0 : index
    %swap3A_18 = arith.constant 0 : index
    %swap3A_19 = vector.load %arg4[%swap3A_16, %swap3A_17, %swap3A_18] : memref<2x640x128xf32, #tpu.memory_space<vmem>>, vector<1x640x128xf32>
    %swap3A_20 = vector.shape_cast %swap3A_19 : vector<1x640x128xf32> to vector<640x128xf32>
    %swap3A_21 = vector.shape_cast %slice3A_15 : vector<640x128xf32> to vector<1x640x128xf32>
    tpu.vector_store %arg4[%swap3A_16, %swap3A_17, %swap3A_18], %swap3A_21 {strides = array<i32>} : memref<2x640x128xf32, #tpu.memory_space<vmem>>, vector<1x640x128xf32>,
    return
  }
  func.func @transform_0(%arg0: i32) -> (i32, i32) {
    %c0_i32 = arith.constant 0 : i32
    %c0_i32_0 = arith.constant 0 : i32
    return %arg0, %c0_i32 : i32, i32
  }
  func.func @transform_1(%arg0: i32) -> (i32, i32) {
    %c0_i32 = arith.constant 0 : i32
    %c0_i32_0 = arith.constant 0 : i32
    %c0_i32_1 = arith.constant 0 : i32
    return %c0_i32, %c0_i32_0 : i32, i32
  }
  func.func @transform_2(%arg0: i32) -> (i32, i32) {
    %c0_i32 = arith.constant 0 : i32
    %c0_i32_0 = arith.constant 0 : i32
    return %arg0, %c0_i32 : i32, i32
  }
  func.func @transform_3(%arg0: i32) -> (i32, i32, i32) {
    %c0_i32 = arith.constant 0 : i32
    %c0_i32_0 = arith.constant 0 : i32
    %c0_i32_1 = arith.constant 0 : i32
    return %c0_i32, %arg0, %c0_i32_0 : i32, i32, i32
  }
}

module attributes {stable_mosaic.version = 14 : i64} {
  func.func @_tc_final_body(%arg0: i32, %arg1: memref<2x640x128xf32, #tpu.memory_space<vmem>>, %arg2: memref<640x1xf32, #tpu.memory_space<vmem>>, %arg3: memref<640x256xf32, #tpu.memory_space<vmem>>, %arg4: memref<1x256xf32, #tpu.memory_space<vmem>>, %arg5: memref<1x256xf32, #tpu.memory_space<vmem>>, %arg6: memref<640x256xf32, #tpu.memory_space<vmem>>, %arg7: memref<768x256xf32, #tpu.memory_space<vmem>>, %arg8: memref<1x256xf32, #tpu.memory_space<vmem>>, %arg9: memref<640x256xf32, #tpu.memory_space<vmem>>) attributes {dimension_semantics = [#tpu.dimension_semantics<arbitrary>], iteration_bounds = array<i64: 16>, scalar_prefetch = 0 : i64, scratch_operands = 0 : i64, tpu.core_type = #tpu.core_type<tc>, window_params = [{transform_indices = @transform_0, window_bounds = array<i64: 2, 640, 128>}, {transform_indices = @transform_1, window_bounds = array<i64: 640, 1>}, {transform_indices = @transform_2, window_bounds = array<i64: 640, 256>}, {pipeline_mode = #tpu.pipeline_mode<synchronous>, transform_indices = @transform_3, window_bounds = array<i64: 1, 256>}, {pipeline_mode = #tpu.pipeline_mode<synchronous>, transform_indices = @transform_4, window_bounds = array<i64: 1, 256>}, {transform_indices = @transform_5, window_bounds = array<i64: 640, 256>}, {pipeline_mode = #tpu.pipeline_mode<synchronous>, transform_indices = @transform_6, window_bounds = array<i64: 768, 256>}, {pipeline_mode = #tpu.pipeline_mode<synchronous>, transform_indices = @transform_7, window_bounds = array<i64: 1, 256>}, {transform_indices = @transform_8, window_bounds = array<i64: 640, 256>}]} {
    %get3A = arith.constant 0 : index
    %get3A_0 = arith.constant 0 : index
    %get3A_1 = arith.constant 0 : index
    %get3A_2 = vector.load %arg1[%get3A, %get3A_0, %get3A_1] : memref<2x640x128xf32, #tpu.memory_space<vmem>>, vector<1x640x128xf32>
    %get3A_3 = vector.shape_cast %get3A_2 : vector<1x640x128xf32> to vector<640x128xf32>
    %get3A_4 = arith.constant 1 : index
    %get3A_5 = arith.constant 0 : index
    %get3A_6 = arith.constant 0 : index
    %get3A_7 = vector.load %arg1[%get3A_4, %get3A_5, %get3A_6] : memref<2x640x128xf32, #tpu.memory_space<vmem>>, vector<1x640x128xf32>
    %get3A_8 = vector.shape_cast %get3A_7 : vector<1x640x128xf32> to vector<640x128xf32>
    %concatenate3A = tpu.concatenate %get3A_3, %get3A_8 in 1 : vector<640x128xf32>, vector<640x128xf32> -> vector<640x256xf32>
    %get3A_9 = arith.constant 0 : index
    %get3A_10 = arith.constant 0 : index
    %get3A_11 = vector.load %arg2[%get3A_9, %get3A_10] : memref<640x1xf32, #tpu.memory_space<vmem>>, vector<640x1xf32>
    %mul3A = vector.broadcast %get3A_11 : vector<640x1xf32> to vector<640x256xf32>
    %mul3A_12 = arith.mulf %concatenate3A, %mul3A : vector<640x256xf32>
    %get3A_13 = arith.constant 0 : index
    %get3A_14 = arith.constant 0 : index
    %get3A_15 = vector.load %arg4[%get3A_13, %get3A_14] : memref<1x256xf32, #tpu.memory_space<vmem>>, vector<1x256xf32>
    %mul3A_16 = vector.broadcast %get3A_15 : vector<1x256xf32> to vector<640x256xf32>
    %mul3A_17 = arith.mulf %mul3A_12, %mul3A_16 : vector<640x256xf32>
    %get3A_18 = arith.constant 0 : index
    %get3A_19 = arith.constant 0 : index
    %get3A_20 = vector.load %arg5[%get3A_18, %get3A_19] : memref<1x256xf32, #tpu.memory_space<vmem>>, vector<1x256xf32>
    %add3A = vector.broadcast %get3A_20 : vector<1x256xf32> to vector<640x256xf32>
    %add3A_21 = arith.addf %mul3A_17, %add3A : vector<640x256xf32>
    %get3A_22 = arith.constant 0 : index
    %get3A_23 = arith.constant 0 : index
    %get3A_24 = vector.load %arg3[%get3A_22, %get3A_23] : memref<640x256xf32, #tpu.memory_space<vmem>>, vector<640x256xf32>
    %max3A = arith.constant 0.000000e+00 : f32
    %max3A_25 = vector.broadcast %max3A : f32 to vector<640x256xf32>
    %max3A_26 = arith.maximumf %add3A_21, %max3A_25 : vector<640x256xf32>
    %add3A_27 = arith.addf %max3A_26, %get3A_24 : vector<640x256xf32>
    %get3A_28 = arith.constant 0 : index
    %get3A_29 = arith.constant 0 : index
    %get3A_30 = vector.load %arg7[%get3A_28, %get3A_29] : memref<768x256xf32, #tpu.memory_space<vmem>>, vector<768x256xf32>
    %get3A_31 = arith.constant 0 : index
    %get3A_32 = arith.constant 0 : index
    %get3A_33 = vector.load %arg6[%get3A_31, %get3A_32] : memref<640x256xf32, #tpu.memory_space<vmem>>, vector<640x256xf32>
    %slice3A = vector.extract_strided_slice %get3A_30 {offsets = [0, 0], sizes = [256, 256], strides = [1, 1]} : vector<768x256xf32> to vector<256x256xf32>
    %dot_general3A = arith.constant dense<0.000000e+00> : vector<640x256xf32>
    %dot_general3A_34 = tpu.matmul %get3A_33, %slice3A, %dot_general3A {dimension_numbers = #tpu.dot_dimension_numbers<[1], [0], [0], [1], [0, 0, 1, 1], [], []>, transpose_lhs_hint = false} : vector<640x256xf32>, vector<256x256xf32>, vector<640x256xf32> -> vector<640x256xf32>
    %slice3A_35 = vector.extract_strided_slice %get3A_30 {offsets = [256, 0], sizes = [256, 256], strides = [1, 1]} : vector<768x256xf32> to vector<256x256xf32>
    %dot_general3A_36 = arith.constant dense<0.000000e+00> : vector<640x256xf32>
    %dot_general3A_37 = tpu.matmul %get3A_24, %slice3A_35, %dot_general3A_36 {dimension_numbers = #tpu.dot_dimension_numbers<[1], [0], [0], [1], [0, 0, 1, 1], [], []>, transpose_lhs_hint = false} : vector<640x256xf32>, vector<256x256xf32>, vector<640x256xf32> -> vector<640x256xf32>
    %add3A_38 = arith.addf %dot_general3A_34, %dot_general3A_37 : vector<640x256xf32>
    %slice3A_39 = vector.extract_strided_slice %get3A_30 {offsets = [512, 0], sizes = [256, 256], strides = [1, 1]} : vector<768x256xf32> to vector<256x256xf32>
    %dot_general3A_40 = arith.constant dense<0.000000e+00> : vector<640x256xf32>
    %dot_general3A_41 = tpu.matmul %add3A_27, %slice3A_39, %dot_general3A_40 {dimension_numbers = #tpu.dot_dimension_numbers<[1], [0], [0], [1], [0, 0, 1, 1], [], []>, transpose_lhs_hint = false} : vector<640x256xf32>, vector<256x256xf32>, vector<640x256xf32> -> vector<640x256xf32>
    %add3A_42 = arith.addf %add3A_38, %dot_general3A_41 : vector<640x256xf32>
    %get3A_43 = arith.constant 0 : index
    %get3A_44 = arith.constant 0 : index
    %get3A_45 = vector.load %arg8[%get3A_43, %get3A_44] : memref<1x256xf32, #tpu.memory_space<vmem>>, vector<1x256xf32>
    %add3A_46 = vector.broadcast %get3A_45 : vector<1x256xf32> to vector<640x256xf32>
    %add3A_47 = arith.addf %add3A_42, %add3A_46 : vector<640x256xf32>
    %swap3A = arith.constant 0 : index
    %swap3A_48 = arith.constant 0 : index
    %swap3A_49 = vector.load %arg9[%swap3A, %swap3A_48] : memref<640x256xf32, #tpu.memory_space<vmem>>, vector<640x256xf32>
    tpu.vector_store %arg9[%swap3A, %swap3A_48], %add3A_47 {strides = array<i32>} : memref<640x256xf32, #tpu.memory_space<vmem>>, vector<640x256xf32>,
    return
  }
  func.func @transform_0(%arg0: i32) -> (i32, i32, i32) {
    %c0_i32 = arith.constant 0 : i32
    %c0_i32_0 = arith.constant 0 : i32
    %c0_i32_1 = arith.constant 0 : i32
    return %c0_i32, %arg0, %c0_i32_0 : i32, i32, i32
  }
  func.func @transform_1(%arg0: i32) -> (i32, i32) {
    %c0_i32 = arith.constant 0 : i32
    %c0_i32_0 = arith.constant 0 : i32
    return %arg0, %c0_i32 : i32, i32
  }
  func.func @transform_2(%arg0: i32) -> (i32, i32) {
    %c0_i32 = arith.constant 0 : i32
    %c0_i32_0 = arith.constant 0 : i32
    return %arg0, %c0_i32 : i32, i32
  }
  func.func @transform_3(%arg0: i32) -> (i32, i32) {
    %c0_i32 = arith.constant 0 : i32
    %c0_i32_0 = arith.constant 0 : i32
    %c0_i32_1 = arith.constant 0 : i32
    return %c0_i32, %c0_i32_0 : i32, i32
  }
  func.func @transform_4(%arg0: i32) -> (i32, i32) {
    %c0_i32 = arith.constant 0 : i32
    %c0_i32_0 = arith.constant 0 : i32
    %c0_i32_1 = arith.constant 0 : i32
    return %c0_i32, %c0_i32_0 : i32, i32
  }
  func.func @transform_5(%arg0: i32) -> (i32, i32) {
    %c0_i32 = arith.constant 0 : i32
    %c0_i32_0 = arith.constant 0 : i32
    return %arg0, %c0_i32 : i32, i32
  }
  func.func @transform_6(%arg0: i32) -> (i32, i32) {
    %c0_i32 = arith.constant 0 : i32
    %c0_i32_0 = arith.constant 0 : i32
    %c0_i32_1 = arith.constant 0 : i32
    return %c0_i32, %c0_i32_0 : i32, i32
  }
  func.func @transform_7(%arg0: i32) -> (i32, i32) {
    %c0_i32 = arith.constant 0 : i32
    %c0_i32_0 = arith.constant 0 : i32
    %c0_i32_1 = arith.constant 0 : i32
    return %c0_i32, %c0_i32_0 : i32, i32
  }
  func.func @transform_8(%arg0: i32) -> (i32, i32) {
    %c0_i32 = arith.constant 0 : i32
    %c0_i32_0 = arith.constant 0 : i32
    return %arg0, %c0_i32 : i32, i32
  }
}

module attributes {stable_mosaic.version = 14 : i64} {
  func.func @_tc_mid_body(%arg0: i32, %arg1: memref<2x640x128xf32, #tpu.memory_space<vmem>>, %arg2: memref<640x1xf32, #tpu.memory_space<vmem>>, %arg3: memref<640x256xf32, #tpu.memory_space<vmem>>, %arg4: memref<1x256xf32, #tpu.memory_space<vmem>>, %arg5: memref<1x256xf32, #tpu.memory_space<vmem>>, %arg6: memref<256x256xf32, #tpu.memory_space<vmem>>, %arg7: memref<640x256xf32, #tpu.memory_space<vmem>>, %arg8: memref<2x640x128xf32, #tpu.memory_space<vmem>>) attributes {dimension_semantics = [#tpu.dimension_semantics<arbitrary>], iteration_bounds = array<i64: 16>, scalar_prefetch = 0 : i64, scratch_operands = 0 : i64, tpu.core_type = #tpu.core_type<tc>, window_params = [{transform_indices = @transform_0, window_bounds = array<i64: 2, 640, 128>}, {transform_indices = @transform_1, window_bounds = array<i64: 640, 1>}, {transform_indices = @transform_2, window_bounds = array<i64: 640, 256>}, {pipeline_mode = #tpu.pipeline_mode<synchronous>, transform_indices = @transform_3, window_bounds = array<i64: 1, 256>}, {pipeline_mode = #tpu.pipeline_mode<synchronous>, transform_indices = @transform_4, window_bounds = array<i64: 1, 256>}, {pipeline_mode = #tpu.pipeline_mode<synchronous>, transform_indices = @transform_5, window_bounds = array<i64: 256, 256>}, {transform_indices = @transform_6, window_bounds = array<i64: 640, 256>}, {transform_indices = @transform_7, window_bounds = array<i64: 2, 640, 128>}]} {
    %get3A = arith.constant 0 : index
    %get3A_0 = arith.constant 0 : index
    %get3A_1 = arith.constant 0 : index
    %get3A_2 = vector.load %arg1[%get3A, %get3A_0, %get3A_1] : memref<2x640x128xf32, #tpu.memory_space<vmem>>, vector<1x640x128xf32>
    %get3A_3 = vector.shape_cast %get3A_2 : vector<1x640x128xf32> to vector<640x128xf32>
    %get3A_4 = arith.constant 1 : index
    %get3A_5 = arith.constant 0 : index
    %get3A_6 = arith.constant 0 : index
    %get3A_7 = vector.load %arg1[%get3A_4, %get3A_5, %get3A_6] : memref<2x640x128xf32, #tpu.memory_space<vmem>>, vector<1x640x128xf32>
    %get3A_8 = vector.shape_cast %get3A_7 : vector<1x640x128xf32> to vector<640x128xf32>
    %concatenate3A = tpu.concatenate %get3A_3, %get3A_8 in 1 : vector<640x128xf32>, vector<640x128xf32> -> vector<640x256xf32>
    %get3A_9 = arith.constant 0 : index
    %get3A_10 = arith.constant 0 : index
    %get3A_11 = vector.load %arg2[%get3A_9, %get3A_10] : memref<640x1xf32, #tpu.memory_space<vmem>>, vector<640x1xf32>
    %mul3A = vector.broadcast %get3A_11 : vector<640x1xf32> to vector<640x256xf32>
    %mul3A_12 = arith.mulf %concatenate3A, %mul3A : vector<640x256xf32>
    %get3A_13 = arith.constant 0 : index
    %get3A_14 = arith.constant 0 : index
    %get3A_15 = vector.load %arg4[%get3A_13, %get3A_14] : memref<1x256xf32, #tpu.memory_space<vmem>>, vector<1x256xf32>
    %mul3A_16 = vector.broadcast %get3A_15 : vector<1x256xf32> to vector<640x256xf32>
    %mul3A_17 = arith.mulf %mul3A_12, %mul3A_16 : vector<640x256xf32>
    %get3A_18 = arith.constant 0 : index
    %get3A_19 = arith.constant 0 : index
    %get3A_20 = vector.load %arg5[%get3A_18, %get3A_19] : memref<1x256xf32, #tpu.memory_space<vmem>>, vector<1x256xf32>
    %add3A = vector.broadcast %get3A_20 : vector<1x256xf32> to vector<640x256xf32>
    %add3A_21 = arith.addf %mul3A_17, %add3A : vector<640x256xf32>
    %max3A = arith.constant 0.000000e+00 : f32
    %max3A_22 = vector.broadcast %max3A : f32 to vector<640x256xf32>
    %max3A_23 = arith.maximumf %add3A_21, %max3A_22 : vector<640x256xf32>
    %get3A_24 = arith.constant 0 : index
    %get3A_25 = arith.constant 0 : index
    %get3A_26 = vector.load %arg3[%get3A_24, %get3A_25] : memref<640x256xf32, #tpu.memory_space<vmem>>, vector<640x256xf32>
    %add3A_27 = arith.addf %max3A_23, %get3A_26 : vector<640x256xf32>
    %swap3A = arith.constant 0 : index
    %swap3A_28 = arith.constant 0 : index
    %swap3A_29 = vector.load %arg7[%swap3A, %swap3A_28] : memref<640x256xf32, #tpu.memory_space<vmem>>, vector<640x256xf32>
    tpu.vector_store %arg7[%swap3A, %swap3A_28], %add3A_27 {strides = array<i32>} : memref<640x256xf32, #tpu.memory_space<vmem>>, vector<640x256xf32>,
    %get3A_30 = arith.constant 0 : index
    %get3A_31 = arith.constant 0 : index
    %get3A_32 = vector.load %arg6[%get3A_30, %get3A_31] : memref<256x256xf32, #tpu.memory_space<vmem>>, vector<256x256xf32>
    %dot_general3A = arith.constant dense<0.000000e+00> : vector<640x256xf32>
    %dot_general3A_33 = tpu.matmul %add3A_27, %get3A_32, %dot_general3A {dimension_numbers = #tpu.dot_dimension_numbers<[1], [0], [0], [1], [0, 0, 1, 1], [], []>, transpose_lhs_hint = false} : vector<640x256xf32>, vector<256x256xf32>, vector<640x256xf32> -> vector<640x256xf32>
    %get3A_34 = arith.constant 0 : index
    %get3A_35 = arith.constant 0 : index
    %get3A_36 = vector.load %arg2[%get3A_34, %get3A_35] : memref<640x1xf32, #tpu.memory_space<vmem>>, vector<640x1xf32>
    %mul3A_37 = vector.broadcast %get3A_36 : vector<640x1xf32> to vector<640x256xf32>
    %mul3A_38 = arith.mulf %dot_general3A_33, %mul3A_37 : vector<640x256xf32>
    %slice3A = vector.extract_strided_slice %mul3A_38 {offsets = [0, 0], sizes = [640, 128], strides = [1, 1]} : vector<640x256xf32> to vector<640x128xf32>
    %swap3A_39 = arith.constant 0 : index
    %swap3A_40 = arith.constant 0 : index
    %swap3A_41 = arith.constant 0 : index
    %swap3A_42 = vector.load %arg8[%swap3A_39, %swap3A_40, %swap3A_41] : memref<2x640x128xf32, #tpu.memory_space<vmem>>, vector<1x640x128xf32>
    %swap3A_43 = vector.shape_cast %swap3A_42 : vector<1x640x128xf32> to vector<640x128xf32>
    %swap3A_44 = vector.shape_cast %slice3A : vector<640x128xf32> to vector<1x640x128xf32>
    tpu.vector_store %arg8[%swap3A_39, %swap3A_40, %swap3A_41], %swap3A_44 {strides = array<i32>} : memref<2x640x128xf32, #tpu.memory_space<vmem>>, vector<1x640x128xf32>,
    %slice3A_45 = vector.extract_strided_slice %mul3A_38 {offsets = [0, 128], sizes = [640, 128], strides = [1, 1]} : vector<640x256xf32> to vector<640x128xf32>
    %swap3A_46 = arith.constant 1 : index
    %swap3A_47 = arith.constant 0 : index
    %swap3A_48 = arith.constant 0 : index
    %swap3A_49 = vector.load %arg8[%swap3A_46, %swap3A_47, %swap3A_48] : memref<2x640x128xf32, #tpu.memory_space<vmem>>, vector<1x640x128xf32>
    %swap3A_50 = vector.shape_cast %swap3A_49 : vector<1x640x128xf32> to vector<640x128xf32>
    %swap3A_51 = vector.shape_cast %slice3A_45 : vector<640x128xf32> to vector<1x640x128xf32>
    tpu.vector_store %arg8[%swap3A_46, %swap3A_47, %swap3A_48], %swap3A_51 {strides = array<i32>} : memref<2x640x128xf32, #tpu.memory_space<vmem>>, vector<1x640x128xf32>,
    return
  }
  func.func @transform_0(%arg0: i32) -> (i32, i32, i32) {
    %c0_i32 = arith.constant 0 : i32
    %c0_i32_0 = arith.constant 0 : i32
    %c0_i32_1 = arith.constant 0 : i32
    return %c0_i32, %arg0, %c0_i32_0 : i32, i32, i32
  }
  func.func @transform_1(%arg0: i32) -> (i32, i32) {
    %c0_i32 = arith.constant 0 : i32
    %c0_i32_0 = arith.constant 0 : i32
    return %arg0, %c0_i32 : i32, i32
  }
  func.func @transform_2(%arg0: i32) -> (i32, i32) {
    %c0_i32 = arith.constant 0 : i32
    %c0_i32_0 = arith.constant 0 : i32
    return %arg0, %c0_i32 : i32, i32
  }
  func.func @transform_3(%arg0: i32) -> (i32, i32) {
    %c0_i32 = arith.constant 0 : i32
    %c0_i32_0 = arith.constant 0 : i32
    %c0_i32_1 = arith.constant 0 : i32
    return %c0_i32, %c0_i32_0 : i32, i32
  }
  func.func @transform_4(%arg0: i32) -> (i32, i32) {
    %c0_i32 = arith.constant 0 : i32
    %c0_i32_0 = arith.constant 0 : i32
    %c0_i32_1 = arith.constant 0 : i32
    return %c0_i32, %c0_i32_0 : i32, i32
  }
  func.func @transform_5(%arg0: i32) -> (i32, i32) {
    %c0_i32 = arith.constant 0 : i32
    %c0_i32_0 = arith.constant 0 : i32
    %c0_i32_1 = arith.constant 0 : i32
    return %c0_i32, %c0_i32_0 : i32, i32
  }
  func.func @transform_6(%arg0: i32) -> (i32, i32) {
    %c0_i32 = arith.constant 0 : i32
    %c0_i32_0 = arith.constant 0 : i32
    return %arg0, %c0_i32 : i32, i32
  }
  func.func @transform_7(%arg0: i32) -> (i32, i32, i32) {
    %c0_i32 = arith.constant 0 : i32
    %c0_i32_0 = arith.constant 0 : i32
    %c0_i32_1 = arith.constant 0 : i32
    return %c0_i32, %arg0, %c0_i32_0 : i32, i32, i32
  }
}

</mosaic_0001>

<sc_bundles>
// kernel: kernel.10.cloned.1.call-start
scs
__scs_entry_jumppad:
0x0: {  	(pc) =	sbr.rel $0x88, $3  }
0x1: {  	(tag) =	ssettag $0x0;
	lr =	simm.s32 $0x1  }
0x2: {  	[smem:$0x3F8B] =	sst lr;
	_ =	strace $0xD0000000  }
0x3: {  	_ = 	snop  }
0x4: {  	_ = 	snop  }
0x5: {  	_ = 	snop  }
0x6: {  	_ = 	snop  }
0x7: {  	_ = 	snop  }
__scs_overlays_trampoline_lowered:
0x8: {  	[smem:$0x3F9A] =	sst s0  }
0x9: {  	[smem:$0x3F9B] =	sst s1  }
0xa: {  	[smem:$0x3F9C] =	sst s2  }
0xb: {  	[smem:$0x3F9D] =	sst s3  }
0xc: {  	[smem:$0x3F9E] =	sst s4  }
0xd: {  	[smem:$0x3F9F] =	sst s5  }
0xe: {  	[smem:$0x3FA0] =	sst s6  }
0xf: {  	[smem:$0x3FA1] =	sst s7  }
0x10: {  	[smem:$0x3FA2] =	sst s8  }
0x11: {  	[smem:$0x3FA3] =	sst s9;
	s0 =	simm.s32 @!p0 $0x0  }
0x12: {  	s1 =	sld [smem:$0x3F89];
	s0 =	simm.s32 @p0 $0x1  }
0x13: {  	[smem:$0x3FA4] =	sst s0;
	s0 =	simm.s32 @!p1 $0x0  }
0x14: {  	s2 =	sld [smem:$0x3F88];
	s0 =	simm.s32 @p1 $0x1  }
0x15: {  	[smem:$0x3FA5] =	sst s0;
	s0 =	simm.s32 @!p2 $0x0  }
0x16: {  	s3 =	sld [smem:$0x3FDB];
	s0 =	simm.s32 @p2 $0x1  }
0x17: {  	s4 =	simm.s32 $0x1BF5;
	[smem:$0x3FA7] =	sst s0  }
0x18: {  	s0 =	sld [smem:$0x3F8A];
	_ =	swait.ge [sflag:s4], $0x0  }
0x19: {  	s7 =	sld [smem:$0x3F8B]  }
0x1a: {  	s8 =	sadd.s32 $0xFFFFE003, lr  }
0x1b: {  	s9 =	sadd.s32 $0xFFFFFEF7, lr;
	s5 =	simm.s32 $0xFFFFFFFF;
	p2 =	slt.u32 s8, $0xFFFFF086  }
0x1c: {  	p1 =	slt.u32 s9, $0xF7A;
	s5 =	simm.s32 @!p2 $0x0  }
0x1d: {  	s5 =	simm.s32 @p1 $0x1;
	p0 =	seq.s32 s7, s2  }
0x1e: {  	s7 =	smul.u32 @!p0 $0xF7A, s2;
	p2 =	seq.s32 @!p0 s5, $0x0  }
0x1f: {  	s9 =	smul.u32 $0xF7A, s1;
	s8 =	simm.s32 @!p0 $0x1BF5;
	p2 =	por !p2, p0  }
0x20: {  	[sflag:s8] =	ssyncset.s32 @!p0 $0xFFFFF086;
	s6 =	sadd.s32 @!p0 s3, s7;
	s7 =	simm.s32 @!p0 $0x108  }
0x21: {  	s3 =	sadd.s32 s3, s9;
	s6 =	sadd.s32 @!p0 $0x88, s6;
	s7 =	simm.s32 @p2 $0x1082  }
0x22: {  	[simem:s7], [sflag:s8] =	dma.local @!p0 [hbm:s6], $0xF7A  }
0x23: {  	s9 =	sor.u32 $0xD0000000, s2;
	s6 =	simm.s32 $0x108;
	_ =	swait.ge @!p0 [sflag:s8], $0x0  }
0x24: {  	s3 =	sadd.s32 $0x88, s3;
	s6 =	simm.s32 @!p1 $0x1082;
	[sflag:s4] =	ssyncset.s32 $0xFFFFF086  }
0x25: {  	[simem:s6], [sflag:s4] =	dma.local [hbm:s3], $0xF7A  }
0x26: {  	[smem:$0x3F8B] =	sst s1;
	(tag) =	ssettag s2;
	_ =	strace s9  }
0x27: {  	s1 =	sld [smem:$0x3F9B]  }
0x28: {  	s2 =	sld [smem:$0x3F9C]  }
0x29: {  	s4 =	sld [smem:$0x3F9E]  }
0x2a: {  	p0 =	seq.s32 s5, $0x0;
	s5 =	sld [smem:$0x3F9F]  }
0x2b: {  	s6 =	sld [smem:$0x3FA0]  }
0x2c: {  	s7 =	sld [smem:$0x3FA1]  }
0x2d: {  	s3 =	simm.s32 $0x108;
	s8 =	sld [smem:$0x3FA2]  }
0x2e: {  	s3 =	simm.s32 @!p0 $0x1082;
	s9 =	sld [smem:$0x3FA3]  }
0x2f: {  	lr =	sadd.s32 s0, s3;
	s0 =	sld [smem:$0x3F9A]  }
0x30: {  	s3 =	sld [smem:$0x3F9D]  }
0x31: {  	[smem:$0x3FA6] =	sst s10  }
0x32: {  	s10 =	sld [smem:$0x3FA4];
	_ =	sdelay $0x3  }
0x33: {  	p0 =	seq.s32 s10, $0x1;
	s10 =	sld [smem:$0x3FA6];
	_ =	sdelay $0x3  }
0x34: {  	[smem:$0x3FA6] =	sst s10  }
0x35: {  	s10 =	sld [smem:$0x3FA5];
	_ =	sdelay $0x3  }
0x36: {  	p1 =	seq.s32 s10, $0x1;
	s10 =	sld [smem:$0x3FA6];
	_ =	sdelay $0x3  }
0x37: {  	[smem:$0x3FA6] =	sst s10  }
0x38: {  	s10 =	sld [smem:$0x3FA7]  }
0x39: {  	_ = 	snop;
	(pc) =	sbr.ind lr, $3  }
0x3a: {  	_ = 	snop  }
0x3b: {  	_ = 	snop  }
0x3c: {  	p2 =	seq.s32 s10, $0x1;
	s10 =	sld [smem:$0x3FA6]  }
0x3d: {  	_ =	shalt  }
0x3e: {  	_ =	shalt  }
0x3f: {  	_ =	shalt  }
0x40: {  	_ =	shalt  }
0x41: {  	_ =	shalt  }
0x42: {  	_ =	shalt  }
0x43: {  	_ =	shalt  }
0x44: {  	_ =	shalt  }
0x45: {  	_ =	shalt  }
0x46: {  	_ =	shalt  }
0x47: {  	_ =	shalt  }
0x48: {  	_ =	shalt  }
0x49: {  	_ =	shalt  }
0x4a: {  	_ =	shalt  }
0x4b: {  	_ =	shalt  }
0x4c: {  	_ =	shalt  }
0x4d: {  	_ =	shalt  }
0x4e: {  	_ =	shalt  }
0x4f: {  	_ =	shalt  }
0x50: {  	_ =	shalt  }
0x51: {  	_ =	shalt  }
0x52: {  	_ =	shalt  }
0x53: {  	_ =	shalt  }
0x54: {  	_ =	shalt  }
0x55: {  	_ =	shalt  }
0x56: {  	_ =	shalt  }
0x57: {  	_ =	shalt  }
0x58: {  	_ =	shalt  }
0x59: {  	_ =	shalt  }
0x5a: {  	_ =	shalt  }
0x5b: {  	_ =	shalt  }
0x5c: {  	_ =	shalt  }
0x5d: {  	_ =	shalt  }
0x5e: {  	_ =	shalt  }
0x5f: {  	_ =	shalt  }
0x60: {  	_ =	shalt  }
0x61: {  	_ =	shalt  }
0x62: {  	_ =	shalt  }
0x63: {  	_ =	shalt  }
0x64: {  	_ =	shalt  }
0x65: {  	_ =	shalt  }
0x66: {  	_ =	shalt  }
0x67: {  	_ =	shalt  }
0x68: {  	_ =	shalt  }
0x69: {  	_ =	shalt  }
0x6a: {  	_ =	shalt  }
0x6b: {  	_ =	shalt  }
0x6c: {  	_ =	shalt  }
0x6d: {  	_ =	shalt  }
0x6e: {  	_ =	shalt  }
0x6f: {  	_ =	shalt  }
0x70: {  	_ =	shalt  }
0x71: {  	_ =	shalt  }
0x72: {  	_ =	shalt  }
0x73: {  	_ =	shalt  }
0x74: {  	_ =	shalt  }
0x75: {  	_ =	shalt  }
0x76: {  	_ =	shalt  }
0x77: {  	_ =	shalt  }
0x78: {  	_ =	shalt  }
0x79: {  	_ =	shalt  }
0x7a: {  	_ =	shalt  }
0x7b: {  	_ =	shalt  }
0x7c: {  	_ =	shalt  }
0x7d: {  	_ =	shalt  }
0x7e: {  	_ =	shalt  }
0x7f: {  	_ =	shalt  }
0x80: {  	_ =	shalt  }
0x81: {  	_ =	shalt  }
0x82: {  	_ =	shalt  }
0x83: {  	_ =	shalt  }
0x84: {  	_ =	shalt  }
0x85: {  	_ =	shalt  }
0x86: {  	_ =	shalt  }
0x87: {  	_ =	shalt  }
.Lfunc_end0:
.L_simem_size_0:
called_computation_lowered:
.L_overlay_start_0:
0x88: {  	s2 =	sld [smem:$0x3FD9]  }
0x89: {  	s3 =	sld [smem:$0x3FFE];
	_ =	sdelay $0x1  }
0x8a: {  	s1 =	srdreg.scid  }
0x8b: {  	s0 =	sand.u32 $0x1, s1  }
0x8c: {  	s16 =	sshll.u32 s0, $0xA;
	s2 =	sadd.s32 s3, s2  }
0x8d: {  	s2 =	sadd.s32 s2, s16  }
0x8e: {  	[smem:$0x3FB2] =	sst s2  }
0x8f: {  	_ = 	snop  }
0x90: {  	(tm) =	ssettm $0x1  }
0x91: {  	s17 =	sld [smem:$0x3FFB];
	_ =	sdelay $0x3  }
0x92: {  	_ =	strace s17  }
0x93: {  	s2 =	sld [smem:$0x3FFC];
	_ =	sdelay $0x3  }
0x94: {  	_ =	strace s2  }
0x95: {  	s2 =	sld [smem:$0x3FFD];
	_ =	sdelay $0x3  }
0x96: {  	_ =	strace s2  }
0x97: {  	_ =	strace $0x8FFFFFFF  }
0x98: {  	s18 =	sld [smem:$0x3FDB];
	_ =	sdelay $0x1  }
0x99: {  	s19 =	simm.s32 $_scs_section_size  }
0x9a: {  	s4 =	simm.s32 $_size__tile_overlayer_lowered;
	s5 =	simm.s32 $_tile_overlayer_lowered  }
0x9b: {  	s22 =	simm.s32 $0x1BFF;
	s21 =	sshll.u32 s5, $0x1;
	s2 =	sadd.s32 s19, s18  }
0x9c: {  	s6 =	simm.s32 $0x0;
	s20 =	sshll.u32 s4, $0x1;
	s4 =	sadd.s32 s21, s2  }
0x9d: {  	[timem:s6], [sflag:s22] =	dma.local [hbm:s4], s20  }
0x9e: {  	_ =	swait.ge [sflag:s22], s20  }
0x9f: {  	s3 =	ssub.s32 $0x0, s20;
	[sflag:s22] =	ssyncset.done $0x0  }
0xa0: {  	[sflag:s22] =	ssyncadd.s32 s3;
	_ =	sdelay $0x1  }
0xa1: {  	s23 =	simm.s32 $0x1B8B  }
0xa2: {  	_ =	swait.ge [sflag:s23], $0x1  }
0xa3: {  	[sflag:s23] =	ssyncset.done $0x0  }
0xa4: {  	s25 =	simm.s32 $0x1B8E;
	s24 =	sld [smem:$0x3FFE];
	[sflag:s23] =	ssyncadd.s32 $0xFFFFFFFF  }
0xa5: {  	s26 =	simm.s32 $execute0_lowered;
	[smem:$0x3FD2] =	sst s25  }
0xa6: {  	s4 =	sshll.u32 s26, $0x1;
	_ =	strace $0x80000046;
	[dreg:$0x1] =	wrdreg $0xFFFFFFFF  }
0xa7: {  	s28 =	simm.s32 $_size_execute0_lowered;
	s2 =	sadd.s32 s2, s4;
	[dreg:$0x0] =	wrdreg $0x0  }
0xa8: {  	s4 =	sshll.u32 s28, $0x1;
	[dreg:$0x2] =	wrdreg s2  }
0xa9: {  	[dreg:$0x3] =	wrdreg s4  }
0xaa: {  	[dreg:$0x4] =	wrdreg $0xC0  }
0xab: {  	_ =	task [dreg:s6], $0x5FFFF  }
0xac: {  	[dreg:$0x1] =	wrdreg $0xFFFFFFFF  }
0xad: {  	[dreg:$0x0] =	wrdreg $0x60  }
0xae: {  	[dreg:$0x2] =	wrdreg s24  }
0xaf: {  	[dreg:$0x3] =	wrdreg $0x23000  }
0xb0: {  	[dreg:$0x4] =	wrdreg $0x9  }
0xb1: {  	_ =	task.clear_ibuf [dreg:s6], $0x5FFFF;
	_ =	strace $0x90000046  }
0xb2: {  	s29 =	simm.s32 $0x9;
	_ =	strace $0x80000048  }
0xb3: {  	_ =	swait.ge [sflag:s29], $0x1  }
0xb4: {  	[sflag:s29] =	ssyncadd.s32 $0xFFFFFFFF  }
0xb5: {  	_ =	strace $0x90000048  }
0xb6: {  	_ =	sfence  }
0xb7: {  	s30 =	sld [smem:$0x0];
	_ =	sdelay $0x2  }
0xb8: {  	s31 =	sshll.u32 s1, $0xD;
	s1 =	sshrl.u32 s1, $0x2  }
0xb9: {  	s3 =	sand.u32 $0x4000, s31;
	s1 =	sadd.s32 s1, s30  }
0xba: {  	s0 =	sor.u32 s3, s0;
	s1 =	sshll.u32 s1, $0x11  }
0xbb: {  	s0 =	sor.u32 s1, s0  }
0xbc: {  	s0 =	sadd.s32 $0x8F2B, s0  }
0xbd: {  	[sflag:s0] =	ssyncadd.remote.s32 $0x1  }
0xbe: {  	_ =	sfence.sel $0xFFFF  }
0xbf: {  	[dreg:$0x0] =	wrdreg $0xFFFFFFFF;
	(pc) =	sbr.abs _section_cstart, $3  }
0xc0: {  	[dreg:$0x1] =	wrdreg $0xFFFFFFFF  }
0xc1: {  	_ =	task.clear_ibuf [dreg:s6], $0x2FFFF;
	_ =	strace $0x9FFFFFFF  }
0xc2: {  	(tm) =	ssettm $0x7FFFFFFF  }
0xc3: {  	_ =	shalt  }
tec
execute0_lowered:
.L_overlay_start_1:
0x0: {  	(tag) =	ssettag $0x1  }
0x1: {  	s4 =	rddreg [dreg:$0x0]  }
0x2: {  	s2 =	rddreg [dreg:$0x1]  }
0x3: {  	s0 =	rddreg [dreg:$0x2];
	s5 =	srdreg.scid  }
0x4: {  	s1 =	stileid.u32;
	s3 =	simm.s32 $0x0;
	s10 =	simm.s32 $0x50  }
0x5: {  	s11 =	simm.s32 $0x2000;
	s12 =	simm.s32 $0x80;
	s13 =	simm.s32 $0x100  }
0x6: {  	s14 =	simm.s32 $0x0;
	s5 =	sand.u32 $0x1, s5;
	s6 =	smul.u32 $0x500, s1  }
0x7: {  	[smem:$0x7FF] =	sst s3;
	s28 =	smul.u32 $0xA00, s1;
	s30 =	sshll.u32 s1, $0xB  }
0x8: {  	s7 =	sshll.u32 s5, $0x7;
	_ =	strace $0x80000047;
	s8 =	sshll.u32 s5, $0xA  }
0x9: {  	s29 =	ssub.s32 $0x2, s5;
	s6 =	sor.u32 s7, s6;
	s26 =	sadd.s32 s8, s4  }
0xa: {  	s9 =	sshrl.u32 s29, $0x1;
	s8 =	sshrl.u32 s28, $0x2;
	s6 =	sshrl.u32 s6, $0x3  }
0xb: {  	s5 =	sadd.s32 s30, s26;
	s31 =	ssub.s32 s29, s9;
	s9 =	simm.s32 $0x1  }
0xc: {  	s6 =	sadd.s32 s6, s4;
	s4 =	sadd.s32 s8, s2;
	s5 =	sadd.s32 $0x4600, s5  }
0xd: {  	v0 =	vimm.f32 $1.000000000e+00;
	v1 =	vimm.f32 $0.0e+00;
	s7 =	smax.u32 s31, $0x1;
	s8 =	simm.s32 $0x2080;
	s6 =	sadd.s32 $0xC600, s6  }
.LBB2_1:
0xe: {  	[tilespmem:$0x2000] =	vst v0  }
0xf: {  	[tilespmem:$0x2010] =	vst v0  }
0x10: {  	[tilespmem:$0x2020] =	vst v0  }
0x11: {  	[tilespmem:$0x2030] =	vst v0  }
0x12: {  	[tilespmem:$0x2040] =	vst v0  }
0x13: {  	[tilespmem:$0x2080] =	vst v1  }
0x14: {  	[tilespmem:$0x2090] =	vst v1  }
0x15: {  	[tilespmem:$0x20A0] =	vst v1  }
0x16: {  	[tilespmem:$0x20B0] =	vst v1  }
0x17: {  	[tilespmem:$0x20C0] =	vst v1  }
0x18: {  	[tilespmem:$0x20D0] =	vst v1  }
0x19: {  	[tilespmem:$0x20E0] =	vst v1  }
0x1a: {  	[tilespmem:$0x20F0] =	vst v1  }
0x1b: {  	[tilespmem:$0x2100] =	vst v1  }
0x1c: {  	[tilespmem:$0x2110] =	vst v1  }
0x1d: {  	[tilespmem:$0x2120] =	vst v1  }
0x1e: {  	[tilespmem:$0x2130] =	vst v1  }
0x1f: {  	[tilespmem:$0x2140] =	vst v1  }
0x20: {  	[tilespmem:$0x2150] =	vst v1  }
0x21: {  	[tilespmem:$0x2160] =	vst v1  }
0x22: {  	[tilespmem:$0x2170] =	vst v1  }
0x23: {  	[tilespmem:$0x2180] =	vst v1  }
0x24: {  	[tilespmem:$0x2190] =	vst v1  }
0x25: {  	[tilespmem:$0x21A0] =	vst v1  }
0x26: {  	[tilespmem:$0x21B0] =	vst v1  }
0x27: {  	[tilespmem:$0x21C0] =	vst v1  }
0x28: {  	[tilespmem:$0x21D0] =	vst v1  }
0x29: {  	[tilespmem:$0x21E0] =	vst v1  }
0x2a: {  	[tilespmem:$0x21F0] =	vst v1  }
0x2b: {  	[tilespmem:$0x2200] =	vst v1  }
0x2c: {  	[tilespmem:$0x2210] =	vst v1  }
0x2d: {  	[tilespmem:$0x2220] =	vst v1  }
0x2e: {  	[tilespmem:$0x2230] =	vst v1  }
0x2f: {  	[tilespmem:$0x2240] =	vst v1  }
0x30: {  	[tilespmem:$0x2250] =	vst v1  }
0x31: {  	[tilespmem:$0x2260] =	vst v1  }
0x32: {  	[tilespmem:$0x2270] =	vst v1  }
0x33: {  	[tilespmem:$0x2280] =	vst v1  }
0x34: {  	[tilespmem:$0x2290] =	vst v1  }
0x35: {  	[tilespmem:$0x22A0] =	vst v1  }
0x36: {  	[tilespmem:$0x22B0] =	vst v1  }
0x37: {  	[tilespmem:$0x22C0] =	vst v1  }
0x38: {  	[tilespmem:$0x22D0] =	vst v1  }
0x39: {  	[tilespmem:$0x22E0] =	vst v1  }
0x3a: {  	[tilespmem:$0x22F0] =	vst v1  }
0x3b: {  	[spmem:s4] =	stream.linear.scatter [tilespmem:s8], [sflag:$0x1], $0x280, $0x38;
	[tilespmem:$0x2580] =	vst v63  }
0x3c: {  	_ =	swait.ge [sflag:s9], $0x280  }
0x3d: {  	[sflag:s9] =	ssyncset.done $0x0  }
0x3e: {  	[sflag:s9] =	ssyncadd.s32 $0xFFFFFD80  }
0x3f: {  	[tilespmem:s3], [sflag:$0x1] =	stream.linear.gather [hbm4b:s5+s3], $0x2000, $0x38;
	[tilespmem:$0x2580] =	vst v63  }
0x40: {  	_ =	swait.ge [sflag:s9], $0x2000  }
0x41: {  	[sflag:s9] =	ssyncset.done $0x0  }
0x42: {  	[sflag:s9] =	ssyncadd.s32 $0xFFFFE000  }
0x43: {  	s15 =	simm.s32 $0x0;
	[bflag:$0x0] =	sbarrier.arrive $0xFFFF  }
0x44: {  	[spmem:s2] =	stream.indirect.scatter.add.f32 [tilespmem:s11], [sflag:$0x1], $0x1, s15, s10, $0xb8;
	[tilespmem:$0x2580] =	vst v63  }
0x45: {  	_ =	swait.ge [sflag:s9], $0x50  }
0x46: {  	s15 =	simm.s32 $0x200;
	[sflag:s9] =	ssyncset.done $0x0  }
.LBB2_2:
0x47: {  	s16 =	sshra.s32 s15, $0x2;
	[sflag:s9] =	ssyncadd.s32 $0xFFFFFFB0;
	p0 =	sne.s32 s15, $0x7E00  }
0x48: {  	[spmem:s2] =	stream.indirect.scatter.add.f32 [tilespmem:s11], [sflag:$0x1], $0x1, s16, s10, $0xb8;
	[tilespmem:$0x2580] =	vst v63  }
.Ltmp0:
0x49: {  	_ = 	snop;
	(pc) =	sbr.rel @p0 .LBB2_2-.Ltmp0, $4  }
0x4a: {  	_ = 	snop  }
0x4b: {  	s15 =	sadd.s32 $0x200, s15  }
0x4c: {  	_ =	swait.ge [sflag:s9], $0x50  }
0x4d: {  	[sflag:s9] =	ssyncset.done $0x0  }
0x4e: {  	[sflag:s9] =	ssyncadd.s32 $0xFFFFFFB0  }
0x4f: {  	[bflag:$0x0] =	sbarrier.arrive $0xFFFF  }
0x50: {  	[tilespmem:s8], [sflag:$0x1] =	stream.linear.gather [spmem:s4], $0x280, $0x38;
	[tilespmem:$0x2580] =	vst v63  }
0x51: {  	s14 =	sadd.s32 $0x1, s14;
	_ =	swait.ge [sflag:s9], $0x280  }
0x52: {  	p0 =	sne.s32 s14, s7;
	[sflag:s9] =	ssyncset.done $0x0  }
.Ltmp1:
0x53: {  	[sflag:s9] =	ssyncadd.s32 $0xFFFFFD80;
	(pc) =	sbr.rel @p0 .LBB2_1-.Ltmp1, $4  }
0x54: {  	[hbm4b:s6+s12] =	stream.strided.scatter [tilespmem:s8], [sflag:$0x1], $0x280, s13, s12, $0x38;
	[tilespmem:$0x2580] =	vst v63  }
0x55: {  	_ =	swait.ge [sflag:s9], $0x280  }
0x56: {  	[sflag:s9] =	ssyncset.done $0x0  }
0x57: {  	[sflag:s9] =	ssyncadd.s32 $0xFFFFFD80  }
0x58: {  	_ =	sfence.sel $0x180000  }
0x59: {  	[bflag:$0x0] =	sbarrier.arrive $0xFFFF  }
0x5a: {  	p0 =	sne.s32 s1, $0x0;
	_ =	strace $0x90000047  }
0x5b: {  	s0 =	sadd.s32 @!p0 $0x100000, s0;
	[bflag:$0x2] =	sbarrier.arrive $0xFFFF  }
0x5c: {  	[sflag:s0] =	ssyncadd.tile.s32 @!p0 $0x1;
	_ =	shalt  }
.Lfunc_end2:
_tile_overlayer_lowered:
.L_overlay_start_2:
0x5d: {  	(tag) =	ssettag $0x2  }
0x5e: {  	s0 =	rddreg [dreg:$0x0];
	s2 =	stileid.u32  }
0x5f: {  	s1 =	rddreg [dreg:$0x1];
	p0 =	sne.s32 s2, $0x0  }
0x60: {  	s3 =	rddreg [dreg:$0x2];
	[bflag:$0x3] =	sbarrier.arrive $0xFFFF;
	s2 =	simm.s32 @!p0 $0x1C01  }
0x61: {  	[timem:s3], [sflag:s2] =	dma.local @!p0 [hbm:s0], s1  }
0x62: {  	s0 =	simm.s32 @!p0 $0x1  }
0x63: {  	_ =	swait.ge @!p0 [sflag:s0], s1  }
0x64: {  	s1 =	ssub.s32 @!p0 $0x0, s1;
	[sflag:s0] =	ssyncset.done @!p0 $0x0  }
0x65: {  	[sflag:s0] =	ssyncadd.s32 @!p0 s1  }
0x66: {  	[bflag:$0x3] =	sbarrier.arrive $0xFFFF  }
0x67: {  	_ =	shalt  }

// kernel: kernel.13.cloned.1.call-start
scs
__scs_entry_jumppad:
0x0: {  	(pc) =	sbr.rel $0x88, $3  }
0x1: {  	(tag) =	ssettag $0x0;
	lr =	simm.s32 $0x1  }
0x2: {  	[smem:$0x3F8B] =	sst lr;
	_ =	strace $0xD0000000  }
0x3: {  	_ = 	snop  }
0x4: {  	_ = 	snop  }
0x5: {  	_ = 	snop  }
0x6: {  	_ = 	snop  }
0x7: {  	_ = 	snop  }
__scs_overlays_trampoline_lowered:
0x8: {  	[smem:$0x3F9A] =	sst s0  }
0x9: {  	[smem:$0x3F9B] =	sst s1  }
0xa: {  	[smem:$0x3F9C] =	sst s2  }
0xb: {  	[smem:$0x3F9D] =	sst s3  }
0xc: {  	[smem:$0x3F9E] =	sst s4  }
0xd: {  	[smem:$0x3F9F] =	sst s5  }
0xe: {  	[smem:$0x3FA0] =	sst s6  }
0xf: {  	[smem:$0x3FA1] =	sst s7  }
0x10: {  	[smem:$0x3FA2] =	sst s8  }
0x11: {  	[smem:$0x3FA3] =	sst s9;
	s0 =	simm.s32 @!p0 $0x0  }
0x12: {  	s1 =	sld [smem:$0x3F89];
	s0 =	simm.s32 @p0 $0x1  }
0x13: {  	[smem:$0x3FA4] =	sst s0;
	s0 =	simm.s32 @!p1 $0x0  }
0x14: {  	s2 =	sld [smem:$0x3F88];
	s0 =	simm.s32 @p1 $0x1  }
0x15: {  	[smem:$0x3FA5] =	sst s0;
	s0 =	simm.s32 @!p2 $0x0  }
0x16: {  	s3 =	sld [smem:$0x3FDB];
	s0 =	simm.s32 @p2 $0x1  }
0x17: {  	s4 =	simm.s32 $0x1BF5;
	[smem:$0x3FA7] =	sst s0  }
0x18: {  	s0 =	sld [smem:$0x3F8A];
	_ =	swait.ge [sflag:s4], $0x0  }
0x19: {  	s7 =	sld [smem:$0x3F8B]  }
0x1a: {  	s8 =	sadd.s32 $0xFFFFE003, lr  }
0x1b: {  	s9 =	sadd.s32 $0xFFFFFEF7, lr;
	s5 =	simm.s32 $0xFFFFFFFF;
	p2 =	slt.u32 s8, $0xFFFFF086  }
0x1c: {  	p1 =	slt.u32 s9, $0xF7A;
	s5 =	simm.s32 @!p2 $0x0  }
0x1d: {  	s5 =	simm.s32 @p1 $0x1;
	p0 =	seq.s32 s7, s2  }
0x1e: {  	s7 =	smul.u32 @!p0 $0xF7A, s2;
	p2 =	seq.s32 @!p0 s5, $0x0  }
0x1f: {  	s9 =	smul.u32 $0xF7A, s1;
	s8 =	simm.s32 @!p0 $0x1BF5;
	p2 =	por !p2, p0  }
0x20: {  	[sflag:s8] =	ssyncset.s32 @!p0 $0xFFFFF086;
	s6 =	sadd.s32 @!p0 s3, s7;
	s7 =	simm.s32 @!p0 $0x108  }
0x21: {  	s3 =	sadd.s32 s3, s9;
	s6 =	sadd.s32 @!p0 $0x88, s6;
	s7 =	simm.s32 @p2 $0x1082  }
0x22: {  	[simem:s7], [sflag:s8] =	dma.local @!p0 [hbm:s6], $0xF7A  }
0x23: {  	s9 =	sor.u32 $0xD0000000, s2;
	s6 =	simm.s32 $0x108;
	_ =	swait.ge @!p0 [sflag:s8], $0x0  }
0x24: {  	s3 =	sadd.s32 $0x88, s3;
	s6 =	simm.s32 @!p1 $0x1082;
	[sflag:s4] =	ssyncset.s32 $0xFFFFF086  }
0x25: {  	[simem:s6], [sflag:s4] =	dma.local [hbm:s3], $0xF7A  }
0x26: {  	[smem:$0x3F8B] =	sst s1;
	(tag) =	ssettag s2;
	_ =	strace s9  }
0x27: {  	s1 =	sld [smem:$0x3F9B]  }
0x28: {  	s2 =	sld [smem:$0x3F9C]  }
0x29: {  	s4 =	sld [smem:$0x3F9E]  }
0x2a: {  	p0 =	seq.s32 s5, $0x0;
	s5 =	sld [smem:$0x3F9F]  }
0x2b: {  	s6 =	sld [smem:$0x3FA0]  }
0x2c: {  	s7 =	sld [smem:$0x3FA1]  }
0x2d: {  	s3 =	simm.s32 $0x108;
	s8 =	sld [smem:$0x3FA2]  }
0x2e: {  	s3 =	simm.s32 @!p0 $0x1082;
	s9 =	sld [smem:$0x3FA3]  }
0x2f: {  	lr =	sadd.s32 s0, s3;
	s0 =	sld [smem:$0x3F9A]  }
0x30: {  	s3 =	sld [smem:$0x3F9D]  }
0x31: {  	[smem:$0x3FA6] =	sst s10  }
0x32: {  	s10 =	sld [smem:$0x3FA4];
	_ =	sdelay $0x3  }
0x33: {  	p0 =	seq.s32 s10, $0x1;
	s10 =	sld [smem:$0x3FA6];
	_ =	sdelay $0x3  }
0x34: {  	[smem:$0x3FA6] =	sst s10  }
0x35: {  	s10 =	sld [smem:$0x3FA5];
	_ =	sdelay $0x3  }
0x36: {  	p1 =	seq.s32 s10, $0x1;
	s10 =	sld [smem:$0x3FA6];
	_ =	sdelay $0x3  }
0x37: {  	[smem:$0x3FA6] =	sst s10  }
0x38: {  	s10 =	sld [smem:$0x3FA7]  }
0x39: {  	_ = 	snop;
	(pc) =	sbr.ind lr, $3  }
0x3a: {  	_ = 	snop  }
0x3b: {  	_ = 	snop  }
0x3c: {  	p2 =	seq.s32 s10, $0x1;
	s10 =	sld [smem:$0x3FA6]  }
0x3d: {  	_ =	shalt  }
0x3e: {  	_ =	shalt  }
0x3f: {  	_ =	shalt  }
0x40: {  	_ =	shalt  }
0x41: {  	_ =	shalt  }
0x42: {  	_ =	shalt  }
0x43: {  	_ =	shalt  }
0x44: {  	_ =	shalt  }
0x45: {  	_ =	shalt  }
0x46: {  	_ =	shalt  }
0x47: {  	_ =	shalt  }
0x48: {  	_ =	shalt  }
0x49: {  	_ =	shalt  }
0x4a: {  	_ =	shalt  }
0x4b: {  	_ =	shalt  }
0x4c: {  	_ =	shalt  }
0x4d: {  	_ =	shalt  }
0x4e: {  	_ =	shalt  }
0x4f: {  	_ =	shalt  }
0x50: {  	_ =	shalt  }
0x51: {  	_ =	shalt  }
0x52: {  	_ =	shalt  }
0x53: {  	_ =	shalt  }
0x54: {  	_ =	shalt  }
0x55: {  	_ =	shalt  }
0x56: {  	_ =	shalt  }
0x57: {  	_ =	shalt  }
0x58: {  	_ =	shalt  }
0x59: {  	_ =	shalt  }
0x5a: {  	_ =	shalt  }
0x5b: {  	_ =	shalt  }
0x5c: {  	_ =	shalt  }
0x5d: {  	_ =	shalt  }
0x5e: {  	_ =	shalt  }
0x5f: {  	_ =	shalt  }
0x60: {  	_ =	shalt  }
0x61: {  	_ =	shalt  }
0x62: {  	_ =	shalt  }
0x63: {  	_ =	shalt  }
0x64: {  	_ =	shalt  }
0x65: {  	_ =	shalt  }
0x66: {  	_ =	shalt  }
0x67: {  	_ =	shalt  }
0x68: {  	_ =	shalt  }
0x69: {  	_ =	shalt  }
0x6a: {  	_ =	shalt  }
0x6b: {  	_ =	shalt  }
0x6c: {  	_ =	shalt  }
0x6d: {  	_ =	shalt  }
0x6e: {  	_ =	shalt  }
0x6f: {  	_ =	shalt  }
0x70: {  	_ =	shalt  }
0x71: {  	_ =	shalt  }
0x72: {  	_ =	shalt  }
0x73: {  	_ =	shalt  }
0x74: {  	_ =	shalt  }
0x75: {  	_ =	shalt  }
0x76: {  	_ =	shalt  }
0x77: {  	_ =	shalt  }
0x78: {  	_ =	shalt  }
0x79: {  	_ =	shalt  }
0x7a: {  	_ =	shalt  }
0x7b: {  	_ =	shalt  }
0x7c: {  	_ =	shalt  }
0x7d: {  	_ =	shalt  }
0x7e: {  	_ =	shalt  }
0x7f: {  	_ =	shalt  }
0x80: {  	_ =	shalt  }
0x81: {  	_ =	shalt  }
0x82: {  	_ =	shalt  }
0x83: {  	_ =	shalt  }
0x84: {  	_ =	shalt  }
0x85: {  	_ =	shalt  }
0x86: {  	_ =	shalt  }
0x87: {  	_ =	shalt  }
.Lfunc_end0:
.L_simem_size_0:
called_computation.1_lowered:
.L_overlay_start_0:
0x88: {  	s2 =	sld [smem:$0x3FD9]  }
0x89: {  	s3 =	sld [smem:$0x3FFE];
	_ =	sdelay $0x1  }
0x8a: {  	s1 =	srdreg.scid  }
0x8b: {  	s0 =	sand.u32 $0x1, s1  }
0x8c: {  	s17 =	sshll.u32 s0, $0xA;
	s2 =	sadd.s32 s3, s2  }
0x8d: {  	s2 =	sadd.s32 s2, s17  }
0x8e: {  	[smem:$0x3FB2] =	sst s2  }
0x8f: {  	_ = 	snop  }
0x90: {  	s2 =	sld [smem:$0x3FD0];
	(tm) =	ssettm $0x1  }
0x91: {  	s18 =	sld [smem:$0x3FFB];
	_ =	sdelay $0x3  }
0x92: {  	_ =	strace s18  }
0x93: {  	s3 =	sld [smem:$0x3FFC];
	_ =	sdelay $0x3  }
0x94: {  	_ =	strace s3  }
0x95: {  	s3 =	sld [smem:$0x3FFD];
	_ =	sdelay $0x3  }
0x96: {  	_ =	strace s3  }
0x97: {  	_ =	strace $0x8FFFFFFF  }
0x98: {  	s19 =	sld [smem:$0x3FDB];
	_ =	sdelay $0x1  }
0x99: {  	s4 =	simm.s32 $_scs_section_size  }
0x9a: {  	s5 =	simm.s32 $_size__tile_overlayer_lowered;
	s6 =	simm.s32 $_tile_overlayer_lowered  }
0x9b: {  	s22 =	simm.s32 $0x1BFF;
	s21 =	sshll.u32 s6, $0x1;
	s3 =	sadd.s32 s4, s19  }
0x9c: {  	s7 =	simm.s32 $0x0;
	s20 =	sshll.u32 s5, $0x1;
	s5 =	sadd.s32 s21, s3  }
0x9d: {  	[timem:s7], [sflag:s22] =	dma.local [hbm:s5], s20  }
0x9e: {  	_ =	swait.ge [sflag:s22], s20  }
0x9f: {  	s4 =	ssub.s32 $0x0, s20;
	[sflag:s22] =	ssyncset.done $0x0  }
0xa0: {  	[sflag:s22] =	ssyncadd.s32 s4;
	_ =	sdelay $0x1  }
0xa1: {  	s23 =	simm.s32 $0x1B8B  }
0xa2: {  	_ =	swait.ge [sflag:s23], $0x1  }
0xa3: {  	[sflag:s23] =	ssyncset.done $0x0  }
0xa4: {  	s25 =	simm.s32 $0x1B8E;
	s24 =	sld [smem:$0x3FFE];
	[sflag:s23] =	ssyncadd.s32 $0xFFFFFFFF  }
0xa5: {  	s26 =	simm.s32 $execute0_lowered;
	[smem:$0x3FD2] =	sst s25  }
0xa6: {  	s5 =	sshll.u32 s26, $0x1;
	_ =	strace $0x80000049;
	[dreg:$0x1] =	wrdreg $0xFFFFFFFF  }
0xa7: {  	s28 =	simm.s32 $_size_execute0_lowered;
	s3 =	sadd.s32 s3, s5;
	[dreg:$0x0] =	wrdreg $0x0  }
0xa8: {  	s5 =	sshll.u32 s28, $0x1;
	[dreg:$0x2] =	wrdreg s3  }
0xa9: {  	[dreg:$0x3] =	wrdreg s5  }
0xaa: {  	[dreg:$0x4] =	wrdreg $0xC0  }
0xab: {  	_ =	task [dreg:s7], $0x5FFFF  }
0xac: {  	[dreg:$0x1] =	wrdreg $0xFFFFFFFF  }
0xad: {  	[dreg:$0x0] =	wrdreg $0x60  }
0xae: {  	[dreg:$0x2] =	wrdreg s24  }
0xaf: {  	[dreg:$0x3] =	wrdreg s2  }
0xb0: {  	[dreg:$0x4] =	wrdreg $0x52000  }
0xb1: {  	[dreg:$0x5] =	wrdreg $0x9  }
0xb2: {  	_ =	task.clear_ibuf [dreg:s7], $0x6FFFF;
	_ =	strace $0x90000049  }
0xb3: {  	s29 =	simm.s32 $0x9;
	_ =	strace $0x8000004B  }
0xb4: {  	_ =	swait.ge [sflag:s29], $0x1  }
0xb5: {  	[sflag:s29] =	ssyncadd.s32 $0xFFFFFFFF  }
0xb6: {  	_ =	strace $0x9000004B  }
0xb7: {  	_ =	sfence  }
0xb8: {  	s30 =	sld [smem:$0x0];
	_ =	sdelay $0x2  }
0xb9: {  	s31 =	sshll.u32 s1, $0xD;
	s1 =	sshrl.u32 s1, $0x2  }
0xba: {  	s3 =	sand.u32 $0x4000, s31;
	s1 =	sadd.s32 s1, s30  }
0xbb: {  	s0 =	sor.u32 s3, s0;
	s1 =	sshll.u32 s1, $0x11  }
0xbc: {  	s0 =	sor.u32 s1, s0  }
0xbd: {  	s0 =	sadd.s32 $0x8F2B, s0  }
0xbe: {  	[sflag:s0] =	ssyncadd.remote.s32 $0x1  }
0xbf: {  	_ =	sfence.sel $0xFFFF  }
0xc0: {  	[dreg:$0x0] =	wrdreg $0xFFFFFFFF;
	(pc) =	sbr.abs _section_cstart, $3  }
0xc1: {  	[dreg:$0x1] =	wrdreg $0xFFFFFFFF  }
0xc2: {  	_ =	task.clear_ibuf [dreg:s7], $0x2FFFF;
	_ =	strace $0x9FFFFFFF  }
0xc3: {  	(tm) =	ssettm $0x7FFFFFFF  }
tec
execute0_lowered:
.L_overlay_start_1:
0x0: {  	(tag) =	ssettag $0x1  }
0x1: {  	s0 =	rddreg [dreg:$0x0]  }
0x2: {  	s1 =	srdreg.scid;
	s2 =	rddreg [dreg:$0x1]  }
0x3: {  	s15 =	stileid.u32;
	s3 =	rddreg [dreg:$0x2];
	s4 =	simm.s32 $0x0  }
0x4: {  	s28 =	simm.s32 $0x200;
	s29 =	simm.s32 $0x2;
	s6 =	smul.u32 $0x14000, s15  }
0x5: {  	s30 =	simm.s32 $0x2A00;
	s31 =	simm.s32 $0x5;
	s13 =	smul.u32 $0x2800, s15  }
0x6: {  	s1 =	sand.u32 $0x1, s1;
	[smem:$0x7FF] =	sst s4;
	s14 =	smul.u32 $0x50000, s15  }
0x7: {  	s10 =	sshll.u32 s15, $0xB;
	s23 =	sshll.u32 s15, $0x6;
	s5 =	smul.u32 $0x140000, s1  }
0x8: {  	_ =	strace $0x8000004A;
	s11 =	ssub.s32 $0x2, s1;
	s8 =	sshll.u32 s1, $0x12  }
0x9: {  	s1 =	smul.u32 $0x28000, s1;
	s12 =	sshrl.u32 s11, $0x1;
	s22 =	sshrl.u32 s14, $0x2  }
0xa: {  	s14 =	sor.u32 $0x1C07, s23;
	s5 =	sadd.s32 s6, s5;
	s6 =	sadd.s32 $0x4600, s0  }
0xb: {  	s11 =	ssub.s32 s11, s12;
	s1 =	sadd.s32 s13, s1;
	s12 =	sadd.s32 s22, s3  }
0xc: {  	s22 =	simm.s32 $0x80;
	s13 =	simm.s32 $0x0;
	s7 =	sshrl.u32 s5, $0x3  }
0xd: {  	s5 =	sadd.s32 $0x5D000, s0;
	s10 =	sadd.s32 s6, s10;
	s24 =	smax.u32 s11, $0x1  }
0xe: {  	s23 =	sshrl.u32 s12, $0x3;
	s11 =	simm.s32 $0x4;
	s12 =	simm.s32 $0x180  }
0xf: {  	s0 =	sadd.s32 s7, s0;
	s7 =	sshll.u32 s15, $0xE;
	s21 =	sadd.s32 $0x10, s10  }
0x10: {  	s1 =	sadd.s32 s5, s1;
	[dreg:$0x9] =	wrdreg s24;
	s18 =	sadd.s32 $0x7F0, s10  }
0x11: {  	s26 =	sadd.s32 $0x7E0, s10;
	s24 =	simm.s32 $0x7;
	[dreg:$0x6] =	wrdreg s21  }
0x12: {  	s8 =	sor.u32 s7, s8;
	[dreg:$0x7] =	wrdreg s1;
	s0 =	sadd.s32 $0xAD000, s0  }
0x13: {  	[dreg:$0xb] =	wrdreg s26;
	s21 =	simm.s32 $0x100;
	s9 =	sshrl.u32 s8, $0x3  }
0x14: {  	s26 =	simm.s32 $0x50;
	[dreg:$0x8] =	wrdreg s0;
	s9 =	sadd.s32 s2, s9  }
0x15: {  	s1 =	simm.s32 $0x3;
	s20 =	sadd.s32 $0x10, s9;
	[dreg:$0x4] =	wrdreg s9  }
0x16: {  	s0 =	simm.s32 $0x6;
	s25 =	sadd.s32 $0x7E0, s9;
	[dreg:$0x5] =	wrdreg s20  }
0x17: {  	s17 =	sadd.s32 $0x7F0, s9;
	[dreg:$0xa] =	wrdreg s25;
	s25 =	simm.s32 $0x1  }
.LBB2_1:
0x18: {  	s9 =	rddreg [dreg:$0x4]  }
0x19: {  	[tilespmem:s4], [sflag:$0x1] =	stream.linear.gather [hbm4b:s9+s4], $0x80, $0x38;
	[tilespmem:$0x19200] =	vst v63  }
0x1a: {  	s19 =	rddreg [dreg:$0x5]  }
0x1b: {  	[tilespmem:s21], [sflag:$0x3] =	stream.linear.gather [hbm4b:s10+s4], $0x80, $0x38;
	[tilespmem:$0x19200] =	vst v63  }
0x1c: {  	s20 =	rddreg [dreg:$0x6]  }
0x1d: {  	[tilespmem:s22], [sflag:$0x2] =	stream.linear.gather [hbm4b:s19+s4], $0x80, $0x38;
	[tilespmem:$0x19200] =	vst v63  }
0x1e: {  	s15 =	rddreg [dreg:$0x7]  }
0x1f: {  	[tilespmem:s12], [sflag:$0x4] =	stream.linear.gather [hbm4b:s20+s4], $0x80, $0x38;
	[tilespmem:$0x19200] =	vst v63  }
0x20: {  	[spmem:s23], [sflag:s14] =	dma.local [hbm:s15], $0x2800  }
0x21: {  	_ =	swait.ge [sflag:s24], $0x2800  }
0x22: {  	[sflag:s24] =	ssyncset.done $0x0  }
0x23: {  	[sflag:s24] =	ssyncadd.s32 $0xFFFFD800  }
0x24: {  	[bflag:$0x0] =	sbarrier.arrive $0xFFFF  }
0x25: {  	_ =	swait.ge [sflag:s25], $0x80  }
0x26: {  	[sflag:s25] =	ssyncset.done $0x0  }
0x27: {  	[sflag:s25] =	ssyncadd.s32 $0xFFFFFF80  }
0x28: {  	[tilespmem:s28], [sflag:$0x5] =	stream.indirect.gather [hbm4b:s5+s26], $0x80, s4, s26, $0xb8;
	[tilespmem:$0x19200] =	vst v63  }
0x29: {  	s15 =	simm.s32 $0x100;
	_ =	swait.ge [sflag:s29], $0x80  }
0x2a: {  	s16 =	sand.u32 $0x7C00, s15;
	[sflag:s29] =	ssyncset.done $0x0  }
0x2b: {  	s15 =	sand.u32 $0x300, s15;
	s19 =	sadd.s32 s8, s16;
	[sflag:s29] =	ssyncadd.s32 $0xFFFFFF80  }
0x2c: {  	[tilespmem:s30], [sflag:$0x6] =	stream.indirect.gather [hbm4b:s5+s26], $0x80, s22, s26, $0xb8;
	[tilespmem:$0x19200] =	vst v63  }
0x2d: {  	s19 =	sor.u32 s15, s19;
	_ =	swait.ge [sflag:s31], $0x2800  }
0x2e: {  	s19 =	sshrl.u32 s19, $0x3;
	[sflag:s31] =	ssyncset.done $0x0  }
0x2f: {  	s19 =	sadd.s32 s2, s19;
	[sflag:s31] =	ssyncadd.s32 $0xFFFFD800  }
0x30: {  	[tilespmem:s4], [sflag:$0x1] =	stream.linear.gather [hbm4b:s19+s4], $0x80, $0x38;
	[tilespmem:$0x19200] =	vst v63  }
0x31: {  	_ =	swait.ge [sflag:s1], $0x80  }
0x32: {  	[sflag:s1] =	ssyncset.done $0x0  }
0x33: {  	s16 =	sadd.s32 s7, s16;
	[sflag:s1] =	ssyncadd.s32 $0xFFFFFF80  }
0x34: {  	[spmem:s3] =	stream.indirect.scatter.add.f32 [tilespmem:s28], [sflag:$0x7], $0x80, s21, s26, $0xb8;
	[tilespmem:$0x19200] =	vst v63  }
0x35: {  	s15 =	sor.u32 s15, s16;
	_ =	swait.ge [sflag:s24], $0x2800  }
0x36: {  	s15 =	sshrl.u32 s15, $0x3;
	[sflag:s24] =	ssyncset.done $0x0  }
0x37: {  	s15 =	sadd.s32 s6, s15;
	[sflag:s24] =	ssyncadd.s32 $0xFFFFD800  }
0x38: {  	[tilespmem:s21], [sflag:$0x3] =	stream.linear.gather [hbm4b:s15+s4], $0x80, $0x38;
	[tilespmem:$0x19200] =	vst v63  }
0x39: {  	_ =	swait.ge [sflag:s25], $0x80  }
0x3a: {  	s16 =	sand.u32 $0x7C00, s12;
	[sflag:s25] =	ssyncset.done $0x0  }
0x3b: {  	s9 =	sand.u32 $0x380, s12;
	s20 =	sadd.s32 s8, s16;
	[sflag:s25] =	ssyncadd.s32 $0xFFFFFF80  }
0x3c: {  	[tilespmem:s28], [sflag:$0x5] =	stream.indirect.gather [hbm4b:s5+s26], $0x80, s4, s26, $0xb8;
	[tilespmem:$0x19200] =	vst v63  }
0x3d: {  	s19 =	sor.u32 s9, s20;
	_ =	swait.ge [sflag:s0], $0x2800  }
0x3e: {  	s19 =	sshrl.u32 s19, $0x3;
	[sflag:s0] =	ssyncset.done $0x0  }
0x3f: {  	s19 =	sadd.s32 s2, s19;
	[sflag:s0] =	ssyncadd.s32 $0xFFFFD800  }
0x40: {  	[tilespmem:s22], [sflag:$0x2] =	stream.linear.gather [hbm4b:s19+s4], $0x80, $0x38;
	[tilespmem:$0x19200] =	vst v63  }
0x41: {  	_ =	swait.ge [sflag:s11], $0x80  }
0x42: {  	s15 =	sadd.s32 s7, s16;
	[sflag:s11] =	ssyncset.done $0x0  }
0x43: {  	s15 =	sor.u32 s9, s15;
	[sflag:s11] =	ssyncadd.s32 $0xFFFFFF80  }
0x44: {  	[spmem:s3] =	stream.indirect.scatter.add.f32 [tilespmem:s30], [sflag:$0x7], $0x80, s12, s26, $0xb8;
	[tilespmem:$0x19200] =	vst v63  }
0x45: {  	s16 =	sshrl.u32 s15, $0x3;
	_ =	swait.ge [sflag:s24], $0x2800  }
0x46: {  	s15 =	simm.s32 $0x280;
	s16 =	sadd.s32 s6, s16;
	[sflag:s24] =	ssyncset.done $0x0  }
.LBB2_2:
0x47: {  	p0 =	sne.s32 s15, $0x3E80  }
0x48: {  	[sflag:s24] =	ssyncadd.s32 $0xFFFFD800;
	s19 =	smov.u32 s15;
	s15 =	sadd.s32 $0x100, s15  }
0x49: {  	[tilespmem:s12], [sflag:$0x4] =	stream.linear.gather [hbm4b:s16+s4], $0x80, $0x38;
	[tilespmem:$0x19200] =	vst v63  }
0x4a: {  	s16 =	sadd.s32 $0xFFFFFF80, s19;
	_ =	swait.ge [sflag:s29], $0x80  }
0x4b: {  	s20 =	sand.u32 $0x7C00, s16;
	s16 =	sand.u32 $0x300, s16;
	[sflag:s29] =	ssyncset.done $0x0  }
0x4c: {  	s9 =	sadd.s32 s8, s20;
	s20 =	sadd.s32 s7, s20;
	[sflag:s29] =	ssyncadd.s32 $0xFFFFFF80  }
0x4d: {  	[tilespmem:s30], [sflag:$0x6] =	stream.indirect.gather [hbm4b:s5+s26], $0x80, s22, s26, $0xb8;
	[tilespmem:$0x19200] =	vst v63  }
0x4e: {  	s9 =	sor.u32 s16, s9;
	s16 =	sor.u32 s16, s20;
	_ =	swait.ge [sflag:s31], $0x2800  }
0x4f: {  	s9 =	sshrl.u32 s9, $0x3;
	s16 =	sshrl.u32 s16, $0x3;
	[sflag:s31] =	ssyncset.done $0x0  }
0x50: {  	s9 =	sadd.s32 s2, s9;
	[sflag:s31] =	ssyncadd.s32 $0xFFFFD800  }
0x51: {  	[tilespmem:s4], [sflag:$0x1] =	stream.linear.gather [hbm4b:s9+s4], $0x80, $0x38;
	[tilespmem:$0x19200] =	vst v63  }
0x52: {  	_ =	swait.ge [sflag:s1], $0x80  }
0x53: {  	[sflag:s1] =	ssyncset.done $0x0  }
0x54: {  	[sflag:s1] =	ssyncadd.s32 $0xFFFFFF80  }
0x55: {  	[spmem:s3] =	stream.indirect.scatter.add.f32 [tilespmem:s28], [sflag:$0x7], $0x80, s21, s26, $0xb8;
	[tilespmem:$0x19200] =	vst v63  }
0x56: {  	_ =	swait.ge [sflag:s24], $0x2800  }
0x57: {  	s9 =	sadd.s32 s6, s16;
	[sflag:s24] =	ssyncset.done $0x0  }
0x58: {  	[sflag:s24] =	ssyncadd.s32 $0xFFFFD800  }
0x59: {  	[tilespmem:s21], [sflag:$0x3] =	stream.linear.gather [hbm4b:s9+s4], $0x80, $0x38;
	[tilespmem:$0x19200] =	vst v63  }
0x5a: {  	_ =	swait.ge [sflag:s25], $0x80  }
0x5b: {  	s16 =	sand.u32 $0x380, s19;
	s9 =	sand.u32 $0x7C00, s19;
	[sflag:s25] =	ssyncset.done $0x0  }
0x5c: {  	s19 =	sadd.s32 s8, s9;
	s9 =	sadd.s32 s7, s9;
	[sflag:s25] =	ssyncadd.s32 $0xFFFFFF80  }
0x5d: {  	[tilespmem:s28], [sflag:$0x5] =	stream.indirect.gather [hbm4b:s5+s26], $0x80, s4, s26, $0xb8;
	[tilespmem:$0x19200] =	vst v63  }
0x5e: {  	s19 =	sor.u32 s16, s19;
	s9 =	sor.u32 s16, s9;
	_ =	swait.ge [sflag:s0], $0x2800  }
0x5f: {  	s16 =	sshrl.u32 s19, $0x3;
	s9 =	sshrl.u32 s9, $0x3;
	[sflag:s0] =	ssyncset.done $0x0  }
0x60: {  	s16 =	sadd.s32 s2, s16;
	[sflag:s0] =	ssyncadd.s32 $0xFFFFD800  }
0x61: {  	[tilespmem:s22], [sflag:$0x2] =	stream.linear.gather [hbm4b:s16+s4], $0x80, $0x38;
	[tilespmem:$0x19200] =	vst v63  }
0x62: {  	_ =	swait.ge [sflag:s11], $0x80  }
.Ltmp0:
0x63: {  	[sflag:s11] =	ssyncset.done $0x0;
	(pc) =	sbr.rel @p0 .LBB2_2-.Ltmp0, $4  }
0x64: {  	[sflag:s11] =	ssyncadd.s32 $0xFFFFFF80  }
0x65: {  	[spmem:s3] =	stream.indirect.scatter.add.f32 [tilespmem:s30], [sflag:$0x7], $0x80, s12, s26, $0xb8;
	[tilespmem:$0x19200] =	vst v63  }
0x66: {  	_ =	swait.ge [sflag:s24], $0x2800  }
0x67: {  	s16 =	sadd.s32 s6, s9;
	[sflag:s24] =	ssyncset.done $0x0  }
0x68: {  	[sflag:s24] =	ssyncadd.s32 $0xFFFFD800  }
0x69: {  	[tilespmem:s12], [sflag:$0x4] =	stream.linear.gather [hbm4b:s16+s4], $0x80, $0x38;
	[tilespmem:$0x19200] =	vst v63  }
0x6a: {  	_ =	swait.ge [sflag:s29], $0x80  }
0x6b: {  	[sflag:s29] =	ssyncset.done $0x0  }
0x6c: {  	[sflag:s29] =	ssyncadd.s32 $0xFFFFFF80  }
0x6d: {  	[tilespmem:s30], [sflag:$0x6] =	stream.indirect.gather [hbm4b:s5+s26], $0x80, s22, s26, $0xb8;
	[tilespmem:$0x19200] =	vst v63  }
0x6e: {  	_ =	swait.ge [sflag:s31], $0x2800  }
0x6f: {  	[sflag:s31] =	ssyncset.done $0x0  }
0x70: {  	s9 =	rddreg [dreg:$0xa];
	[sflag:s31] =	ssyncadd.s32 $0xFFFFD800  }
0x71: {  	[tilespmem:s4], [sflag:$0x1] =	stream.linear.gather [hbm4b:s9+s4], $0x80, $0x38;
	[tilespmem:$0x19200] =	vst v63  }
0x72: {  	_ =	swait.ge [sflag:s1], $0x80  }
0x73: {  	[sflag:s1] =	ssyncset.done $0x0  }
0x74: {  	[sflag:s1] =	ssyncadd.s32 $0xFFFFFF80  }
0x75: {  	[spmem:s3] =	stream.indirect.scatter.add.f32 [tilespmem:s28], [sflag:$0x7], $0x80, s21, s26, $0xb8;
	[tilespmem:$0x19200] =	vst v63  }
0x76: {  	_ =	swait.ge [sflag:s24], $0x2800  }
0x77: {  	[sflag:s24] =	ssyncset.done $0x0  }
0x78: {  	s16 =	rddreg [dreg:$0xb];
	[sflag:s24] =	ssyncadd.s32 $0xFFFFD800  }
0x79: {  	[tilespmem:s21], [sflag:$0x3] =	stream.linear.gather [hbm4b:s16+s4], $0x80, $0x38;
	[tilespmem:$0x19200] =	vst v63  }
0x7a: {  	_ =	swait.ge [sflag:s25], $0x80  }
0x7b: {  	[sflag:s25] =	ssyncset.done $0x0  }
0x7c: {  	[sflag:s25] =	ssyncadd.s32 $0xFFFFFF80  }
0x7d: {  	[tilespmem:s28], [sflag:$0x5] =	stream.indirect.gather [hbm4b:s5+s26], $0x80, s4, s26, $0xb8;
	[tilespmem:$0x19200] =	vst v63  }
0x7e: {  	_ =	swait.ge [sflag:s0], $0x2800  }
0x7f: {  	[sflag:s0] =	ssyncset.done $0x0  }
0x80: {  	[sflag:s0] =	ssyncadd.s32 $0xFFFFD800  }
0x81: {  	[tilespmem:s22], [sflag:$0x2] =	stream.linear.gather [hbm4b:s17+s4], $0x80, $0x38;
	[tilespmem:$0x19200] =	vst v63  }
0x82: {  	_ =	swait.ge [sflag:s11], $0x80  }
0x83: {  	[sflag:s11] =	ssyncset.done $0x0  }
0x84: {  	[sflag:s11] =	ssyncadd.s32 $0xFFFFFF80  }
0x85: {  	[spmem:s3] =	stream.indirect.scatter.add.f32 [tilespmem:s30], [sflag:$0x7], $0x80, s12, s26, $0xb8;
	[tilespmem:$0x19200] =	vst v63  }
0x86: {  	_ =	swait.ge [sflag:s24], $0x2800  }
0x87: {  	[sflag:s24] =	ssyncset.done $0x0  }
0x88: {  	[sflag:s24] =	ssyncadd.s32 $0xFFFFD800  }
0x89: {  	[tilespmem:s12], [sflag:$0x4] =	stream.linear.gather [hbm4b:s18+s4], $0x80, $0x38;
	[tilespmem:$0x19200] =	vst v63  }
0x8a: {  	_ =	swait.ge [sflag:s29], $0x80  }
0x8b: {  	[sflag:s29] =	ssyncset.done $0x0  }
0x8c: {  	[sflag:s29] =	ssyncadd.s32 $0xFFFFFF80  }
0x8d: {  	[tilespmem:s30], [sflag:$0x6] =	stream.indirect.gather [hbm4b:s5+s26], $0x80, s22, s26, $0xb8;
	[tilespmem:$0x19200] =	vst v63  }
0x8e: {  	_ =	swait.ge [sflag:s31], $0x2800  }
0x8f: {  	[sflag:s31] =	ssyncset.done $0x0  }
0x90: {  	[sflag:s31] =	ssyncadd.s32 $0xFFFFD800  }
0x91: {  	[tilespmem:s4], [sflag:$0x1] =	stream.linear.gather [hbm4b:s17+s4], $0x80, $0x38;
	[tilespmem:$0x19200] =	vst v63  }
0x92: {  	_ =	swait.ge [sflag:s1], $0x80  }
0x93: {  	[sflag:s1] =	ssyncset.done $0x0  }
0x94: {  	[sflag:s1] =	ssyncadd.s32 $0xFFFFFF80  }
0x95: {  	[spmem:s3] =	stream.indirect.scatter.add.f32 [tilespmem:s28], [sflag:$0x7], $0x80, s21, s26, $0xb8;
	[tilespmem:$0x19200] =	vst v63  }
0x96: {  	_ =	swait.ge [sflag:s24], $0x2800  }
0x97: {  	[sflag:s24] =	ssyncset.done $0x0  }
0x98: {  	[sflag:s24] =	ssyncadd.s32 $0xFFFFD800  }
0x99: {  	[tilespmem:s21], [sflag:$0x3] =	stream.linear.gather [hbm4b:s18+s4], $0x80, $0x38;
	[tilespmem:$0x19200] =	vst v63  }
0x9a: {  	_ =	swait.ge [sflag:s25], $0x80  }
0x9b: {  	[sflag:s25] =	ssyncset.done $0x0  }
0x9c: {  	[sflag:s25] =	ssyncadd.s32 $0xFFFFFF80  }
0x9d: {  	[tilespmem:s28], [sflag:$0x5] =	stream.indirect.gather [hbm4b:s5+s26], $0x80, s4, s26, $0xb8;
	[tilespmem:$0x19200] =	vst v63  }
0x9e: {  	_ =	swait.ge [sflag:s0], $0x2800  }
0x9f: {  	[sflag:s0] =	ssyncset.done $0x0  }
0xa0: {  	[sflag:s0] =	ssyncadd.s32 $0xFFFFD800  }
0xa1: {  	[tilespmem:s22], [sflag:$0x2] =	stream.linear.gather [hbm4b:s17+s4], $0x80, $0x38;
	[tilespmem:$0x19200] =	vst v63  }
0xa2: {  	_ =	swait.ge [sflag:s11], $0x80  }
0xa3: {  	[sflag:s11] =	ssyncset.done $0x0  }
0xa4: {  	[sflag:s11] =	ssyncadd.s32 $0xFFFFFF80  }
0xa5: {  	[spmem:s3] =	stream.indirect.scatter.add.f32 [tilespmem:s30], [sflag:$0x7], $0x80, s12, s26, $0xb8;
	[tilespmem:$0x19200] =	vst v63  }
0xa6: {  	_ =	swait.ge [sflag:s24], $0x2800  }
0xa7: {  	[sflag:s24] =	ssyncset.done $0x0  }
0xa8: {  	[sflag:s24] =	ssyncadd.s32 $0xFFFFD800  }
0xa9: {  	[tilespmem:s12], [sflag:$0x4] =	stream.linear.gather [hbm4b:s18+s4], $0x80, $0x38;
	[tilespmem:$0x19200] =	vst v63  }
0xaa: {  	_ =	swait.ge [sflag:s31], $0x2800  }
0xab: {  	[sflag:s31] =	ssyncset.done $0x0  }
0xac: {  	[sflag:s31] =	ssyncadd.s32 $0xFFFFD800  }
0xad: {  	_ =	swait.ge [sflag:s29], $0x80  }
0xae: {  	[sflag:s29] =	ssyncset.done $0x0  }
0xaf: {  	[sflag:s29] =	ssyncadd.s32 $0xFFFFFF80  }
0xb0: {  	_ =	swait.ge [sflag:s1], $0x80  }
0xb1: {  	[sflag:s1] =	ssyncset.done $0x0  }
0xb2: {  	[sflag:s1] =	ssyncadd.s32 $0xFFFFFF80  }
0xb3: {  	_ =	swait.ge [sflag:s11], $0x80  }
0xb4: {  	[sflag:s11] =	ssyncset.done $0x0  }
0xb5: {  	[sflag:s11] =	ssyncadd.s32 $0xFFFFFF80  }
0xb6: {  	[bflag:$0x0] =	sbarrier.arrive $0xFFFF  }
0xb7: {  	s19 =	rddreg [dreg:$0x8]  }
0xb8: {  	[hbm:s19], [sflag:s14] =	dma.local [spmem:s23], $0x2800  }
0xb9: {  	_ =	swait.ge [sflag:s24], $0x2800  }
0xba: {  	s13 =	sadd.s32 $0x1, s13;
	s20 =	rddreg [dreg:$0x9]  }
0xbb: {  	p0 =	sne.s32 s13, s20  }
.Ltmp1:
0xbc: {  	_ = 	snop;
	(pc) =	sbr.rel @p0 .LBB2_1-.Ltmp1, $3  }
0xbd: {  	_ =	sdelay $0x1  }
0xbe: {  	[sflag:s24] =	ssyncset.done $0x0  }
0xbf: {  	[sflag:s24] =	ssyncadd.s32 $0xFFFFD800  }
0xc0: {  	_ =	sfence.sel $0x180000  }
0xc1: {  	[bflag:$0x0] =	sbarrier.arrive $0xFFFF  }
0xc2: {  	_ =	strace $0x9000004A  }
0xc3: {  	s0 =	stileid.u32;
	[bflag:$0x2] =	sbarrier.arrive $0xFFFF  }
0xc4: {  	p0 =	sne.s32 s0, $0x0;
	s0 =	rddreg [dreg:$0x3]  }
0xc5: {  	s0 =	sadd.s32 @!p0 $0x100000, s0  }
0xc6: {  	[sflag:s0] =	ssyncadd.tile.s32 @!p0 $0x1;
	_ =	shalt  }
.Lfunc_end2:
_tile_overlayer_lowered:
.L_overlay_start_2:
0xc7: {  	(tag) =	ssettag $0x2  }
0xc8: {  	s0 =	rddreg [dreg:$0x0];
	s2 =	stileid.u32  }
0xc9: {  	s1 =	rddreg [dreg:$0x1];
	p0 =	sne.s32 s2, $0x0  }
0xca: {  	s3 =	rddreg [dreg:$0x2];
	[bflag:$0x3] =	sbarrier.arrive $0xFFFF;
	s2 =	simm.s32 @!p0 $0x1C07  }
0xcb: {  	[timem:s3], [sflag:s2] =	dma.local @!p0 [hbm:s0], s1  }
0xcc: {  	s0 =	simm.s32 @!p0 $0x7  }
0xcd: {  	_ =	swait.ge @!p0 [sflag:s0], s1  }
0xce: {  	s1 =	ssub.s32 @!p0 $0x0, s1;
	[sflag:s0] =	ssyncset.done @!p0 $0x0  }
0xcf: {  	[sflag:s0] =	ssyncadd.s32 @!p0 s1  }
0xd0: {  	[bflag:$0x3] =	sbarrier.arrive $0xFFFF  }
0xd1: {  	_ =	shalt  }

// kernel: kernel.16.cloned.1.call-start
scs
__scs_entry_jumppad:
0x0: {  	(pc) =	sbr.rel $0x88, $3  }
0x1: {  	(tag) =	ssettag $0x0;
	lr =	simm.s32 $0x1  }
0x2: {  	[smem:$0x3F8B] =	sst lr;
	_ =	strace $0xD0000000  }
0x3: {  	_ = 	snop  }
0x4: {  	_ = 	snop  }
0x5: {  	_ = 	snop  }
0x6: {  	_ = 	snop  }
0x7: {  	_ = 	snop  }
__scs_overlays_trampoline_lowered:
0x8: {  	[smem:$0x3F9A] =	sst s0  }
0x9: {  	[smem:$0x3F9B] =	sst s1  }
0xa: {  	[smem:$0x3F9C] =	sst s2  }
0xb: {  	[smem:$0x3F9D] =	sst s3  }
0xc: {  	[smem:$0x3F9E] =	sst s4  }
0xd: {  	[smem:$0x3F9F] =	sst s5  }
0xe: {  	[smem:$0x3FA0] =	sst s6  }
0xf: {  	[smem:$0x3FA1] =	sst s7  }
0x10: {  	[smem:$0x3FA2] =	sst s8  }
0x11: {  	[smem:$0x3FA3] =	sst s9;
	s0 =	simm.s32 @!p0 $0x0  }
0x12: {  	s1 =	sld [smem:$0x3F89];
	s0 =	simm.s32 @p0 $0x1  }
0x13: {  	[smem:$0x3FA4] =	sst s0;
	s0 =	simm.s32 @!p1 $0x0  }
0x14: {  	s2 =	sld [smem:$0x3F88];
	s0 =	simm.s32 @p1 $0x1  }
0x15: {  	[smem:$0x3FA5] =	sst s0;
	s0 =	simm.s32 @!p2 $0x0  }
0x16: {  	s3 =	sld [smem:$0x3FDB];
	s0 =	simm.s32 @p2 $0x1  }
0x17: {  	s4 =	simm.s32 $0x1BF5;
	[smem:$0x3FA7] =	sst s0  }
0x18: {  	s0 =	sld [smem:$0x3F8A];
	_ =	swait.ge [sflag:s4], $0x0  }
0x19: {  	s7 =	sld [smem:$0x3F8B]  }
0x1a: {  	s8 =	sadd.s32 $0xFFFFE003, lr  }
0x1b: {  	s9 =	sadd.s32 $0xFFFFFEF7, lr;
	s5 =	simm.s32 $0xFFFFFFFF;
	p2 =	slt.u32 s8, $0xFFFFF086  }
0x1c: {  	p1 =	slt.u32 s9, $0xF7A;
	s5 =	simm.s32 @!p2 $0x0  }
0x1d: {  	s5 =	simm.s32 @p1 $0x1;
	p0 =	seq.s32 s7, s2  }
0x1e: {  	s7 =	smul.u32 @!p0 $0xF7A, s2;
	p2 =	seq.s32 @!p0 s5, $0x0  }
0x1f: {  	s9 =	smul.u32 $0xF7A, s1;
	s8 =	simm.s32 @!p0 $0x1BF5;
	p2 =	por !p2, p0  }
0x20: {  	[sflag:s8] =	ssyncset.s32 @!p0 $0xFFFFF086;
	s6 =	sadd.s32 @!p0 s3, s7;
	s7 =	simm.s32 @!p0 $0x108  }
0x21: {  	s3 =	sadd.s32 s3, s9;
	s6 =	sadd.s32 @!p0 $0x88, s6;
	s7 =	simm.s32 @p2 $0x1082  }
0x22: {  	[simem:s7], [sflag:s8] =	dma.local @!p0 [hbm:s6], $0xF7A  }
0x23: {  	s9 =	sor.u32 $0xD0000000, s2;
	s6 =	simm.s32 $0x108;
	_ =	swait.ge @!p0 [sflag:s8], $0x0  }
0x24: {  	s3 =	sadd.s32 $0x88, s3;
	s6 =	simm.s32 @!p1 $0x1082;
	[sflag:s4] =	ssyncset.s32 $0xFFFFF086  }
0x25: {  	[simem:s6], [sflag:s4] =	dma.local [hbm:s3], $0xF7A  }
0x26: {  	[smem:$0x3F8B] =	sst s1;
	(tag) =	ssettag s2;
	_ =	strace s9  }
0x27: {  	s1 =	sld [smem:$0x3F9B]  }
0x28: {  	s2 =	sld [smem:$0x3F9C]  }
0x29: {  	s4 =	sld [smem:$0x3F9E]  }
0x2a: {  	p0 =	seq.s32 s5, $0x0;
	s5 =	sld [smem:$0x3F9F]  }
0x2b: {  	s6 =	sld [smem:$0x3FA0]  }
0x2c: {  	s7 =	sld [smem:$0x3FA1]  }
0x2d: {  	s3 =	simm.s32 $0x108;
	s8 =	sld [smem:$0x3FA2]  }
0x2e: {  	s3 =	simm.s32 @!p0 $0x1082;
	s9 =	sld [smem:$0x3FA3]  }
0x2f: {  	lr =	sadd.s32 s0, s3;
	s0 =	sld [smem:$0x3F9A]  }
0x30: {  	s3 =	sld [smem:$0x3F9D]  }
0x31: {  	[smem:$0x3FA6] =	sst s10  }
0x32: {  	s10 =	sld [smem:$0x3FA4];
	_ =	sdelay $0x3  }
0x33: {  	p0 =	seq.s32 s10, $0x1;
	s10 =	sld [smem:$0x3FA6];
	_ =	sdelay $0x3  }
0x34: {  	[smem:$0x3FA6] =	sst s10  }
0x35: {  	s10 =	sld [smem:$0x3FA5];
	_ =	sdelay $0x3  }
0x36: {  	p1 =	seq.s32 s10, $0x1;
	s10 =	sld [smem:$0x3FA6];
	_ =	sdelay $0x3  }
0x37: {  	[smem:$0x3FA6] =	sst s10  }
0x38: {  	s10 =	sld [smem:$0x3FA7]  }
0x39: {  	_ = 	snop;
	(pc) =	sbr.ind lr, $3  }
0x3a: {  	_ = 	snop  }
0x3b: {  	_ = 	snop  }
0x3c: {  	p2 =	seq.s32 s10, $0x1;
	s10 =	sld [smem:$0x3FA6]  }
0x3d: {  	_ =	shalt  }
0x3e: {  	_ =	shalt  }
0x3f: {  	_ =	shalt  }
0x40: {  	_ =	shalt  }
0x41: {  	_ =	shalt  }
0x42: {  	_ =	shalt  }
0x43: {  	_ =	shalt  }
0x44: {  	_ =	shalt  }
0x45: {  	_ =	shalt  }
0x46: {  	_ =	shalt  }
0x47: {  	_ =	shalt  }
0x48: {  	_ =	shalt  }
0x49: {  	_ =	shalt  }
0x4a: {  	_ =	shalt  }
0x4b: {  	_ =	shalt  }
0x4c: {  	_ =	shalt  }
0x4d: {  	_ =	shalt  }
0x4e: {  	_ =	shalt  }
0x4f: {  	_ =	shalt  }
0x50: {  	_ =	shalt  }
0x51: {  	_ =	shalt  }
0x52: {  	_ =	shalt  }
0x53: {  	_ =	shalt  }
0x54: {  	_ =	shalt  }
0x55: {  	_ =	shalt  }
0x56: {  	_ =	shalt  }
0x57: {  	_ =	shalt  }
0x58: {  	_ =	shalt  }
0x59: {  	_ =	shalt  }
0x5a: {  	_ =	shalt  }
0x5b: {  	_ =	shalt  }
0x5c: {  	_ =	shalt  }
0x5d: {  	_ =	shalt  }
0x5e: {  	_ =	shalt  }
0x5f: {  	_ =	shalt  }
0x60: {  	_ =	shalt  }
0x61: {  	_ =	shalt  }
0x62: {  	_ =	shalt  }
0x63: {  	_ =	shalt  }
0x64: {  	_ =	shalt  }
0x65: {  	_ =	shalt  }
0x66: {  	_ =	shalt  }
0x67: {  	_ =	shalt  }
0x68: {  	_ =	shalt  }
0x69: {  	_ =	shalt  }
0x6a: {  	_ =	shalt  }
0x6b: {  	_ =	shalt  }
0x6c: {  	_ =	shalt  }
0x6d: {  	_ =	shalt  }
0x6e: {  	_ =	shalt  }
0x6f: {  	_ =	shalt  }
0x70: {  	_ =	shalt  }
0x71: {  	_ =	shalt  }
0x72: {  	_ =	shalt  }
0x73: {  	_ =	shalt  }
0x74: {  	_ =	shalt  }
0x75: {  	_ =	shalt  }
0x76: {  	_ =	shalt  }
0x77: {  	_ =	shalt  }
0x78: {  	_ =	shalt  }
0x79: {  	_ =	shalt  }
0x7a: {  	_ =	shalt  }
0x7b: {  	_ =	shalt  }
0x7c: {  	_ =	shalt  }
0x7d: {  	_ =	shalt  }
0x7e: {  	_ =	shalt  }
0x7f: {  	_ =	shalt  }
0x80: {  	_ =	shalt  }
0x81: {  	_ =	shalt  }
0x82: {  	_ =	shalt  }
0x83: {  	_ =	shalt  }
0x84: {  	_ =	shalt  }
0x85: {  	_ =	shalt  }
0x86: {  	_ =	shalt  }
0x87: {  	_ =	shalt  }
.Lfunc_end0:
.L_simem_size_0:
called_computation.2_lowered:
.L_overlay_start_0:
0x88: {  	s2 =	sld [smem:$0x3FD9]  }
0x89: {  	s3 =	sld [smem:$0x3FFE];
	_ =	sdelay $0x1  }
0x8a: {  	s1 =	srdreg.scid  }
0x8b: {  	s0 =	sand.u32 $0x1, s1  }
0x8c: {  	s17 =	sshll.u32 s0, $0xA;
	s2 =	sadd.s32 s3, s2  }
0x8d: {  	s2 =	sadd.s32 s2, s17  }
0x8e: {  	[smem:$0x3FB2] =	sst s2  }
0x8f: {  	_ = 	snop  }
0x90: {  	s2 =	sld [smem:$0x3FD0];
	(tm) =	ssettm $0x1  }
0x91: {  	s18 =	sld [smem:$0x3FFB];
	_ =	sdelay $0x3  }
0x92: {  	_ =	strace s18  }
0x93: {  	s3 =	sld [smem:$0x3FFC];
	_ =	sdelay $0x3  }
0x94: {  	_ =	strace s3  }
0x95: {  	s3 =	sld [smem:$0x3FFD];
	_ =	sdelay $0x3  }
0x96: {  	_ =	strace s3  }
0x97: {  	_ =	strace $0x8FFFFFFF  }
0x98: {  	s19 =	sld [smem:$0x3FDB];
	_ =	sdelay $0x1  }
0x99: {  	s4 =	simm.s32 $_scs_section_size  }
0x9a: {  	s5 =	simm.s32 $_size__tile_overlayer_lowered;
	s6 =	simm.s32 $_tile_overlayer_lowered  }
0x9b: {  	s22 =	simm.s32 $0x1BFF;
	s21 =	sshll.u32 s6, $0x1;
	s3 =	sadd.s32 s4, s19  }
0x9c: {  	s7 =	simm.s32 $0x0;
	s20 =	sshll.u32 s5, $0x1;
	s5 =	sadd.s32 s21, s3  }
0x9d: {  	[timem:s7], [sflag:s22] =	dma.local [hbm:s5], s20  }
0x9e: {  	_ =	swait.ge [sflag:s22], s20  }
0x9f: {  	s4 =	ssub.s32 $0x0, s20;
	[sflag:s22] =	ssyncset.done $0x0  }
0xa0: {  	[sflag:s22] =	ssyncadd.s32 s4;
	_ =	sdelay $0x1  }
0xa1: {  	s23 =	simm.s32 $0x1B8B  }
0xa2: {  	_ =	swait.ge [sflag:s23], $0x1  }
0xa3: {  	[sflag:s23] =	ssyncset.done $0x0  }
0xa4: {  	s25 =	simm.s32 $0x1B8E;
	s24 =	sld [smem:$0x3FFE];
	[sflag:s23] =	ssyncadd.s32 $0xFFFFFFFF  }
0xa5: {  	s26 =	simm.s32 $execute0_lowered;
	[smem:$0x3FD2] =	sst s25  }
0xa6: {  	s5 =	sshll.u32 s26, $0x1;
	_ =	strace $0x8000004C;
	[dreg:$0x1] =	wrdreg $0xFFFFFFFF  }
0xa7: {  	s28 =	simm.s32 $_size_execute0_lowered;
	s3 =	sadd.s32 s3, s5;
	[dreg:$0x0] =	wrdreg $0x0  }
0xa8: {  	s5 =	sshll.u32 s28, $0x1;
	[dreg:$0x2] =	wrdreg s3  }
0xa9: {  	[dreg:$0x3] =	wrdreg s5  }
0xaa: {  	[dreg:$0x4] =	wrdreg $0xC0  }
0xab: {  	_ =	task [dreg:s7], $0x5FFFF  }
0xac: {  	[dreg:$0x1] =	wrdreg $0xFFFFFFFF  }
0xad: {  	[dreg:$0x0] =	wrdreg $0x60  }
0xae: {  	[dreg:$0x2] =	wrdreg s24  }
0xaf: {  	[dreg:$0x3] =	wrdreg s2  }
0xb0: {  	[dreg:$0x4] =	wrdreg $0x52000  }
0xb1: {  	[dreg:$0x5] =	wrdreg $0x9  }
0xb2: {  	_ =	task.clear_ibuf [dreg:s7], $0x6FFFF;
	_ =	strace $0x9000004C  }
0xb3: {  	s29 =	simm.s32 $0x9;
	_ =	strace $0x8000004E  }
0xb4: {  	_ =	swait.ge [sflag:s29], $0x1  }
0xb5: {  	[sflag:s29] =	ssyncadd.s32 $0xFFFFFFFF  }
0xb6: {  	_ =	strace $0x9000004E  }
0xb7: {  	_ =	sfence  }
0xb8: {  	s30 =	sld [smem:$0x0];
	_ =	sdelay $0x2  }
0xb9: {  	s31 =	sshll.u32 s1, $0xD;
	s1 =	sshrl.u32 s1, $0x2  }
0xba: {  	s3 =	sand.u32 $0x4000, s31;
	s1 =	sadd.s32 s1, s30  }
0xbb: {  	s0 =	sor.u32 s3, s0;
	s1 =	sshll.u32 s1, $0x11  }
0xbc: {  	s0 =	sor.u32 s1, s0  }
0xbd: {  	s0 =	sadd.s32 $0x8F2B, s0  }
0xbe: {  	[sflag:s0] =	ssyncadd.remote.s32 $0x1  }
0xbf: {  	_ =	sfence.sel $0xFFFF  }
0xc0: {  	[dreg:$0x0] =	wrdreg $0xFFFFFFFF;
	(pc) =	sbr.abs _section_cstart, $3  }
0xc1: {  	[dreg:$0x1] =	wrdreg $0xFFFFFFFF  }
0xc2: {  	_ =	task.clear_ibuf [dreg:s7], $0x2FFFF;
	_ =	strace $0x9FFFFFFF  }
0xc3: {  	(tm) =	ssettm $0x7FFFFFFF  }
tec
execute0_lowered:
.L_overlay_start_1:
0x0: {  	(tag) =	ssettag $0x1  }
0x1: {  	s0 =	rddreg [dreg:$0x0]  }
0x2: {  	s1 =	srdreg.scid;
	s2 =	rddreg [dreg:$0x1]  }
0x3: {  	s15 =	stileid.u32;
	s3 =	rddreg [dreg:$0x2];
	s4 =	simm.s32 $0x0  }
0x4: {  	s28 =	simm.s32 $0x200;
	s29 =	simm.s32 $0x2;
	s6 =	smul.u32 $0x14000, s15  }
0x5: {  	s30 =	simm.s32 $0x2A00;
	s31 =	simm.s32 $0x5;
	s13 =	smul.u32 $0x2800, s15  }
0x6: {  	s1 =	sand.u32 $0x1, s1;
	[smem:$0x7FF] =	sst s4;
	s14 =	smul.u32 $0x50000, s15  }
0x7: {  	s10 =	sshll.u32 s15, $0xB;
	s23 =	sshll.u32 s15, $0x6;
	s5 =	smul.u32 $0x140000, s1  }
0x8: {  	_ =	strace $0x8000004D;
	s11 =	ssub.s32 $0x2, s1;
	s8 =	sshll.u32 s1, $0x12  }
0x9: {  	s1 =	smul.u32 $0x28000, s1;
	s12 =	sshrl.u32 s11, $0x1;
	s22 =	sshrl.u32 s14, $0x2  }
0xa: {  	s14 =	sor.u32 $0x1C07, s23;
	s5 =	sadd.s32 s6, s5;
	s6 =	sadd.s32 $0x4600, s0  }
0xb: {  	s11 =	ssub.s32 s11, s12;
	s1 =	sadd.s32 s13, s1;
	s12 =	sadd.s32 s22, s3  }
0xc: {  	s22 =	simm.s32 $0x80;
	s13 =	simm.s32 $0x0;
	s7 =	sshrl.u32 s5, $0x3  }
0xd: {  	s5 =	sadd.s32 $0x5D000, s0;
	s10 =	sadd.s32 s6, s10;
	s24 =	smax.u32 s11, $0x1  }
0xe: {  	s23 =	sshrl.u32 s12, $0x3;
	s11 =	simm.s32 $0x4;
	s12 =	simm.s32 $0x180  }
0xf: {  	s0 =	sadd.s32 s7, s0;
	s7 =	sshll.u32 s15, $0xE;
	s21 =	sadd.s32 $0x10, s10  }
0x10: {  	s1 =	sadd.s32 s5, s1;
	[dreg:$0x9] =	wrdreg s24;
	s18 =	sadd.s32 $0x7F0, s10  }
0x11: {  	s26 =	sadd.s32 $0x7E0, s10;
	s24 =	simm.s32 $0x7;
	[dreg:$0x6] =	wrdreg s21  }
0x12: {  	s8 =	sor.u32 s7, s8;
	[dreg:$0x7] =	wrdreg s1;
	s0 =	sadd.s32 $0xAD000, s0  }
0x13: {  	[dreg:$0xb] =	wrdreg s26;
	s21 =	simm.s32 $0x100;
	s9 =	sshrl.u32 s8, $0x3  }
0x14: {  	s26 =	simm.s32 $0x50;
	[dreg:$0x8] =	wrdreg s0;
	s9 =	sadd.s32 s2, s9  }
0x15: {  	s1 =	simm.s32 $0x3;
	s20 =	sadd.s32 $0x10, s9;
	[dreg:$0x4] =	wrdreg s9  }
0x16: {  	s0 =	simm.s32 $0x6;
	s25 =	sadd.s32 $0x7E0, s9;
	[dreg:$0x5] =	wrdreg s20  }
0x17: {  	s17 =	sadd.s32 $0x7F0, s9;
	[dreg:$0xa] =	wrdreg s25;
	s25 =	simm.s32 $0x1  }
.LBB2_1:
0x18: {  	s9 =	rddreg [dreg:$0x4]  }
0x19: {  	[tilespmem:s4], [sflag:$0x1] =	stream.linear.gather [hbm4b:s9+s4], $0x80, $0x38;
	[tilespmem:$0x19200] =	vst v63  }
0x1a: {  	s19 =	rddreg [dreg:$0x5]  }
0x1b: {  	[tilespmem:s21], [sflag:$0x3] =	stream.linear.gather [hbm4b:s10+s4], $0x80, $0x38;
	[tilespmem:$0x19200] =	vst v63  }
0x1c: {  	s20 =	rddreg [dreg:$0x6]  }
0x1d: {  	[tilespmem:s22], [sflag:$0x2] =	stream.linear.gather [hbm4b:s19+s4], $0x80, $0x38;
	[tilespmem:$0x19200] =	vst v63  }
0x1e: {  	s15 =	rddreg [dreg:$0x7]  }
0x1f: {  	[tilespmem:s12], [sflag:$0x4] =	stream.linear.gather [hbm4b:s20+s4], $0x80, $0x38;
	[tilespmem:$0x19200] =	vst v63  }
0x20: {  	[spmem:s23], [sflag:s14] =	dma.local [hbm:s15], $0x2800  }
0x21: {  	_ =	swait.ge [sflag:s24], $0x2800  }
0x22: {  	[sflag:s24] =	ssyncset.done $0x0  }
0x23: {  	[sflag:s24] =	ssyncadd.s32 $0xFFFFD800  }
0x24: {  	[bflag:$0x0] =	sbarrier.arrive $0xFFFF  }
0x25: {  	_ =	swait.ge [sflag:s25], $0x80  }
0x26: {  	[sflag:s25] =	ssyncset.done $0x0  }
0x27: {  	[sflag:s25] =	ssyncadd.s32 $0xFFFFFF80  }
0x28: {  	[tilespmem:s28], [sflag:$0x5] =	stream.indirect.gather [hbm4b:s5+s26], $0x80, s4, s26, $0xb8;
	[tilespmem:$0x19200] =	vst v63  }
0x29: {  	s15 =	simm.s32 $0x100;
	_ =	swait.ge [sflag:s29], $0x80  }
0x2a: {  	s16 =	sand.u32 $0x7C00, s15;
	[sflag:s29] =	ssyncset.done $0x0  }
0x2b: {  	s15 =	sand.u32 $0x300, s15;
	s19 =	sadd.s32 s8, s16;
	[sflag:s29] =	ssyncadd.s32 $0xFFFFFF80  }
0x2c: {  	[tilespmem:s30], [sflag:$0x6] =	stream.indirect.gather [hbm4b:s5+s26], $0x80, s22, s26, $0xb8;
	[tilespmem:$0x19200] =	vst v63  }
0x2d: {  	s19 =	sor.u32 s15, s19;
	_ =	swait.ge [sflag:s31], $0x2800  }
0x2e: {  	s19 =	sshrl.u32 s19, $0x3;
	[sflag:s31] =	ssyncset.done $0x0  }
0x2f: {  	s19 =	sadd.s32 s2, s19;
	[sflag:s31] =	ssyncadd.s32 $0xFFFFD800  }
0x30: {  	[tilespmem:s4], [sflag:$0x1] =	stream.linear.gather [hbm4b:s19+s4], $0x80, $0x38;
	[tilespmem:$0x19200] =	vst v63  }
0x31: {  	_ =	swait.ge [sflag:s1], $0x80  }
0x32: {  	[sflag:s1] =	ssyncset.done $0x0  }
0x33: {  	s16 =	sadd.s32 s7, s16;
	[sflag:s1] =	ssyncadd.s32 $0xFFFFFF80  }
0x34: {  	[spmem:s3] =	stream.indirect.scatter.add.f32 [tilespmem:s28], [sflag:$0x7], $0x80, s21, s26, $0xb8;
	[tilespmem:$0x19200] =	vst v63  }
0x35: {  	s15 =	sor.u32 s15, s16;
	_ =	swait.ge [sflag:s24], $0x2800  }
0x36: {  	s15 =	sshrl.u32 s15, $0x3;
	[sflag:s24] =	ssyncset.done $0x0  }
0x37: {  	s15 =	sadd.s32 s6, s15;
	[sflag:s24] =	ssyncadd.s32 $0xFFFFD800  }
0x38: {  	[tilespmem:s21], [sflag:$0x3] =	stream.linear.gather [hbm4b:s15+s4], $0x80, $0x38;
	[tilespmem:$0x19200] =	vst v63  }
0x39: {  	_ =	swait.ge [sflag:s25], $0x80  }
0x3a: {  	s16 =	sand.u32 $0x7C00, s12;
	[sflag:s25] =	ssyncset.done $0x0  }
0x3b: {  	s9 =	sand.u32 $0x380, s12;
	s20 =	sadd.s32 s8, s16;
	[sflag:s25] =	ssyncadd.s32 $0xFFFFFF80  }
0x3c: {  	[tilespmem:s28], [sflag:$0x5] =	stream.indirect.gather [hbm4b:s5+s26], $0x80, s4, s26, $0xb8;
	[tilespmem:$0x19200] =	vst v63  }
0x3d: {  	s19 =	sor.u32 s9, s20;
	_ =	swait.ge [sflag:s0], $0x2800  }
0x3e: {  	s19 =	sshrl.u32 s19, $0x3;
	[sflag:s0] =	ssyncset.done $0x0  }
0x3f: {  	s19 =	sadd.s32 s2, s19;
	[sflag:s0] =	ssyncadd.s32 $0xFFFFD800  }
0x40: {  	[tilespmem:s22], [sflag:$0x2] =	stream.linear.gather [hbm4b:s19+s4], $0x80, $0x38;
	[tilespmem:$0x19200] =	vst v63  }
0x41: {  	_ =	swait.ge [sflag:s11], $0x80  }
0x42: {  	s15 =	sadd.s32 s7, s16;
	[sflag:s11] =	ssyncset.done $0x0  }
0x43: {  	s15 =	sor.u32 s9, s15;
	[sflag:s11] =	ssyncadd.s32 $0xFFFFFF80  }
0x44: {  	[spmem:s3] =	stream.indirect.scatter.add.f32 [tilespmem:s30], [sflag:$0x7], $0x80, s12, s26, $0xb8;
	[tilespmem:$0x19200] =	vst v63  }
0x45: {  	s16 =	sshrl.u32 s15, $0x3;
	_ =	swait.ge [sflag:s24], $0x2800  }
0x46: {  	s15 =	simm.s32 $0x280;
	s16 =	sadd.s32 s6, s16;
	[sflag:s24] =	ssyncset.done $0x0  }
.LBB2_2:
0x47: {  	p0 =	sne.s32 s15, $0x3E80  }
0x48: {  	[sflag:s24] =	ssyncadd.s32 $0xFFFFD800;
	s19 =	smov.u32 s15;
	s15 =	sadd.s32 $0x100, s15  }
0x49: {  	[tilespmem:s12], [sflag:$0x4] =	stream.linear.gather [hbm4b:s16+s4], $0x80, $0x38;
	[tilespmem:$0x19200] =	vst v63  }
0x4a: {  	s16 =	sadd.s32 $0xFFFFFF80, s19;
	_ =	swait.ge [sflag:s29], $0x80  }
0x4b: {  	s20 =	sand.u32 $0x7C00, s16;
	s16 =	sand.u32 $0x300, s16;
	[sflag:s29] =	ssyncset.done $0x0  }
0x4c: {  	s9 =	sadd.s32 s8, s20;
	s20 =	sadd.s32 s7, s20;
	[sflag:s29] =	ssyncadd.s32 $0xFFFFFF80  }
0x4d: {  	[tilespmem:s30], [sflag:$0x6] =	stream.indirect.gather [hbm4b:s5+s26], $0x80, s22, s26, $0xb8;
	[tilespmem:$0x19200] =	vst v63  }
0x4e: {  	s9 =	sor.u32 s16, s9;
	s16 =	sor.u32 s16, s20;
	_ =	swait.ge [sflag:s31], $0x2800  }
0x4f: {  	s9 =	sshrl.u32 s9, $0x3;
	s16 =	sshrl.u32 s16, $0x3;
	[sflag:s31] =	ssyncset.done $0x0  }
0x50: {  	s9 =	sadd.s32 s2, s9;
	[sflag:s31] =	ssyncadd.s32 $0xFFFFD800  }
0x51: {  	[tilespmem:s4], [sflag:$0x1] =	stream.linear.gather [hbm4b:s9+s4], $0x80, $0x38;
	[tilespmem:$0x19200] =	vst v63  }
0x52: {  	_ =	swait.ge [sflag:s1], $0x80  }
0x53: {  	[sflag:s1] =	ssyncset.done $0x0  }
0x54: {  	[sflag:s1] =	ssyncadd.s32 $0xFFFFFF80  }
0x55: {  	[spmem:s3] =	stream.indirect.scatter.add.f32 [tilespmem:s28], [sflag:$0x7], $0x80, s21, s26, $0xb8;
	[tilespmem:$0x19200] =	vst v63  }
0x56: {  	_ =	swait.ge [sflag:s24], $0x2800  }
0x57: {  	s9 =	sadd.s32 s6, s16;
	[sflag:s24] =	ssyncset.done $0x0  }
0x58: {  	[sflag:s24] =	ssyncadd.s32 $0xFFFFD800  }
0x59: {  	[tilespmem:s21], [sflag:$0x3] =	stream.linear.gather [hbm4b:s9+s4], $0x80, $0x38;
	[tilespmem:$0x19200] =	vst v63  }
0x5a: {  	_ =	swait.ge [sflag:s25], $0x80  }
0x5b: {  	s16 =	sand.u32 $0x380, s19;
	s9 =	sand.u32 $0x7C00, s19;
	[sflag:s25] =	ssyncset.done $0x0  }
0x5c: {  	s19 =	sadd.s32 s8, s9;
	s9 =	sadd.s32 s7, s9;
	[sflag:s25] =	ssyncadd.s32 $0xFFFFFF80  }
0x5d: {  	[tilespmem:s28], [sflag:$0x5] =	stream.indirect.gather [hbm4b:s5+s26], $0x80, s4, s26, $0xb8;
	[tilespmem:$0x19200] =	vst v63  }
0x5e: {  	s19 =	sor.u32 s16, s19;
	s9 =	sor.u32 s16, s9;
	_ =	swait.ge [sflag:s0], $0x2800  }
0x5f: {  	s16 =	sshrl.u32 s19, $0x3;
	s9 =	sshrl.u32 s9, $0x3;
	[sflag:s0] =	ssyncset.done $0x0  }
0x60: {  	s16 =	sadd.s32 s2, s16;
	[sflag:s0] =	ssyncadd.s32 $0xFFFFD800  }
0x61: {  	[tilespmem:s22], [sflag:$0x2] =	stream.linear.gather [hbm4b:s16+s4], $0x80, $0x38;
	[tilespmem:$0x19200] =	vst v63  }
0x62: {  	_ =	swait.ge [sflag:s11], $0x80  }
.Ltmp0:
0x63: {  	[sflag:s11] =	ssyncset.done $0x0;
	(pc) =	sbr.rel @p0 .LBB2_2-.Ltmp0, $4  }
0x64: {  	[sflag:s11] =	ssyncadd.s32 $0xFFFFFF80  }
0x65: {  	[spmem:s3] =	stream.indirect.scatter.add.f32 [tilespmem:s30], [sflag:$0x7], $0x80, s12, s26, $0xb8;
	[tilespmem:$0x19200] =	vst v63  }
0x66: {  	_ =	swait.ge [sflag:s24], $0x2800  }
0x67: {  	s16 =	sadd.s32 s6, s9;
	[sflag:s24] =	ssyncset.done $0x0  }
0x68: {  	[sflag:s24] =	ssyncadd.s32 $0xFFFFD800  }
0x69: {  	[tilespmem:s12], [sflag:$0x4] =	stream.linear.gather [hbm4b:s16+s4], $0x80, $0x38;
	[tilespmem:$0x19200] =	vst v63  }
0x6a: {  	_ =	swait.ge [sflag:s29], $0x80  }
0x6b: {  	[sflag:s29] =	ssyncset.done $0x0  }
0x6c: {  	[sflag:s29] =	ssyncadd.s32 $0xFFFFFF80  }
0x6d: {  	[tilespmem:s30], [sflag:$0x6] =	stream.indirect.gather [hbm4b:s5+s26], $0x80, s22, s26, $0xb8;
	[tilespmem:$0x19200] =	vst v63  }
0x6e: {  	_ =	swait.ge [sflag:s31], $0x2800  }
0x6f: {  	[sflag:s31] =	ssyncset.done $0x0  }
0x70: {  	s9 =	rddreg [dreg:$0xa];
	[sflag:s31] =	ssyncadd.s32 $0xFFFFD800  }
0x71: {  	[tilespmem:s4], [sflag:$0x1] =	stream.linear.gather [hbm4b:s9+s4], $0x80, $0x38;
	[tilespmem:$0x19200] =	vst v63  }
0x72: {  	_ =	swait.ge [sflag:s1], $0x80  }
0x73: {  	[sflag:s1] =	ssyncset.done $0x0  }
0x74: {  	[sflag:s1] =	ssyncadd.s32 $0xFFFFFF80  }
0x75: {  	[spmem:s3] =	stream.indirect.scatter.add.f32 [tilespmem:s28], [sflag:$0x7], $0x80, s21, s26, $0xb8;
	[tilespmem:$0x19200] =	vst v63  }
0x76: {  	_ =	swait.ge [sflag:s24], $0x2800  }
0x77: {  	[sflag:s24] =	ssyncset.done $0x0  }
0x78: {  	s16 =	rddreg [dreg:$0xb];
	[sflag:s24] =	ssyncadd.s32 $0xFFFFD800  }
0x79: {  	[tilespmem:s21], [sflag:$0x3] =	stream.linear.gather [hbm4b:s16+s4], $0x80, $0x38;
	[tilespmem:$0x19200] =	vst v63  }
0x7a: {  	_ =	swait.ge [sflag:s25], $0x80  }
0x7b: {  	[sflag:s25] =	ssyncset.done $0x0  }
0x7c: {  	[sflag:s25] =	ssyncadd.s32 $0xFFFFFF80  }
0x7d: {  	[tilespmem:s28], [sflag:$0x5] =	stream.indirect.gather [hbm4b:s5+s26], $0x80, s4, s26, $0xb8;
	[tilespmem:$0x19200] =	vst v63  }
0x7e: {  	_ =	swait.ge [sflag:s0], $0x2800  }
0x7f: {  	[sflag:s0] =	ssyncset.done $0x0  }
0x80: {  	[sflag:s0] =	ssyncadd.s32 $0xFFFFD800  }
0x81: {  	[tilespmem:s22], [sflag:$0x2] =	stream.linear.gather [hbm4b:s17+s4], $0x80, $0x38;
	[tilespmem:$0x19200] =	vst v63  }
0x82: {  	_ =	swait.ge [sflag:s11], $0x80  }
0x83: {  	[sflag:s11] =	ssyncset.done $0x0  }
0x84: {  	[sflag:s11] =	ssyncadd.s32 $0xFFFFFF80  }
0x85: {  	[spmem:s3] =	stream.indirect.scatter.add.f32 [tilespmem:s30], [sflag:$0x7], $0x80, s12, s26, $0xb8;
	[tilespmem:$0x19200] =	vst v63  }
0x86: {  	_ =	swait.ge [sflag:s24], $0x2800  }
0x87: {  	[sflag:s24] =	ssyncset.done $0x0  }
0x88: {  	[sflag:s24] =	ssyncadd.s32 $0xFFFFD800  }
0x89: {  	[tilespmem:s12], [sflag:$0x4] =	stream.linear.gather [hbm4b:s18+s4], $0x80, $0x38;
	[tilespmem:$0x19200] =	vst v63  }
0x8a: {  	_ =	swait.ge [sflag:s29], $0x80  }
0x8b: {  	[sflag:s29] =	ssyncset.done $0x0  }
0x8c: {  	[sflag:s29] =	ssyncadd.s32 $0xFFFFFF80  }
0x8d: {  	[tilespmem:s30], [sflag:$0x6] =	stream.indirect.gather [hbm4b:s5+s26], $0x80, s22, s26, $0xb8;
	[tilespmem:$0x19200] =	vst v63  }
0x8e: {  	_ =	swait.ge [sflag:s31], $0x2800  }
0x8f: {  	[sflag:s31] =	ssyncset.done $0x0  }
0x90: {  	[sflag:s31] =	ssyncadd.s32 $0xFFFFD800  }
0x91: {  	[tilespmem:s4], [sflag:$0x1] =	stream.linear.gather [hbm4b:s17+s4], $0x80, $0x38;
	[tilespmem:$0x19200] =	vst v63  }
0x92: {  	_ =	swait.ge [sflag:s1], $0x80  }
0x93: {  	[sflag:s1] =	ssyncset.done $0x0  }
0x94: {  	[sflag:s1] =	ssyncadd.s32 $0xFFFFFF80  }
0x95: {  	[spmem:s3] =	stream.indirect.scatter.add.f32 [tilespmem:s28], [sflag:$0x7], $0x80, s21, s26, $0xb8;
	[tilespmem:$0x19200] =	vst v63  }
0x96: {  	_ =	swait.ge [sflag:s24], $0x2800  }
0x97: {  	[sflag:s24] =	ssyncset.done $0x0  }
0x98: {  	[sflag:s24] =	ssyncadd.s32 $0xFFFFD800  }
0x99: {  	[tilespmem:s21], [sflag:$0x3] =	stream.linear.gather [hbm4b:s18+s4], $0x80, $0x38;
	[tilespmem:$0x19200] =	vst v63  }
0x9a: {  	_ =	swait.ge [sflag:s25], $0x80  }
0x9b: {  	[sflag:s25] =	ssyncset.done $0x0  }
0x9c: {  	[sflag:s25] =	ssyncadd.s32 $0xFFFFFF80  }
0x9d: {  	[tilespmem:s28], [sflag:$0x5] =	stream.indirect.gather [hbm4b:s5+s26], $0x80, s4, s26, $0xb8;
	[tilespmem:$0x19200] =	vst v63  }
0x9e: {  	_ =	swait.ge [sflag:s0], $0x2800  }
0x9f: {  	[sflag:s0] =	ssyncset.done $0x0  }
0xa0: {  	[sflag:s0] =	ssyncadd.s32 $0xFFFFD800  }
0xa1: {  	[tilespmem:s22], [sflag:$0x2] =	stream.linear.gather [hbm4b:s17+s4], $0x80, $0x38;
	[tilespmem:$0x19200] =	vst v63  }
0xa2: {  	_ =	swait.ge [sflag:s11], $0x80  }
0xa3: {  	[sflag:s11] =	ssyncset.done $0x0  }
0xa4: {  	[sflag:s11] =	ssyncadd.s32 $0xFFFFFF80  }
0xa5: {  	[spmem:s3] =	stream.indirect.scatter.add.f32 [tilespmem:s30], [sflag:$0x7], $0x80, s12, s26, $0xb8;
	[tilespmem:$0x19200] =	vst v63  }
0xa6: {  	_ =	swait.ge [sflag:s24], $0x2800  }
0xa7: {  	[sflag:s24] =	ssyncset.done $0x0  }
0xa8: {  	[sflag:s24] =	ssyncadd.s32 $0xFFFFD800  }
0xa9: {  	[tilespmem:s12], [sflag:$0x4] =	stream.linear.gather [hbm4b:s18+s4], $0x80, $0x38;
	[tilespmem:$0x19200] =	vst v63  }
0xaa: {  	_ =	swait.ge [sflag:s31], $0x2800  }
0xab: {  	[sflag:s31] =	ssyncset.done $0x0  }
0xac: {  	[sflag:s31] =	ssyncadd.s32 $0xFFFFD800  }
0xad: {  	_ =	swait.ge [sflag:s29], $0x80  }
0xae: {  	[sflag:s29] =	ssyncset.done $0x0  }
0xaf: {  	[sflag:s29] =	ssyncadd.s32 $0xFFFFFF80  }
0xb0: {  	_ =	swait.ge [sflag:s1], $0x80  }
0xb1: {  	[sflag:s1] =	ssyncset.done $0x0  }
0xb2: {  	[sflag:s1] =	ssyncadd.s32 $0xFFFFFF80  }
0xb3: {  	_ =	swait.ge [sflag:s11], $0x80  }
0xb4: {  	[sflag:s11] =	ssyncset.done $0x0  }
0xb5: {  	[sflag:s11] =	ssyncadd.s32 $0xFFFFFF80  }
0xb6: {  	[bflag:$0x0] =	sbarrier.arrive $0xFFFF  }
0xb7: {  	s19 =	rddreg [dreg:$0x8]  }
0xb8: {  	[hbm:s19], [sflag:s14] =	dma.local [spmem:s23], $0x2800  }
0xb9: {  	_ =	swait.ge [sflag:s24], $0x2800  }
0xba: {  	s13 =	sadd.s32 $0x1, s13;
	s20 =	rddreg [dreg:$0x9]  }
0xbb: {  	p0 =	sne.s32 s13, s20  }
.Ltmp1:
0xbc: {  	_ = 	snop;
	(pc) =	sbr.rel @p0 .LBB2_1-.Ltmp1, $3  }
0xbd: {  	_ =	sdelay $0x1  }
0xbe: {  	[sflag:s24] =	ssyncset.done $0x0  }
0xbf: {  	[sflag:s24] =	ssyncadd.s32 $0xFFFFD800  }
0xc0: {  	_ =	sfence.sel $0x180000  }
0xc1: {  	[bflag:$0x0] =	sbarrier.arrive $0xFFFF  }
0xc2: {  	_ =	strace $0x9000004D  }
0xc3: {  	s0 =	stileid.u32;
	[bflag:$0x2] =	sbarrier.arrive $0xFFFF  }
0xc4: {  	p0 =	sne.s32 s0, $0x0;
	s0 =	rddreg [dreg:$0x3]  }
0xc5: {  	s0 =	sadd.s32 @!p0 $0x100000, s0  }
0xc6: {  	[sflag:s0] =	ssyncadd.tile.s32 @!p0 $0x1;
	_ =	shalt  }
.Lfunc_end2:
_tile_overlayer_lowered:
.L_overlay_start_2:
0xc7: {  	(tag) =	ssettag $0x2  }
0xc8: {  	s0 =	rddreg [dreg:$0x0];
	s2 =	stileid.u32  }
0xc9: {  	s1 =	rddreg [dreg:$0x1];
	p0 =	sne.s32 s2, $0x0  }
0xca: {  	s3 =	rddreg [dreg:$0x2];
	[bflag:$0x3] =	sbarrier.arrive $0xFFFF;
	s2 =	simm.s32 @!p0 $0x1C07  }
0xcb: {  	[timem:s3], [sflag:s2] =	dma.local @!p0 [hbm:s0], s1  }
0xcc: {  	s0 =	simm.s32 @!p0 $0x7  }
0xcd: {  	_ =	swait.ge @!p0 [sflag:s0], s1  }
0xce: {  	s1 =	ssub.s32 @!p0 $0x0, s1;
	[sflag:s0] =	ssyncset.done @!p0 $0x0  }
0xcf: {  	[sflag:s0] =	ssyncadd.s32 @!p0 s1  }
0xd0: {  	[bflag:$0x3] =	sbarrier.arrive $0xFFFF  }
0xd1: {  	_ =	shalt  }

// kernel: kernel.19.cloned.1.call-start
scs
__scs_entry_jumppad:
0x0: {  	(pc) =	sbr.rel $0x88, $3  }
0x1: {  	(tag) =	ssettag $0x0;
	lr =	simm.s32 $0x1  }
0x2: {  	[smem:$0x3F8B] =	sst lr;
	_ =	strace $0xD0000000  }
0x3: {  	_ = 	snop  }
0x4: {  	_ = 	snop  }
0x5: {  	_ = 	snop  }
0x6: {  	_ = 	snop  }
0x7: {  	_ = 	snop  }
__scs_overlays_trampoline_lowered:
0x8: {  	[smem:$0x3F9A] =	sst s0  }
0x9: {  	[smem:$0x3F9B] =	sst s1  }
0xa: {  	[smem:$0x3F9C] =	sst s2  }
0xb: {  	[smem:$0x3F9D] =	sst s3  }
0xc: {  	[smem:$0x3F9E] =	sst s4  }
0xd: {  	[smem:$0x3F9F] =	sst s5  }
0xe: {  	[smem:$0x3FA0] =	sst s6  }
0xf: {  	[smem:$0x3FA1] =	sst s7  }
0x10: {  	[smem:$0x3FA2] =	sst s8  }
0x11: {  	[smem:$0x3FA3] =	sst s9;
	s0 =	simm.s32 @!p0 $0x0  }
0x12: {  	s1 =	sld [smem:$0x3F89];
	s0 =	simm.s32 @p0 $0x1  }
0x13: {  	[smem:$0x3FA4] =	sst s0;
	s0 =	simm.s32 @!p1 $0x0  }
0x14: {  	s2 =	sld [smem:$0x3F88];
	s0 =	simm.s32 @p1 $0x1  }
0x15: {  	[smem:$0x3FA5] =	sst s0;
	s0 =	simm.s32 @!p2 $0x0  }
0x16: {  	s3 =	sld [smem:$0x3FDB];
	s0 =	simm.s32 @p2 $0x1  }
0x17: {  	s4 =	simm.s32 $0x1BF5;
	[smem:$0x3FA7] =	sst s0  }
0x18: {  	s0 =	sld [smem:$0x3F8A];
	_ =	swait.ge [sflag:s4], $0x0  }
0x19: {  	s7 =	sld [smem:$0x3F8B]  }
0x1a: {  	s8 =	sadd.s32 $0xFFFFE003, lr  }
0x1b: {  	s9 =	sadd.s32 $0xFFFFFEF7, lr;
	s5 =	simm.s32 $0xFFFFFFFF;
	p2 =	slt.u32 s8, $0xFFFFF086  }
0x1c: {  	p1 =	slt.u32 s9, $0xF7A;
	s5 =	simm.s32 @!p2 $0x0  }
0x1d: {  	s5 =	simm.s32 @p1 $0x1;
	p0 =	seq.s32 s7, s2  }
0x1e: {  	s7 =	smul.u32 @!p0 $0xF7A, s2;
	p2 =	seq.s32 @!p0 s5, $0x0  }
0x1f: {  	s9 =	smul.u32 $0xF7A, s1;
	s8 =	simm.s32 @!p0 $0x1BF5;
	p2 =	por !p2, p0  }
0x20: {  	[sflag:s8] =	ssyncset.s32 @!p0 $0xFFFFF086;
	s6 =	sadd.s32 @!p0 s3, s7;
	s7 =	simm.s32 @!p0 $0x108  }
0x21: {  	s3 =	sadd.s32 s3, s9;
	s6 =	sadd.s32 @!p0 $0x88, s6;
	s7 =	simm.s32 @p2 $0x1082  }
0x22: {  	[simem:s7], [sflag:s8] =	dma.local @!p0 [hbm:s6], $0xF7A  }
0x23: {  	s9 =	sor.u32 $0xD0000000, s2;
	s6 =	simm.s32 $0x108;
	_ =	swait.ge @!p0 [sflag:s8], $0x0  }
0x24: {  	s3 =	sadd.s32 $0x88, s3;
	s6 =	simm.s32 @!p1 $0x1082;
	[sflag:s4] =	ssyncset.s32 $0xFFFFF086  }
0x25: {  	[simem:s6], [sflag:s4] =	dma.local [hbm:s3], $0xF7A  }
0x26: {  	[smem:$0x3F8B] =	sst s1;
	(tag) =	ssettag s2;
	_ =	strace s9  }
0x27: {  	s1 =	sld [smem:$0x3F9B]  }
0x28: {  	s2 =	sld [smem:$0x3F9C]  }
0x29: {  	s4 =	sld [smem:$0x3F9E]  }
0x2a: {  	p0 =	seq.s32 s5, $0x0;
	s5 =	sld [smem:$0x3F9F]  }
0x2b: {  	s6 =	sld [smem:$0x3FA0]  }
0x2c: {  	s7 =	sld [smem:$0x3FA1]  }
0x2d: {  	s3 =	simm.s32 $0x108;
	s8 =	sld [smem:$0x3FA2]  }
0x2e: {  	s3 =	simm.s32 @!p0 $0x1082;
	s9 =	sld [smem:$0x3FA3]  }
0x2f: {  	lr =	sadd.s32 s0, s3;
	s0 =	sld [smem:$0x3F9A]  }
0x30: {  	s3 =	sld [smem:$0x3F9D]  }
0x31: {  	[smem:$0x3FA6] =	sst s10  }
0x32: {  	s10 =	sld [smem:$0x3FA4];
	_ =	sdelay $0x3  }
0x33: {  	p0 =	seq.s32 s10, $0x1;
	s10 =	sld [smem:$0x3FA6];
	_ =	sdelay $0x3  }
0x34: {  	[smem:$0x3FA6] =	sst s10  }
0x35: {  	s10 =	sld [smem:$0x3FA5];
	_ =	sdelay $0x3  }
0x36: {  	p1 =	seq.s32 s10, $0x1;
	s10 =	sld [smem:$0x3FA6];
	_ =	sdelay $0x3  }
0x37: {  	[smem:$0x3FA6] =	sst s10  }
0x38: {  	s10 =	sld [smem:$0x3FA7]  }
0x39: {  	_ = 	snop;
	(pc) =	sbr.ind lr, $3  }
0x3a: {  	_ = 	snop  }
0x3b: {  	_ = 	snop  }
0x3c: {  	p2 =	seq.s32 s10, $0x1;
	s10 =	sld [smem:$0x3FA6]  }
0x3d: {  	_ =	shalt  }
0x3e: {  	_ =	shalt  }
0x3f: {  	_ =	shalt  }
0x40: {  	_ =	shalt  }
0x41: {  	_ =	shalt  }
0x42: {  	_ =	shalt  }
0x43: {  	_ =	shalt  }
0x44: {  	_ =	shalt  }
0x45: {  	_ =	shalt  }
0x46: {  	_ =	shalt  }
0x47: {  	_ =	shalt  }
0x48: {  	_ =	shalt  }
0x49: {  	_ =	shalt  }
0x4a: {  	_ =	shalt  }
0x4b: {  	_ =	shalt  }
0x4c: {  	_ =	shalt  }
0x4d: {  	_ =	shalt  }
0x4e: {  	_ =	shalt  }
0x4f: {  	_ =	shalt  }
0x50: {  	_ =	shalt  }
0x51: {  	_ =	shalt  }
0x52: {  	_ =	shalt  }
0x53: {  	_ =	shalt  }
0x54: {  	_ =	shalt  }
0x55: {  	_ =	shalt  }
0x56: {  	_ =	shalt  }
0x57: {  	_ =	shalt  }
0x58: {  	_ =	shalt  }
0x59: {  	_ =	shalt  }
0x5a: {  	_ =	shalt  }
0x5b: {  	_ =	shalt  }
0x5c: {  	_ =	shalt  }
0x5d: {  	_ =	shalt  }
0x5e: {  	_ =	shalt  }
0x5f: {  	_ =	shalt  }
0x60: {  	_ =	shalt  }
0x61: {  	_ =	shalt  }
0x62: {  	_ =	shalt  }
0x63: {  	_ =	shalt  }
0x64: {  	_ =	shalt  }
0x65: {  	_ =	shalt  }
0x66: {  	_ =	shalt  }
0x67: {  	_ =	shalt  }
0x68: {  	_ =	shalt  }
0x69: {  	_ =	shalt  }
0x6a: {  	_ =	shalt  }
0x6b: {  	_ =	shalt  }
0x6c: {  	_ =	shalt  }
0x6d: {  	_ =	shalt  }
0x6e: {  	_ =	shalt  }
0x6f: {  	_ =	shalt  }
0x70: {  	_ =	shalt  }
0x71: {  	_ =	shalt  }
0x72: {  	_ =	shalt  }
0x73: {  	_ =	shalt  }
0x74: {  	_ =	shalt  }
0x75: {  	_ =	shalt  }
0x76: {  	_ =	shalt  }
0x77: {  	_ =	shalt  }
0x78: {  	_ =	shalt  }
0x79: {  	_ =	shalt  }
0x7a: {  	_ =	shalt  }
0x7b: {  	_ =	shalt  }
0x7c: {  	_ =	shalt  }
0x7d: {  	_ =	shalt  }
0x7e: {  	_ =	shalt  }
0x7f: {  	_ =	shalt  }
0x80: {  	_ =	shalt  }
0x81: {  	_ =	shalt  }
0x82: {  	_ =	shalt  }
0x83: {  	_ =	shalt  }
0x84: {  	_ =	shalt  }
0x85: {  	_ =	shalt  }
0x86: {  	_ =	shalt  }
0x87: {  	_ =	shalt  }
.Lfunc_end0:
.L_simem_size_0:
called_computation.3_lowered:
.L_overlay_start_0:
0x88: {  	s2 =	sld [smem:$0x3FD9]  }
0x89: {  	s3 =	sld [smem:$0x3FFE];
	_ =	sdelay $0x1  }
0x8a: {  	s1 =	srdreg.scid  }
0x8b: {  	s0 =	sand.u32 $0x1, s1  }
0x8c: {  	s17 =	sshll.u32 s0, $0xA;
	s2 =	sadd.s32 s3, s2  }
0x8d: {  	s2 =	sadd.s32 s2, s17  }
0x8e: {  	[smem:$0x3FB2] =	sst s2  }
0x8f: {  	_ = 	snop  }
0x90: {  	s2 =	sld [smem:$0x3FD0];
	(tm) =	ssettm $0x1  }
0x91: {  	s18 =	sld [smem:$0x3FFB];
	_ =	sdelay $0x3  }
0x92: {  	_ =	strace s18  }
0x93: {  	s3 =	sld [smem:$0x3FFC];
	_ =	sdelay $0x3  }
0x94: {  	_ =	strace s3  }
0x95: {  	s3 =	sld [smem:$0x3FFD];
	_ =	sdelay $0x3  }
0x96: {  	_ =	strace s3  }
0x97: {  	_ =	strace $0x8FFFFFFF  }
0x98: {  	s19 =	sld [smem:$0x3FDB];
	_ =	sdelay $0x1  }
0x99: {  	s4 =	simm.s32 $_scs_section_size  }
0x9a: {  	s5 =	simm.s32 $_size__tile_overlayer_lowered;
	s6 =	simm.s32 $_tile_overlayer_lowered  }
0x9b: {  	s22 =	simm.s32 $0x1BFF;
	s21 =	sshll.u32 s6, $0x1;
	s3 =	sadd.s32 s4, s19  }
0x9c: {  	s7 =	simm.s32 $0x0;
	s20 =	sshll.u32 s5, $0x1;
	s5 =	sadd.s32 s21, s3  }
0x9d: {  	[timem:s7], [sflag:s22] =	dma.local [hbm:s5], s20  }
0x9e: {  	_ =	swait.ge [sflag:s22], s20  }
0x9f: {  	s4 =	ssub.s32 $0x0, s20;
	[sflag:s22] =	ssyncset.done $0x0  }
0xa0: {  	[sflag:s22] =	ssyncadd.s32 s4;
	_ =	sdelay $0x1  }
0xa1: {  	s23 =	simm.s32 $0x1B8B  }
0xa2: {  	_ =	swait.ge [sflag:s23], $0x1  }
0xa3: {  	[sflag:s23] =	ssyncset.done $0x0  }
0xa4: {  	s25 =	simm.s32 $0x1B8E;
	s24 =	sld [smem:$0x3FFE];
	[sflag:s23] =	ssyncadd.s32 $0xFFFFFFFF  }
0xa5: {  	s26 =	simm.s32 $execute0_lowered;
	[smem:$0x3FD2] =	sst s25  }
0xa6: {  	s5 =	sshll.u32 s26, $0x1;
	_ =	strace $0x8000004F;
	[dreg:$0x1] =	wrdreg $0xFFFFFFFF  }
0xa7: {  	s28 =	simm.s32 $_size_execute0_lowered;
	s3 =	sadd.s32 s3, s5;
	[dreg:$0x0] =	wrdreg $0x0  }
0xa8: {  	s5 =	sshll.u32 s28, $0x1;
	[dreg:$0x2] =	wrdreg s3  }
0xa9: {  	[dreg:$0x3] =	wrdreg s5  }
0xaa: {  	[dreg:$0x4] =	wrdreg $0xC0  }
0xab: {  	_ =	task [dreg:s7], $0x5FFFF  }
0xac: {  	[dreg:$0x1] =	wrdreg $0xFFFFFFFF  }
0xad: {  	[dreg:$0x0] =	wrdreg $0x60  }
0xae: {  	[dreg:$0x2] =	wrdreg s24  }
0xaf: {  	[dreg:$0x3] =	wrdreg s2  }
0xb0: {  	[dreg:$0x4] =	wrdreg $0x52000  }
0xb1: {  	[dreg:$0x5] =	wrdreg $0x9  }
0xb2: {  	_ =	task.clear_ibuf [dreg:s7], $0x6FFFF;
	_ =	strace $0x9000004F  }
0xb3: {  	s29 =	simm.s32 $0x9;
	_ =	strace $0x80000051  }
0xb4: {  	_ =	swait.ge [sflag:s29], $0x1  }
0xb5: {  	[sflag:s29] =	ssyncadd.s32 $0xFFFFFFFF  }
0xb6: {  	_ =	strace $0x90000051  }
0xb7: {  	_ =	sfence  }
0xb8: {  	s30 =	sld [smem:$0x0];
	_ =	sdelay $0x2  }
0xb9: {  	s31 =	sshll.u32 s1, $0xD;
	s1 =	sshrl.u32 s1, $0x2  }
0xba: {  	s3 =	sand.u32 $0x4000, s31;
	s1 =	sadd.s32 s1, s30  }
0xbb: {  	s0 =	sor.u32 s3, s0;
	s1 =	sshll.u32 s1, $0x11  }
0xbc: {  	s0 =	sor.u32 s1, s0  }
0xbd: {  	s0 =	sadd.s32 $0x8F2B, s0  }
0xbe: {  	[sflag:s0] =	ssyncadd.remote.s32 $0x1  }
0xbf: {  	_ =	sfence.sel $0xFFFF  }
0xc0: {  	[dreg:$0x0] =	wrdreg $0xFFFFFFFF;
	(pc) =	sbr.abs _section_cstart, $3  }
0xc1: {  	[dreg:$0x1] =	wrdreg $0xFFFFFFFF  }
0xc2: {  	_ =	task.clear_ibuf [dreg:s7], $0x2FFFF;
	_ =	strace $0x9FFFFFFF  }
0xc3: {  	(tm) =	ssettm $0x7FFFFFFF  }
tec
execute0_lowered:
.L_overlay_start_1:
0x0: {  	(tag) =	ssettag $0x1  }
0x1: {  	s0 =	rddreg [dreg:$0x0]  }
0x2: {  	s1 =	srdreg.scid;
	s2 =	rddreg [dreg:$0x1]  }
0x3: {  	s15 =	stileid.u32;
	s3 =	rddreg [dreg:$0x2];
	s4 =	simm.s32 $0x0  }
0x4: {  	s28 =	simm.s32 $0x200;
	s29 =	simm.s32 $0x2;
	s6 =	smul.u32 $0x14000, s15  }
0x5: {  	s30 =	simm.s32 $0x2A00;
	s31 =	simm.s32 $0x5;
	s13 =	smul.u32 $0x2800, s15  }
0x6: {  	s1 =	sand.u32 $0x1, s1;
	[smem:$0x7FF] =	sst s4;
	s14 =	smul.u32 $0x50000, s15  }
0x7: {  	s10 =	sshll.u32 s15, $0xB;
	s23 =	sshll.u32 s15, $0x6;
	s5 =	smul.u32 $0x140000, s1  }
0x8: {  	_ =	strace $0x80000050;
	s11 =	ssub.s32 $0x2, s1;
	s8 =	sshll.u32 s1, $0x12  }
0x9: {  	s1 =	smul.u32 $0x28000, s1;
	s12 =	sshrl.u32 s11, $0x1;
	s22 =	sshrl.u32 s14, $0x2  }
0xa: {  	s14 =	sor.u32 $0x1C07, s23;
	s5 =	sadd.s32 s6, s5;
	s6 =	sadd.s32 $0x4600, s0  }
0xb: {  	s11 =	ssub.s32 s11, s12;
	s1 =	sadd.s32 s13, s1;
	s12 =	sadd.s32 s22, s3  }
0xc: {  	s22 =	simm.s32 $0x80;
	s13 =	simm.s32 $0x0;
	s7 =	sshrl.u32 s5, $0x3  }
0xd: {  	s5 =	sadd.s32 $0x5C600, s0;
	s10 =	sadd.s32 s6, s10;
	s24 =	smax.u32 s11, $0x1  }
0xe: {  	s23 =	sshrl.u32 s12, $0x3;
	s11 =	simm.s32 $0x4;
	s12 =	simm.s32 $0x180  }
0xf: {  	s0 =	sadd.s32 s7, s0;
	s7 =	sshll.u32 s15, $0xE;
	s21 =	sadd.s32 $0x10, s10  }
0x10: {  	s1 =	sadd.s32 s5, s1;
	[dreg:$0x9] =	wrdreg s24;
	s18 =	sadd.s32 $0x7F0, s10  }
0x11: {  	s26 =	sadd.s32 $0x7E0, s10;
	s24 =	simm.s32 $0x7;
	[dreg:$0x6] =	wrdreg s21  }
0x12: {  	s8 =	sor.u32 s7, s8;
	[dreg:$0x7] =	wrdreg s1;
	s0 =	sadd.s32 $0xFC600, s0  }
0x13: {  	[dreg:$0xb] =	wrdreg s26;
	s21 =	simm.s32 $0x100;
	s9 =	sshrl.u32 s8, $0x3  }
0x14: {  	s26 =	simm.s32 $0x50;
	[dreg:$0x8] =	wrdreg s0;
	s9 =	sadd.s32 s2, s9  }
0x15: {  	s1 =	simm.s32 $0x3;
	s20 =	sadd.s32 $0x10, s9;
	[dreg:$0x4] =	wrdreg s9  }
0x16: {  	s0 =	simm.s32 $0x6;
	s25 =	sadd.s32 $0x7E0, s9;
	[dreg:$0x5] =	wrdreg s20  }
0x17: {  	s17 =	sadd.s32 $0x7F0, s9;
	[dreg:$0xa] =	wrdreg s25;
	s25 =	simm.s32 $0x1  }
.LBB2_1:
0x18: {  	s9 =	rddreg [dreg:$0x4]  }
0x19: {  	[tilespmem:s4], [sflag:$0x1] =	stream.linear.gather [hbm4b:s9+s4], $0x80, $0x38;
	[tilespmem:$0x19200] =	vst v63  }
0x1a: {  	s19 =	rddreg [dreg:$0x5]  }
0x1b: {  	[tilespmem:s21], [sflag:$0x3] =	stream.linear.gather [hbm4b:s10+s4], $0x80, $0x38;
	[tilespmem:$0x19200] =	vst v63  }
0x1c: {  	s20 =	rddreg [dreg:$0x6]  }
0x1d: {  	[tilespmem:s22], [sflag:$0x2] =	stream.linear.gather [hbm4b:s19+s4], $0x80, $0x38;
	[tilespmem:$0x19200] =	vst v63  }
0x1e: {  	s15 =	rddreg [dreg:$0x7]  }
0x1f: {  	[tilespmem:s12], [sflag:$0x4] =	stream.linear.gather [hbm4b:s20+s4], $0x80, $0x38;
	[tilespmem:$0x19200] =	vst v63  }
0x20: {  	[spmem:s23], [sflag:s14] =	dma.local [hbm:s15], $0x2800  }
0x21: {  	_ =	swait.ge [sflag:s24], $0x2800  }
0x22: {  	[sflag:s24] =	ssyncset.done $0x0  }
0x23: {  	[sflag:s24] =	ssyncadd.s32 $0xFFFFD800  }
0x24: {  	[bflag:$0x0] =	sbarrier.arrive $0xFFFF  }
0x25: {  	_ =	swait.ge [sflag:s25], $0x80  }
0x26: {  	[sflag:s25] =	ssyncset.done $0x0  }
0x27: {  	[sflag:s25] =	ssyncadd.s32 $0xFFFFFF80  }
0x28: {  	[tilespmem:s28], [sflag:$0x5] =	stream.indirect.gather [hbm4b:s5+s26], $0x80, s4, s26, $0xb8;
	[tilespmem:$0x19200] =	vst v63  }
0x29: {  	s15 =	simm.s32 $0x100;
	_ =	swait.ge [sflag:s29], $0x80  }
0x2a: {  	s16 =	sand.u32 $0x7C00, s15;
	[sflag:s29] =	ssyncset.done $0x0  }
0x2b: {  	s15 =	sand.u32 $0x300, s15;
	s19 =	sadd.s32 s8, s16;
	[sflag:s29] =	ssyncadd.s32 $0xFFFFFF80  }
0x2c: {  	[tilespmem:s30], [sflag:$0x6] =	stream.indirect.gather [hbm4b:s5+s26], $0x80, s22, s26, $0xb8;
	[tilespmem:$0x19200] =	vst v63  }
0x2d: {  	s19 =	sor.u32 s15, s19;
	_ =	swait.ge [sflag:s31], $0x2800  }
0x2e: {  	s19 =	sshrl.u32 s19, $0x3;
	[sflag:s31] =	ssyncset.done $0x0  }
0x2f: {  	s19 =	sadd.s32 s2, s19;
	[sflag:s31] =	ssyncadd.s32 $0xFFFFD800  }
0x30: {  	[tilespmem:s4], [sflag:$0x1] =	stream.linear.gather [hbm4b:s19+s4], $0x80, $0x38;
	[tilespmem:$0x19200] =	vst v63  }
0x31: {  	_ =	swait.ge [sflag:s1], $0x80  }
0x32: {  	[sflag:s1] =	ssyncset.done $0x0  }
0x33: {  	s16 =	sadd.s32 s7, s16;
	[sflag:s1] =	ssyncadd.s32 $0xFFFFFF80  }
0x34: {  	[spmem:s3] =	stream.indirect.scatter.add.f32 [tilespmem:s28], [sflag:$0x7], $0x80, s21, s26, $0xb8;
	[tilespmem:$0x19200] =	vst v63  }
0x35: {  	s15 =	sor.u32 s15, s16;
	_ =	swait.ge [sflag:s24], $0x2800  }
0x36: {  	s15 =	sshrl.u32 s15, $0x3;
	[sflag:s24] =	ssyncset.done $0x0  }
0x37: {  	s15 =	sadd.s32 s6, s15;
	[sflag:s24] =	ssyncadd.s32 $0xFFFFD800  }
0x38: {  	[tilespmem:s21], [sflag:$0x3] =	stream.linear.gather [hbm4b:s15+s4], $0x80, $0x38;
	[tilespmem:$0x19200] =	vst v63  }
0x39: {  	_ =	swait.ge [sflag:s25], $0x80  }
0x3a: {  	s16 =	sand.u32 $0x7C00, s12;
	[sflag:s25] =	ssyncset.done $0x0  }
0x3b: {  	s9 =	sand.u32 $0x380, s12;
	s20 =	sadd.s32 s8, s16;
	[sflag:s25] =	ssyncadd.s32 $0xFFFFFF80  }
0x3c: {  	[tilespmem:s28], [sflag:$0x5] =	stream.indirect.gather [hbm4b:s5+s26], $0x80, s4, s26, $0xb8;
	[tilespmem:$0x19200] =	vst v63  }
0x3d: {  	s19 =	sor.u32 s9, s20;
	_ =	swait.ge [sflag:s0], $0x2800  }
0x3e: {  	s19 =	sshrl.u32 s19, $0x3;
	[sflag:s0] =	ssyncset.done $0x0  }
0x3f: {  	s19 =	sadd.s32 s2, s19;
	[sflag:s0] =	ssyncadd.s32 $0xFFFFD800  }
0x40: {  	[tilespmem:s22], [sflag:$0x2] =	stream.linear.gather [hbm4b:s19+s4], $0x80, $0x38;
	[tilespmem:$0x19200] =	vst v63  }
0x41: {  	_ =	swait.ge [sflag:s11], $0x80  }
0x42: {  	s15 =	sadd.s32 s7, s16;
	[sflag:s11] =	ssyncset.done $0x0  }
0x43: {  	s15 =	sor.u32 s9, s15;
	[sflag:s11] =	ssyncadd.s32 $0xFFFFFF80  }
0x44: {  	[spmem:s3] =	stream.indirect.scatter.add.f32 [tilespmem:s30], [sflag:$0x7], $0x80, s12, s26, $0xb8;
	[tilespmem:$0x19200] =	vst v63  }
0x45: {  	s16 =	sshrl.u32 s15, $0x3;
	_ =	swait.ge [sflag:s24], $0x2800  }
0x46: {  	s15 =	simm.s32 $0x280;
	s16 =	sadd.s32 s6, s16;
	[sflag:s24] =	ssyncset.done $0x0  }
.LBB2_2:
0x47: {  	p0 =	sne.s32 s15, $0x3E80  }
0x48: {  	[sflag:s24] =	ssyncadd.s32 $0xFFFFD800;
	s19 =	smov.u32 s15;
	s15 =	sadd.s32 $0x100, s15  }
0x49: {  	[tilespmem:s12], [sflag:$0x4] =	stream.linear.gather [hbm4b:s16+s4], $0x80, $0x38;
	[tilespmem:$0x19200] =	vst v63  }
0x4a: {  	s16 =	sadd.s32 $0xFFFFFF80, s19;
	_ =	swait.ge [sflag:s29], $0x80  }
0x4b: {  	s20 =	sand.u32 $0x7C00, s16;
	s16 =	sand.u32 $0x300, s16;
	[sflag:s29] =	ssyncset.done $0x0  }
0x4c: {  	s9 =	sadd.s32 s8, s20;
	s20 =	sadd.s32 s7, s20;
	[sflag:s29] =	ssyncadd.s32 $0xFFFFFF80  }
0x4d: {  	[tilespmem:s30], [sflag:$0x6] =	stream.indirect.gather [hbm4b:s5+s26], $0x80, s22, s26, $0xb8;
	[tilespmem:$0x19200] =	vst v63  }
0x4e: {  	s9 =	sor.u32 s16, s9;
	s16 =	sor.u32 s16, s20;
	_ =	swait.ge [sflag:s31], $0x2800  }
0x4f: {  	s9 =	sshrl.u32 s9, $0x3;
	s16 =	sshrl.u32 s16, $0x3;
	[sflag:s31] =	ssyncset.done $0x0  }
0x50: {  	s9 =	sadd.s32 s2, s9;
	[sflag:s31] =	ssyncadd.s32 $0xFFFFD800  }
0x51: {  	[tilespmem:s4], [sflag:$0x1] =	stream.linear.gather [hbm4b:s9+s4], $0x80, $0x38;
	[tilespmem:$0x19200] =	vst v63  }
0x52: {  	_ =	swait.ge [sflag:s1], $0x80  }
0x53: {  	[sflag:s1] =	ssyncset.done $0x0  }
0x54: {  	[sflag:s1] =	ssyncadd.s32 $0xFFFFFF80  }
0x55: {  	[spmem:s3] =	stream.indirect.scatter.add.f32 [tilespmem:s28], [sflag:$0x7], $0x80, s21, s26, $0xb8;
	[tilespmem:$0x19200] =	vst v63  }
0x56: {  	_ =	swait.ge [sflag:s24], $0x2800  }
0x57: {  	s9 =	sadd.s32 s6, s16;
	[sflag:s24] =	ssyncset.done $0x0  }
0x58: {  	[sflag:s24] =	ssyncadd.s32 $0xFFFFD800  }
0x59: {  	[tilespmem:s21], [sflag:$0x3] =	stream.linear.gather [hbm4b:s9+s4], $0x80, $0x38;
	[tilespmem:$0x19200] =	vst v63  }
0x5a: {  	_ =	swait.ge [sflag:s25], $0x80  }
0x5b: {  	s16 =	sand.u32 $0x380, s19;
	s9 =	sand.u32 $0x7C00, s19;
	[sflag:s25] =	ssyncset.done $0x0  }
0x5c: {  	s19 =	sadd.s32 s8, s9;
	s9 =	sadd.s32 s7, s9;
	[sflag:s25] =	ssyncadd.s32 $0xFFFFFF80  }
0x5d: {  	[tilespmem:s28], [sflag:$0x5] =	stream.indirect.gather [hbm4b:s5+s26], $0x80, s4, s26, $0xb8;
	[tilespmem:$0x19200] =	vst v63  }
0x5e: {  	s19 =	sor.u32 s16, s19;
	s9 =	sor.u32 s16, s9;
	_ =	swait.ge [sflag:s0], $0x2800  }
0x5f: {  	s16 =	sshrl.u32 s19, $0x3;
	s9 =	sshrl.u32 s9, $0x3;
	[sflag:s0] =	ssyncset.done $0x0  }
0x60: {  	s16 =	sadd.s32 s2, s16;
	[sflag:s0] =	ssyncadd.s32 $0xFFFFD800  }
0x61: {  	[tilespmem:s22], [sflag:$0x2] =	stream.linear.gather [hbm4b:s16+s4], $0x80, $0x38;
	[tilespmem:$0x19200] =	vst v63  }
0x62: {  	_ =	swait.ge [sflag:s11], $0x80  }
.Ltmp0:
0x63: {  	[sflag:s11] =	ssyncset.done $0x0;
	(pc) =	sbr.rel @p0 .LBB2_2-.Ltmp0, $4  }
0x64: {  	[sflag:s11] =	ssyncadd.s32 $0xFFFFFF80  }
0x65: {  	[spmem:s3] =	stream.indirect.scatter.add.f32 [tilespmem:s30], [sflag:$0x7], $0x80, s12, s26, $0xb8;
	[tilespmem:$0x19200] =	vst v63  }
0x66: {  	_ =	swait.ge [sflag:s24], $0x2800  }
0x67: {  	s16 =	sadd.s32 s6, s9;
	[sflag:s24] =	ssyncset.done $0x0  }
0x68: {  	[sflag:s24] =	ssyncadd.s32 $0xFFFFD800  }
0x69: {  	[tilespmem:s12], [sflag:$0x4] =	stream.linear.gather [hbm4b:s16+s4], $0x80, $0x38;
	[tilespmem:$0x19200] =	vst v63  }
0x6a: {  	_ =	swait.ge [sflag:s29], $0x80  }
0x6b: {  	[sflag:s29] =	ssyncset.done $0x0  }
0x6c: {  	[sflag:s29] =	ssyncadd.s32 $0xFFFFFF80  }
0x6d: {  	[tilespmem:s30], [sflag:$0x6] =	stream.indirect.gather [hbm4b:s5+s26], $0x80, s22, s26, $0xb8;
	[tilespmem:$0x19200] =	vst v63  }
0x6e: {  	_ =	swait.ge [sflag:s31], $0x2800  }
0x6f: {  	[sflag:s31] =	ssyncset.done $0x0  }
0x70: {  	s9 =	rddreg [dreg:$0xa];
	[sflag:s31] =	ssyncadd.s32 $0xFFFFD800  }
0x71: {  	[tilespmem:s4], [sflag:$0x1] =	stream.linear.gather [hbm4b:s9+s4], $0x80, $0x38;
	[tilespmem:$0x19200] =	vst v63  }
0x72: {  	_ =	swait.ge [sflag:s1], $0x80  }
0x73: {  	[sflag:s1] =	ssyncset.done $0x0  }
0x74: {  	[sflag:s1] =	ssyncadd.s32 $0xFFFFFF80  }
0x75: {  	[spmem:s3] =	stream.indirect.scatter.add.f32 [tilespmem:s28], [sflag:$0x7], $0x80, s21, s26, $0xb8;
	[tilespmem:$0x19200] =	vst v63  }
0x76: {  	_ =	swait.ge [sflag:s24], $0x2800  }
0x77: {  	[sflag:s24] =	ssyncset.done $0x0  }
0x78: {  	s16 =	rddreg [dreg:$0xb];
	[sflag:s24] =	ssyncadd.s32 $0xFFFFD800  }
0x79: {  	[tilespmem:s21], [sflag:$0x3] =	stream.linear.gather [hbm4b:s16+s4], $0x80, $0x38;
	[tilespmem:$0x19200] =	vst v63  }
0x7a: {  	_ =	swait.ge [sflag:s25], $0x80  }
0x7b: {  	[sflag:s25] =	ssyncset.done $0x0  }
0x7c: {  	[sflag:s25] =	ssyncadd.s32 $0xFFFFFF80  }
0x7d: {  	[tilespmem:s28], [sflag:$0x5] =	stream.indirect.gather [hbm4b:s5+s26], $0x80, s4, s26, $0xb8;
	[tilespmem:$0x19200] =	vst v63  }
0x7e: {  	_ =	swait.ge [sflag:s0], $0x2800  }
0x7f: {  	[sflag:s0] =	ssyncset.done $0x0  }
0x80: {  	[sflag:s0] =	ssyncadd.s32 $0xFFFFD800  }
0x81: {  	[tilespmem:s22], [sflag:$0x2] =	stream.linear.gather [hbm4b:s17+s4], $0x80, $0x38;
	[tilespmem:$0x19200] =	vst v63  }
0x82: {  	_ =	swait.ge [sflag:s11], $0x80  }
0x83: {  	[sflag:s11] =	ssyncset.done $0x0  }
0x84: {  	[sflag:s11] =	ssyncadd.s32 $0xFFFFFF80  }
0x85: {  	[spmem:s3] =	stream.indirect.scatter.add.f32 [tilespmem:s30], [sflag:$0x7], $0x80, s12, s26, $0xb8;
	[tilespmem:$0x19200] =	vst v63  }
0x86: {  	_ =	swait.ge [sflag:s24], $0x2800  }
0x87: {  	[sflag:s24] =	ssyncset.done $0x0  }
0x88: {  	[sflag:s24] =	ssyncadd.s32 $0xFFFFD800  }
0x89: {  	[tilespmem:s12], [sflag:$0x4] =	stream.linear.gather [hbm4b:s18+s4], $0x80, $0x38;
	[tilespmem:$0x19200] =	vst v63  }
0x8a: {  	_ =	swait.ge [sflag:s29], $0x80  }
0x8b: {  	[sflag:s29] =	ssyncset.done $0x0  }
0x8c: {  	[sflag:s29] =	ssyncadd.s32 $0xFFFFFF80  }
0x8d: {  	[tilespmem:s30], [sflag:$0x6] =	stream.indirect.gather [hbm4b:s5+s26], $0x80, s22, s26, $0xb8;
	[tilespmem:$0x19200] =	vst v63  }
0x8e: {  	_ =	swait.ge [sflag:s31], $0x2800  }
0x8f: {  	[sflag:s31] =	ssyncset.done $0x0  }
0x90: {  	[sflag:s31] =	ssyncadd.s32 $0xFFFFD800  }
0x91: {  	[tilespmem:s4], [sflag:$0x1] =	stream.linear.gather [hbm4b:s17+s4], $0x80, $0x38;
	[tilespmem:$0x19200] =	vst v63  }
0x92: {  	_ =	swait.ge [sflag:s1], $0x80  }
0x93: {  	[sflag:s1] =	ssyncset.done $0x0  }
0x94: {  	[sflag:s1] =	ssyncadd.s32 $0xFFFFFF80  }
0x95: {  	[spmem:s3] =	stream.indirect.scatter.add.f32 [tilespmem:s28], [sflag:$0x7], $0x80, s21, s26, $0xb8;
	[tilespmem:$0x19200] =	vst v63  }
0x96: {  	_ =	swait.ge [sflag:s24], $0x2800  }
0x97: {  	[sflag:s24] =	ssyncset.done $0x0  }
0x98: {  	[sflag:s24] =	ssyncadd.s32 $0xFFFFD800  }
0x99: {  	[tilespmem:s21], [sflag:$0x3] =	stream.linear.gather [hbm4b:s18+s4], $0x80, $0x38;
	[tilespmem:$0x19200] =	vst v63  }
0x9a: {  	_ =	swait.ge [sflag:s25], $0x80  }
0x9b: {  	[sflag:s25] =	ssyncset.done $0x0  }
0x9c: {  	[sflag:s25] =	ssyncadd.s32 $0xFFFFFF80  }
0x9d: {  	[tilespmem:s28], [sflag:$0x5] =	stream.indirect.gather [hbm4b:s5+s26], $0x80, s4, s26, $0xb8;
	[tilespmem:$0x19200] =	vst v63  }
0x9e: {  	_ =	swait.ge [sflag:s0], $0x2800  }
0x9f: {  	[sflag:s0] =	ssyncset.done $0x0  }
0xa0: {  	[sflag:s0] =	ssyncadd.s32 $0xFFFFD800  }
0xa1: {  	[tilespmem:s22], [sflag:$0x2] =	stream.linear.gather [hbm4b:s17+s4], $0x80, $0x38;
	[tilespmem:$0x19200] =	vst v63  }
0xa2: {  	_ =	swait.ge [sflag:s11], $0x80  }
0xa3: {  	[sflag:s11] =	ssyncset.done $0x0  }
0xa4: {  	[sflag:s11] =	ssyncadd.s32 $0xFFFFFF80  }
0xa5: {  	[spmem:s3] =	stream.indirect.scatter.add.f32 [tilespmem:s30], [sflag:$0x7], $0x80, s12, s26, $0xb8;
	[tilespmem:$0x19200] =	vst v63  }
0xa6: {  	_ =	swait.ge [sflag:s24], $0x2800  }
0xa7: {  	[sflag:s24] =	ssyncset.done $0x0  }
0xa8: {  	[sflag:s24] =	ssyncadd.s32 $0xFFFFD800  }
0xa9: {  	[tilespmem:s12], [sflag:$0x4] =	stream.linear.gather [hbm4b:s18+s4], $0x80, $0x38;
	[tilespmem:$0x19200] =	vst v63  }
0xaa: {  	_ =	swait.ge [sflag:s31], $0x2800  }
0xab: {  	[sflag:s31] =	ssyncset.done $0x0  }
0xac: {  	[sflag:s31] =	ssyncadd.s32 $0xFFFFD800  }
0xad: {  	_ =	swait.ge [sflag:s29], $0x80  }
0xae: {  	[sflag:s29] =	ssyncset.done $0x0  }
0xaf: {  	[sflag:s29] =	ssyncadd.s32 $0xFFFFFF80  }
0xb0: {  	_ =	swait.ge [sflag:s1], $0x80  }
0xb1: {  	[sflag:s1] =	ssyncset.done $0x0  }
0xb2: {  	[sflag:s1] =	ssyncadd.s32 $0xFFFFFF80  }
0xb3: {  	_ =	swait.ge [sflag:s11], $0x80  }
0xb4: {  	[sflag:s11] =	ssyncset.done $0x0  }
0xb5: {  	[sflag:s11] =	ssyncadd.s32 $0xFFFFFF80  }
0xb6: {  	[bflag:$0x0] =	sbarrier.arrive $0xFFFF  }
0xb7: {  	s19 =	rddreg [dreg:$0x8]  }
0xb8: {  	[hbm:s19], [sflag:s14] =	dma.local [spmem:s23], $0x2800  }
0xb9: {  	_ =	swait.ge [sflag:s24], $0x2800  }
0xba: {  	s13 =	sadd.s32 $0x1, s13;
	s20 =	rddreg [dreg:$0x9]  }
0xbb: {  	p0 =	sne.s32 s13, s20  }
.Ltmp1:
0xbc: {  	_ = 	snop;
	(pc) =	sbr.rel @p0 .LBB2_1-.Ltmp1, $3  }
0xbd: {  	_ =	sdelay $0x1  }
0xbe: {  	[sflag:s24] =	ssyncset.done $0x0  }
0xbf: {  	[sflag:s24] =	ssyncadd.s32 $0xFFFFD800  }
0xc0: {  	_ =	sfence.sel $0x180000  }
0xc1: {  	[bflag:$0x0] =	sbarrier.arrive $0xFFFF  }
0xc2: {  	_ =	strace $0x90000050  }
0xc3: {  	s0 =	stileid.u32;
	[bflag:$0x2] =	sbarrier.arrive $0xFFFF  }
0xc4: {  	p0 =	sne.s32 s0, $0x0;
	s0 =	rddreg [dreg:$0x3]  }
0xc5: {  	s0 =	sadd.s32 @!p0 $0x100000, s0  }
0xc6: {  	[sflag:s0] =	ssyncadd.tile.s32 @!p0 $0x1;
	_ =	shalt  }
.Lfunc_end2:
_tile_overlayer_lowered:
.L_overlay_start_2:
0xc7: {  	(tag) =	ssettag $0x2  }
0xc8: {  	s0 =	rddreg [dreg:$0x0];
	s2 =	stileid.u32  }
0xc9: {  	s1 =	rddreg [dreg:$0x1];
	p0 =	sne.s32 s2, $0x0  }
0xca: {  	s3 =	rddreg [dreg:$0x2];
	[bflag:$0x3] =	sbarrier.arrive $0xFFFF;
	s2 =	simm.s32 @!p0 $0x1C07  }
0xcb: {  	[timem:s3], [sflag:s2] =	dma.local @!p0 [hbm:s0], s1  }
0xcc: {  	s0 =	simm.s32 @!p0 $0x7  }
0xcd: {  	_ =	swait.ge @!p0 [sflag:s0], s1  }
0xce: {  	s1 =	ssub.s32 @!p0 $0x0, s1;
	[sflag:s0] =	ssyncset.done @!p0 $0x0  }
0xcf: {  	[sflag:s0] =	ssyncadd.s32 @!p0 s1  }
0xd0: {  	[bflag:$0x3] =	sbarrier.arrive $0xFFFF  }
0xd1: {  	_ =	shalt  }

</sc_bundles>
